<compile_context>
chip_gen: v7x
topology: tpu7x:2x2x1
jax: 0.10.2.dev20260603
libtpu: 0.0.44.dev20260713+nightly
codegen_flags: <defaults>
</compile_context>

<pallas_src>
import functools

import jax
import jax.numpy as jnp
from jax import lax
from jax.experimental import pallas as pl
from jax.experimental.pallas import tpu as pltpu
from jax.experimental.pallas import tpu_sc as plsc

N = 10000
E = 160000
D = 256
DH = 128
BM = 1000
NB = N // BM
CH = 128
EP = 163840
NCHP = EP // CH
CPT = NCHP // 16
IB = 40
NS = 16
NP = 10240
ROWS_PT = NP // NS
HB = 640

_mesh = plsc.VectorSubcoreMesh(core_axis_name="c", subcore_axis_name="s")



NBIN = HB * 16
SLAB = NBIN // NS


@functools.partial(
    pl.kernel,
    mesh=_mesh,
    out_type=jax.ShapeDtypeStruct((NBIN,), jnp.float32),
    compiler_params=pltpu.CompilerParams(needs_layout_passes=False),
    scratch_types=[
        pltpu.VMEM((NBIN,), jnp.float32),
        pltpu.VMEM((400,), jnp.int32),
        pltpu.VMEM((SLAB,), jnp.float32),
        pltpu.VMEM((SLAB,), jnp.float32),
        pltpu.VMEM_SHARED((NS, NBIN), jnp.float32),
    ],
)
def _deg_kernel(dst_hbm, out_hbm, hist, dstv, accv, tmpv, sh):
    c = lax.axis_index("c")
    s = lax.axis_index("s")

    @pl.when(c == 0)
    def _core0():
        def _z(i, carry):
            hist[pl.ds(i * 16, 16)] = jnp.zeros((16,), jnp.float32)
            return carry

        lax.fori_loop(0, NBIN // 16, _z, None)

        def _outer(k, carry):
            off = s * (E // NS) + k * 400
            pltpu.sync_copy(dst_hbm.at[pl.ds(off, 400)], dstv)

            def _inner(j, c2):
                d16 = dstv[pl.ds(j * 16, 16)]
                plsc.addupdate_scatter(hist, [d16],
                                       jnp.ones((16,), jnp.float32))
                return c2

            lax.fori_loop(0, 25, _inner, None)
            return carry

        lax.fori_loop(0, 25, _outer, None)
        pltpu.sync_copy(hist, sh.at[s])
        plsc.subcore_barrier()

        def _zacc(i, carry):
            accv[pl.ds(i * 16, 16)] = jnp.zeros((16,), jnp.float32)
            return carry

        lax.fori_loop(0, SLAB // 16, _zacc, None)

        def _merge(t, carry):
            pltpu.sync_copy(sh.at[t, pl.ds(s * SLAB, SLAB)], tmpv)

            def _addm(m, c2):
                sl = pl.ds(m * 16, 16)
                accv[sl] = accv[sl] + tmpv[sl]
                return c2

            lax.fori_loop(0, SLAB // 16, _addm, None)
            return carry

        lax.fori_loop(0, NS, _merge, None)
        pltpu.sync_copy(accv, out_hbm.at[pl.ds(s * SLAB, SLAB)])




def _agg_half(s, src_hbm, dst_hbm, h_ref, out_ref, src_a, dst_a, rows0,
              rows1, acc_sh, sem0, sem1):
    def _z(t, carry):
        rows0[t >> 3, pl.ds((t & 7) * 16, 16)] = jnp.zeros((16,),
                                                           jnp.float32)
        return carry

    lax.fori_loop(0, CH * (DH // 16), _z, None)
    base = s * ROWS_PT
    for kk in range(ROWS_PT // CH):
        pltpu.sync_copy(rows0, acc_sh.at[pl.ds(base + kk * CH, CH)])
    plsc.subcore_barrier()

    for p in range(CPT // IB):
        pltpu.sync_copy(src_hbm.at[pl.ds(s * CPT + p * IB, IB)], src_a)
        pltpu.sync_copy(dst_hbm.at[pl.ds(s * CPT + p * IB, IB)], dst_a)

        pltpu.async_copy(h_ref.at[src_a.at[0]], rows0, sem0)

        def _body(jj, carry):
            j0 = 2 * jj
            pltpu.make_async_copy(h_ref.at[src_a.at[j0]], rows0,
                                  sem0).wait()
            pltpu.async_copy(h_ref.at[src_a.at[j0 + 1]], rows1, sem1)
            pltpu.sync_copy(rows0, acc_sh.at[dst_a.at[j0]], add=True)
            pltpu.make_async_copy(h_ref.at[src_a.at[j0 + 1]], rows1,
                                  sem1).wait()

            @pl.when(jj < IB // 2 - 1)
            def _pref():
                pltpu.async_copy(h_ref.at[src_a.at[j0 + 2]], rows0, sem0)

            pltpu.sync_copy(rows1, acc_sh.at[dst_a.at[j0 + 1]],
                            add=True)
            return carry

        lax.fori_loop(0, IB // 2, _body, None)
    plsc.subcore_barrier()
    pltpu.sync_copy(acc_sh.at[pl.ds(base, ROWS_PT)],
                    out_ref.at[pl.ds(base, ROWS_PT)])


@functools.partial(
    pl.kernel,
    mesh=_mesh,
    out_type=(jax.ShapeDtypeStruct((NP, DH), jnp.float32),
              jax.ShapeDtypeStruct((NP, DH), jnp.float32)),
    compiler_params=pltpu.CompilerParams(needs_layout_passes=False),
    scratch_types=[
        pltpu.VMEM((IB, CH), jnp.int32),
        pltpu.VMEM((IB, CH), jnp.int32),
        pltpu.VMEM((CH, DH), jnp.float32),
        pltpu.VMEM((CH, DH), jnp.float32),
        pltpu.VMEM_SHARED((NP, DH), jnp.float32),
        pltpu.SemaphoreType.DMA,
        pltpu.SemaphoreType.DMA,
    ],
)
def _agg_kernel(h0_hbm, h1_hbm, src_hbm, dst_hbm, out0_hbm, out1_hbm,
                src_a, dst_a, rows0, rows1, acc_sh, sem0, sem1):
    c = lax.axis_index("c")
    s = lax.axis_index("s")

    @pl.when(c == 0)
    def _c0():
        _agg_half(s, src_hbm, dst_hbm, h0_hbm, out0_hbm, src_a, dst_a,
                  rows0, rows1, acc_sh, sem0, sem1)

    @pl.when(c == 1)
    def _c1():
        _agg_half(s, src_hbm, dst_hbm, h1_hbm, out1_hbm, src_a, dst_a,
                  rows0, rows1, acc_sh, sem0, sem1)




def _leaky(v):
    return jnp.maximum(v, 0.03 * v)


def _l1_body(x_ref, w_ref, cnt_ref, o0_ref, o1_ref):
    dinv = lax.rsqrt(cnt_ref[...] + 1.0)
    h = jnp.dot(x_ref[...], w_ref[...],
                preferred_element_type=jnp.float32) * dinv
    o0_ref[...] = h[:, :DH]
    o1_ref[...] = h[:, DH:]


_l1_call = pl.pallas_call(
    _l1_body,
    grid=(NB,),
    in_specs=[
        pl.BlockSpec((BM, D), lambda i: (i, 0)),
        pl.BlockSpec((D, D), lambda i: (0, 0)),
        pl.BlockSpec((BM, 1), lambda i: (i, 0)),
    ],
    out_specs=[
        pl.BlockSpec((BM, DH), lambda i: (i, 0)),
        pl.BlockSpec((BM, DH), lambda i: (i, 0)),
    ],
    out_shape=[jax.ShapeDtypeStruct((N, DH), jnp.float32)] * 2,
)


def _mid_body(a0_ref, a1_ref, h0_ref, h1_ref, cnt_ref, b_ref, w_ref,
              o0_ref, o1_ref):
    dinv = lax.rsqrt(cnt_ref[...] + 1.0)
    b = b_ref[...]
    y0 = _leaky(dinv * (a0_ref[...] + h0_ref[...]) + b[:, :DH])
    y1 = _leaky(dinv * (a1_ref[...] + h1_ref[...]) + b[:, DH:])
    y = jnp.concatenate([y0, y1], axis=1)
    h = jnp.dot(y, w_ref[...], preferred_element_type=jnp.float32) * dinv
    o0_ref[...] = h[:, :DH]
    o1_ref[...] = h[:, DH:]


_mid_call = pl.pallas_call(
    _mid_body,
    grid=(NB,),
    in_specs=[
        pl.BlockSpec((BM, DH), lambda i: (i, 0)),
        pl.BlockSpec((BM, DH), lambda i: (i, 0)),
        pl.BlockSpec((BM, DH), lambda i: (i, 0)),
        pl.BlockSpec((BM, DH), lambda i: (i, 0)),
        pl.BlockSpec((BM, 1), lambda i: (i, 0)),
        pl.BlockSpec((1, D), lambda i: (0, 0)),
        pl.BlockSpec((D, D), lambda i: (0, 0)),
    ],
    out_specs=[
        pl.BlockSpec((BM, DH), lambda i: (i, 0)),
        pl.BlockSpec((BM, DH), lambda i: (i, 0)),
    ],
    out_shape=[jax.ShapeDtypeStruct((N, DH), jnp.float32)] * 2,
)


def _fin_body(a0_ref, a1_ref, h0_ref, h1_ref, cnt_ref, b_ref, o_ref):
    dinv = lax.rsqrt(cnt_ref[...] + 1.0)
    b = b_ref[...]
    y0 = _leaky(dinv * (a0_ref[...] + h0_ref[...]) + b[:, :DH])
    y1 = _leaky(dinv * (a1_ref[...] + h1_ref[...]) + b[:, DH:])
    o_ref[...] = jnp.concatenate([y0, y1], axis=1)


_fin_call = pl.pallas_call(
    _fin_body,
    grid=(NB,),
    in_specs=[
        pl.BlockSpec((BM, DH), lambda i: (i, 0)),
        pl.BlockSpec((BM, DH), lambda i: (i, 0)),
        pl.BlockSpec((BM, DH), lambda i: (i, 0)),
        pl.BlockSpec((BM, DH), lambda i: (i, 0)),
        pl.BlockSpec((BM, 1), lambda i: (i, 0)),
        pl.BlockSpec((1, D), lambda i: (0, 0)),
    ],
    out_specs=pl.BlockSpec((BM, D), lambda i: (i, 0)),
    out_shape=jax.ShapeDtypeStruct((N, D), jnp.float32),
)


def kernel(x, edge_index, W1, b1, W2, b2):
    src = edge_index[0]
    dst = edge_index[1]
    src2 = jnp.concatenate(
        [src, jnp.zeros((EP - E,), jnp.int32)]).reshape(NCHP, CH)
    dst2 = jnp.concatenate(
        [dst, jnp.full((EP - E,), NP - 1, jnp.int32)]).reshape(NCHP, CH)
    cnt = _deg_kernel(dst)
    cnt_col = cnt[:N].reshape(N, 1)
    b1r = b1.reshape(1, D)
    b2r = b2.reshape(1, D)

    h0, h1 = _l1_call(x, W1, cnt_col)
    a0, a1 = _agg_kernel(h0, h1, src2, dst2)
    g0, g1 = _mid_call(a0, a1, h0, h1, cnt_col, b1r, W2)
    c0, c1 = _agg_kernel(g0, g1, src2, dst2)
    return _fin_call(c0, c1, g0, g1, cnt_col, b2r)

# --- scband reference (transcript-rebuilt; emitter-appended) ---
"""Pipeline reference for scband-gcn-15994458210469 (READ-ONLY COPY).

The authoritative reference and input builder live on the scoring server;
editing this copy changes nothing except your own understanding.
"""

import jax, jax.numpy as jnp
import numpy as np

N = 10000
E = 160000
D = 256


def _gcn_conv(x, src, dst, W, b, num_nodes):
    # x @ W (PyG GCNConv: linear transform first)
    h = x @ W
    # add self loops
    loop = jnp.arange(num_nodes, dtype=src.dtype)
    s = jnp.concatenate([src, loop])
    d = jnp.concatenate([dst, loop])
    # symmetric normalization D^-1/2 (A+I) D^-1/2, degree computed at target
    deg = jnp.zeros((num_nodes,), dtype=h.dtype).at[d].add(1.0)
    dinv = jnp.where(deg > 0, deg ** -0.5, 0.0)
    norm = dinv[s] * dinv[d]
    # gather messages from source nodes, scale, scatter-add to targets
    msg = h[s] * norm[:, None]
    out = jnp.zeros_like(h).at[d].add(msg)
    return out + b


def setup_inputs(seed: int = 0) -> dict:
    key = jax.random.key(seed)
    k1, k2, k3, k4 = jax.random.split(key, 4)
    x = jax.random.normal(k1, (N, D), dtype=jnp.float32)
    edge_index = jax.random.randint(k2, (2, E), 0, N, dtype=jnp.int32)
    # GCNConv layer params (glorot init, zero bias) per GCNneurons_per_layer=[256,256,256]
    lim = np.sqrt(6.0 / (D + D)).astype(np.float32)
    W1 = jax.random.uniform(k3, (D, D), dtype=jnp.float32, minval=-lim, maxval=lim)
    W2 = jax.random.uniform(k4, (D, D), dtype=jnp.float32, minval=-lim, maxval=lim)
    b1 = jnp.zeros((D,), dtype=jnp.float32)
    b2 = jnp.zeros((D,), dtype=jnp.float32)
    return {"x": x, "edge_index": edge_index, "W1": W1, "b1": b1, "W2": W2, "b2": b2}


def reference(x, edge_index, W1, b1, W2, b2):
    # GCN.forward with autoencoder=True: returns node embeddings after GCN stack
    src = edge_index[0]
    dst = edge_index[1]
    h = _gcn_conv(x, src, dst, W1, b1, N)
    h = jax.nn.leaky_relu(h, negative_slope=0.03)
    h = _gcn_conv(h, src, dst, W2, b2, N)
    h = jax.nn.leaky_relu(h, negative_slope=0.03)
    return h

if __name__ == "__main__":
    import jax
    _d = setup_inputs()
    print(jax.jit(kernel)(*tuple(_d.values())))

</pallas_src>

<mosaic_0001>
#map = affine_map<(d0, d1) -> (0)>
module attributes {stable_mosaic.version = 14 : i64} {
  func.func @_deg_kernel(%arg0: i32, %arg1: i32, %arg2: memref<160000xi32, #tpu.memory_space<hbm>>, %arg3: memref<10240xf32, #tpu.memory_space<hbm>>, %arg4: memref<10240xf32, #tpu.memory_space<vmem>>, %arg5: memref<400xi32, #tpu.memory_space<vmem>>, %arg6: memref<640xf32, #tpu.memory_space<vmem>>, %arg7: memref<640xf32, #tpu.memory_space<vmem>>, %arg8: memref<16x10240xf32, #tpu.memory_space<vmem_shared>>) attributes {dimension_semantics = [#tpu.dimension_semantics<core_parallel>, #tpu.dimension_semantics<subcore_parallel>], iteration_bounds = array<i64: 2, 16>, scalar_prefetch = 0 : i64, scratch_operands = 5 : i64, tpu.core_type = #tpu.core_type<sc_vector_subcore>, window_params = [{transform_indices = #map}, {transform_indices = #map}]} {
    %eq3A = arith.constant 0 : i32
    %eq3A_0 = arith.cmpi eq, %arg0, %eq3A : i32
    %convert_element_type3A = arith.extui %eq3A_0 : i1 to i32
    %cond3A = arith.constant 0 : i32
    %cond3A_1 = arith.cmpi ne, %convert_element_type3A, %cond3A : i32
    scf.if %cond3A_1 {
      %scan3A = arith.constant 0 : i32
      %scan3A_2 = arith.constant 640 : i32
      %scan3A_3 = arith.addi %scan3A, %scan3A_2 : i32
      %scan3A_4 = arith.constant 1 : i32
      scf.for %scan3A_22 = %scan3A to %scan3A_3 step %scan3A_4  : i32 {
        %broadcast_in_dim3A = arith.constant 0.000000e+00 : f32
        %broadcast_in_dim3A_23 = vector.broadcast %broadcast_in_dim3A : f32 to vector<16xf32>
        %mul3A_24 = arith.constant 16 : i32
        %mul3A_25 = arith.muli %scan3A_22, %mul3A_24 : i32
        %swap3A = arith.index_cast %mul3A_25 : i32 to index
        %swap3A_26 = tpu.vector_load %arg4[%swap3A] {strides = array<i32>} : memref<10240xf32, #tpu.memory_space<vmem>>, vector<16xf32>,
        tpu.vector_store %arg4[%swap3A], %broadcast_in_dim3A_23 {strides = array<i32>} : memref<10240xf32, #tpu.memory_space<vmem>>, vector<16xf32>,
      }
      %scan3A_5 = arith.constant 640 : i32
      %scan3A_6 = arith.constant 0 : i32
      %scan3A_7 = arith.constant 25 : i32
      %scan3A_8 = arith.addi %scan3A_6, %scan3A_7 : i32
      %scan3A_9 = arith.constant 1 : i32
      scf.for %scan3A_22 = %scan3A_6 to %scan3A_8 step %scan3A_9  : i32 {
        %mul3A_23 = arith.constant 10000 : i32
        %mul3A_24 = arith.muli %arg1, %mul3A_23 : i32
        %mul3A_25 = arith.constant 400 : i32
        %mul3A_26 = arith.muli %scan3A_22, %mul3A_25 : i32
        %add3A = arith.addi %mul3A_24, %mul3A_26 : i32
        "tpu.region"() ({
          %run_scoped3A = tpu.sem_alloc : memref<!tpu.dma_semaphore, #tpu.memory_space<semaphore_mem>>
          %dma_start3A = tpu.memref_slice %arg2[%add3A] : memref<160000xi32, #tpu.memory_space<hbm>> -> memref<400xi32, #tpu.memory_space<hbm>>
          %dma_start3A_32 = tpu.memref_slice %arg2[%add3A] : memref<160000xi32, #tpu.memory_space<hbm>> -> memref<400xi32, #tpu.memory_space<hbm>>
          tpu.enqueue_dma source(%dma_start3A_32 : memref<400xi32, #tpu.memory_space<hbm>>) target(%arg5 : memref<400xi32, #tpu.memory_space<vmem>>) target_semaphore(%run_scoped3A : memref<!tpu.dma_semaphore, #tpu.memory_space<semaphore_mem>>)
          %dma_wait3A = tpu.memref_slice %arg2[%add3A] : memref<160000xi32, #tpu.memory_space<hbm>> -> memref<400xi32, #tpu.memory_space<hbm>>
          %dma_wait3A_33 = tpu.memref_slice %arg2[%add3A] : memref<160000xi32, #tpu.memory_space<hbm>> -> memref<400xi32, #tpu.memory_space<hbm>>
          tpu.wait_dma2 semaphore(%run_scoped3A : memref<!tpu.dma_semaphore, #tpu.memory_space<semaphore_mem>>) src(%dma_wait3A_33 : memref<400xi32, #tpu.memory_space<hbm>>) dst(%arg5 : memref<400xi32, #tpu.memory_space<vmem>>)
          tpu.yield
        }) : () -> ()
        %scan3A_27 = arith.constant 0 : i32
        %scan3A_28 = arith.constant 25 : i32
        %scan3A_29 = arith.addi %scan3A_27, %scan3A_28 : i32
        %scan3A_30 = arith.constant 1 : i32
        scf.for %scan3A_32 = %scan3A_27 to %scan3A_29 step %scan3A_30  : i32 {
          %mul3A_33 = arith.constant 16 : i32
          %mul3A_34 = arith.muli %scan3A_32, %mul3A_33 : i32
          %get3A = arith.index_cast %mul3A_34 : i32 to index
          %get3A_35 = tpu.vector_load %arg5[%get3A] {strides = array<i32>} : memref<400xi32, #tpu.memory_space<vmem>>, vector<16xi32>,
          %broadcast_in_dim3A = arith.constant 1.000000e+00 : f32
          %broadcast_in_dim3A_36 = vector.broadcast %broadcast_in_dim3A : f32 to vector<16xf32>
          tpu.vector_store_idx %arg4[%get3A_35], %broadcast_in_dim3A_36 {add = true} : memref<10240xf32, #tpu.memory_space<vmem>>[vector<16xi32>], vector<16xf32>,
        }
        %scan3A_31 = arith.constant 25 : i32
      }
      %scan3A_10 = arith.constant 25 : i32
      "tpu.region"() ({
        %run_scoped3A = tpu.sem_alloc : memref<!tpu.dma_semaphore, #tpu.memory_space<semaphore_mem>>
        %dma_start3A = arith.constant 0 : i32
        %dma_start3A_22 = tpu.memref_slice %arg8[%arg1, %dma_start3A] : memref<16x10240xf32, #tpu.memory_space<vmem_shared>> -> memref<1x10240xf32, #tpu.memory_space<vmem_shared>>
        %dma_start3A_23 = tpu.memref_squeeze %dma_start3A_22 : memref<1x10240xf32, #tpu.memory_space<vmem_shared>> -> memref<10240xf32, #tpu.memory_space<vmem_shared>>
        %dma_start3A_24 = arith.constant 0 : i32
        %dma_start3A_25 = tpu.memref_slice %arg8[%arg1, %dma_start3A_24] : memref<16x10240xf32, #tpu.memory_space<vmem_shared>> -> memref<1x10240xf32, #tpu.memory_space<vmem_shared>>
        %dma_start3A_26 = tpu.memref_squeeze %dma_start3A_25 : memref<1x10240xf32, #tpu.memory_space<vmem_shared>> -> memref<10240xf32, #tpu.memory_space<vmem_shared>>
        tpu.enqueue_dma source(%arg4 : memref<10240xf32, #tpu.memory_space<vmem>>) target(%dma_start3A_26 : memref<10240xf32, #tpu.memory_space<vmem_shared>>) target_semaphore(%run_scoped3A : memref<!tpu.dma_semaphore, #tpu.memory_space<semaphore_mem>>)
        %dma_wait3A = arith.constant 0 : i32
        %dma_wait3A_27 = tpu.memref_slice %arg8[%arg1, %dma_wait3A] : memref<16x10240xf32, #tpu.memory_space<vmem_shared>> -> memref<1x10240xf32, #tpu.memory_space<vmem_shared>>
        %dma_wait3A_28 = tpu.memref_squeeze %dma_wait3A_27 : memref<1x10240xf32, #tpu.memory_space<vmem_shared>> -> memref<10240xf32, #tpu.memory_space<vmem_shared>>
        %dma_wait3A_29 = arith.constant 0 : i32
        %dma_wait3A_30 = tpu.memref_slice %arg8[%arg1, %dma_wait3A_29] : memref<16x10240xf32, #tpu.memory_space<vmem_shared>> -> memref<1x10240xf32, #tpu.memory_space<vmem_shared>>
        %dma_wait3A_31 = tpu.memref_squeeze %dma_wait3A_30 : memref<1x10240xf32, #tpu.memory_space<vmem_shared>> -> memref<10240xf32, #tpu.memory_space<vmem_shared>>
        tpu.wait_dma2 semaphore(%run_scoped3A : memref<!tpu.dma_semaphore, #tpu.memory_space<semaphore_mem>>) src(%arg4 : memref<10240xf32, #tpu.memory_space<vmem>>) dst(%dma_wait3A_31 : memref<10240xf32, #tpu.memory_space<vmem_shared>>)
        tpu.yield
      }) : () -> ()
      %barrier3A = arith.constant 0 : index
      tpu.barrier barrier_id(%barrier3A)
      %scan3A_11 = arith.constant 0 : i32
      %scan3A_12 = arith.constant 40 : i32
      %scan3A_13 = arith.addi %scan3A_11, %scan3A_12 : i32
      %scan3A_14 = arith.constant 1 : i32
      scf.for %scan3A_22 = %scan3A_11 to %scan3A_13 step %scan3A_14  : i32 {
        %broadcast_in_dim3A = arith.constant 0.000000e+00 : f32
        %broadcast_in_dim3A_23 = vector.broadcast %broadcast_in_dim3A : f32 to vector<16xf32>
        %mul3A_24 = arith.constant 16 : i32
        %mul3A_25 = arith.muli %scan3A_22, %mul3A_24 : i32
        %swap3A = arith.index_cast %mul3A_25 : i32 to index
        %swap3A_26 = tpu.vector_load %arg6[%swap3A] {strides = array<i32>} : memref<640xf32, #tpu.memory_space<vmem>>, vector<16xf32>,
        tpu.vector_store %arg6[%swap3A], %broadcast_in_dim3A_23 {strides = array<i32>} : memref<640xf32, #tpu.memory_space<vmem>>, vector<16xf32>,
      }
      %scan3A_15 = arith.constant 40 : i32
      %scan3A_16 = arith.constant 0 : i32
      %scan3A_17 = arith.constant 16 : i32
      %scan3A_18 = arith.addi %scan3A_16, %scan3A_17 : i32
      %scan3A_19 = arith.constant 1 : i32
      scf.for %scan3A_22 = %scan3A_16 to %scan3A_18 step %scan3A_19  : i32 {
        %mul3A_23 = arith.constant 640 : i32
        %mul3A_24 = arith.muli %arg1, %mul3A_23 : i32
        "tpu.region"() ({
          %run_scoped3A = tpu.sem_alloc : memref<!tpu.dma_semaphore, #tpu.memory_space<semaphore_mem>>
          %dma_start3A = tpu.memref_slice %arg8[%scan3A_22, %mul3A_24] : memref<16x10240xf32, #tpu.memory_space<vmem_shared>> -> memref<1x640xf32, #tpu.memory_space<vmem_shared>>
          %dma_start3A_30 = tpu.memref_squeeze %dma_start3A : memref<1x640xf32, #tpu.memory_space<vmem_shared>> -> memref<640xf32, #tpu.memory_space<vmem_shared>>
          %dma_start3A_31 = tpu.memref_slice %arg8[%scan3A_22, %mul3A_24] : memref<16x10240xf32, #tpu.memory_space<vmem_shared>> -> memref<1x640xf32, #tpu.memory_space<vmem_shared>>
          %dma_start3A_32 = tpu.memref_squeeze %dma_start3A_31 : memref<1x640xf32, #tpu.memory_space<vmem_shared>> -> memref<640xf32, #tpu.memory_space<vmem_shared>>
          tpu.enqueue_dma source(%dma_start3A_32 : memref<640xf32, #tpu.memory_space<vmem_shared>>) target(%arg7 : memref<640xf32, #tpu.memory_space<vmem>>) target_semaphore(%run_scoped3A : memref<!tpu.dma_semaphore, #tpu.memory_space<semaphore_mem>>)
          %dma_wait3A = tpu.memref_slice %arg8[%scan3A_22, %mul3A_24] : memref<16x10240xf32, #tpu.memory_space<vmem_shared>> -> memref<1x640xf32, #tpu.memory_space<vmem_shared>>
          %dma_wait3A_33 = tpu.memref_squeeze %dma_wait3A : memref<1x640xf32, #tpu.memory_space<vmem_shared>> -> memref<640xf32, #tpu.memory_space<vmem_shared>>
          %dma_wait3A_34 = tpu.memref_slice %arg8[%scan3A_22, %mul3A_24] : memref<16x10240xf32, #tpu.memory_space<vmem_shared>> -> memref<1x640xf32, #tpu.memory_space<vmem_shared>>
          %dma_wait3A_35 = tpu.memref_squeeze %dma_wait3A_34 : memref<1x640xf32, #tpu.memory_space<vmem_shared>> -> memref<640xf32, #tpu.memory_space<vmem_shared>>
          tpu.wait_dma2 semaphore(%run_scoped3A : memref<!tpu.dma_semaphore, #tpu.memory_space<semaphore_mem>>) src(%dma_wait3A_35 : memref<640xf32, #tpu.memory_space<vmem_shared>>) dst(%arg7 : memref<640xf32, #tpu.memory_space<vmem>>)
          tpu.yield
        }) : () -> ()
        %scan3A_25 = arith.constant 0 : i32
        %scan3A_26 = arith.constant 40 : i32
        %scan3A_27 = arith.addi %scan3A_25, %scan3A_26 : i32
        %scan3A_28 = arith.constant 1 : i32
        scf.for %scan3A_30 = %scan3A_25 to %scan3A_27 step %scan3A_28  : i32 {
          %mul3A_31 = arith.constant 16 : i32
          %mul3A_32 = arith.muli %scan3A_30, %mul3A_31 : i32
          %get3A = arith.index_cast %mul3A_32 : i32 to index
          %get3A_33 = tpu.vector_load %arg6[%get3A] {strides = array<i32>} : memref<640xf32, #tpu.memory_space<vmem>>, vector<16xf32>,
          %get3A_34 = arith.index_cast %mul3A_32 : i32 to index
          %get3A_35 = tpu.vector_load %arg7[%get3A_34] {strides = array<i32>} : memref<640xf32, #tpu.memory_space<vmem>>, vector<16xf32>,
          %add3A = arith.addf %get3A_33, %get3A_35 : vector<16xf32>
          %swap3A = arith.index_cast %mul3A_32 : i32 to index
          %swap3A_36 = tpu.vector_load %arg6[%swap3A] {strides = array<i32>} : memref<640xf32, #tpu.memory_space<vmem>>, vector<16xf32>,
          tpu.vector_store %arg6[%swap3A], %add3A {strides = array<i32>} : memref<640xf32, #tpu.memory_space<vmem>>, vector<16xf32>,
        }
        %scan3A_29 = arith.constant 40 : i32
      }
      %scan3A_20 = arith.constant 16 : i32
      %mul3A = arith.constant 640 : i32
      %mul3A_21 = arith.muli %arg1, %mul3A : i32
      "tpu.region"() ({
        %run_scoped3A = tpu.sem_alloc : memref<!tpu.dma_semaphore, #tpu.memory_space<semaphore_mem>>
        %dma_start3A = tpu.memref_slice %arg3[%mul3A_21] : memref<10240xf32, #tpu.memory_space<hbm>> -> memref<640xf32, #tpu.memory_space<hbm>>
        %dma_start3A_22 = tpu.memref_slice %arg3[%mul3A_21] : memref<10240xf32, #tpu.memory_space<hbm>> -> memref<640xf32, #tpu.memory_space<hbm>>
        tpu.enqueue_dma source(%arg6 : memref<640xf32, #tpu.memory_space<vmem>>) target(%dma_start3A_22 : memref<640xf32, #tpu.memory_space<hbm>>) target_semaphore(%run_scoped3A : memref<!tpu.dma_semaphore, #tpu.memory_space<semaphore_mem>>)
        %dma_wait3A = tpu.memref_slice %arg3[%mul3A_21] : memref<10240xf32, #tpu.memory_space<hbm>> -> memref<640xf32, #tpu.memory_space<hbm>>
        %dma_wait3A_23 = tpu.memref_slice %arg3[%mul3A_21] : memref<10240xf32, #tpu.memory_space<hbm>> -> memref<640xf32, #tpu.memory_space<hbm>>
        tpu.wait_dma2 semaphore(%run_scoped3A : memref<!tpu.dma_semaphore, #tpu.memory_space<semaphore_mem>>) src(%arg6 : memref<640xf32, #tpu.memory_space<vmem>>) dst(%dma_wait3A_23 : memref<640xf32, #tpu.memory_space<hbm>>)
        tpu.yield
      }) : () -> ()
    } else {
    }
    return
  }
}

#map = affine_map<(d0, d1) -> (0, 0)>
module attributes {stable_mosaic.version = 14 : i64} {
  func.func @_agg_kernel(%arg0: i32, %arg1: i32, %arg2: memref<10000x128xf32, #tpu.memory_space<hbm>>, %arg3: memref<10000x128xf32, #tpu.memory_space<hbm>>, %arg4: memref<1280x128xi32, #tpu.memory_space<hbm>>, %arg5: memref<1280x128xi32, #tpu.memory_space<hbm>>, %arg6: memref<10240x128xf32, #tpu.memory_space<hbm>>, %arg7: memref<10240x128xf32, #tpu.memory_space<hbm>>, %arg8: memref<40x128xi32, #tpu.memory_space<vmem>>, %arg9: memref<40x128xi32, #tpu.memory_space<vmem>>, %arg10: memref<128x128xf32, #tpu.memory_space<vmem>>, %arg11: memref<128x128xf32, #tpu.memory_space<vmem>>, %arg12: memref<10240x128xf32, #tpu.memory_space<vmem_shared>>, %arg13: memref<!tpu.dma_semaphore, #tpu.memory_space<semaphore_mem>>, %arg14: memref<!tpu.dma_semaphore, #tpu.memory_space<semaphore_mem>>) attributes {dimension_semantics = [#tpu.dimension_semantics<core_parallel>, #tpu.dimension_semantics<subcore_parallel>], iteration_bounds = array<i64: 2, 16>, scalar_prefetch = 0 : i64, scratch_operands = 7 : i64, tpu.core_type = #tpu.core_type<sc_vector_subcore>, window_params = [{transform_indices = #map}, {transform_indices = #map}, {transform_indices = #map}, {transform_indices = #map}, {transform_indices = #map}, {transform_indices = #map}]} {
    %eq3A = arith.constant 0 : i32
    %eq3A_0 = arith.cmpi eq, %arg0, %eq3A : i32
    %convert_element_type3A = arith.extui %eq3A_0 : i1 to i32
    %cond3A = arith.constant 0 : i32
    %cond3A_1 = arith.cmpi ne, %convert_element_type3A, %cond3A : i32
    scf.if %cond3A_1 {
      %scan3A = arith.constant 0 : i32
      %scan3A_7 = arith.constant 1024 : i32
      %scan3A_8 = arith.addi %scan3A, %scan3A_7 : i32
      %scan3A_9 = arith.constant 1 : i32
      scf.for %scan3A_61 = %scan3A to %scan3A_8 step %scan3A_9  : i32 {
        %broadcast_in_dim3A = arith.constant 0.000000e+00 : f32
        %broadcast_in_dim3A_62 = vector.broadcast %broadcast_in_dim3A : f32 to vector<16xf32>
        %shift_right_arithmetic3A = arith.constant 3 : i32
        %shift_right_arithmetic3A_63 = arith.shrsi %scan3A_61, %shift_right_arithmetic3A : i32
        %and3A = arith.constant 7 : i32
        %and3A_64 = arith.andi %scan3A_61, %and3A : i32
        %mul3A_65 = arith.constant 16 : i32
        %mul3A_66 = arith.muli %and3A_64, %mul3A_65 : i32
        %swap3A = arith.index_cast %shift_right_arithmetic3A_63 : i32 to index
        %swap3A_67 = arith.index_cast %mul3A_66 : i32 to index
        %swap3A_68 = tpu.vector_load %arg10[%swap3A, %swap3A_67] {strides = array<i32>} : memref<128x128xf32, #tpu.memory_space<vmem>>, vector<16xf32>,
        tpu.vector_store %arg10[%swap3A, %swap3A_67], %broadcast_in_dim3A_62 {strides = array<i32>} : memref<128x128xf32, #tpu.memory_space<vmem>>, vector<16xf32>,
      }
      %scan3A_10 = arith.constant 1024 : i32
      %mul3A = arith.constant 640 : i32
      %mul3A_11 = arith.muli %arg1, %mul3A : i32
      %add3A = arith.constant 0 : i32
      %add3A_12 = arith.addi %mul3A_11, %add3A : i32
      "tpu.region"() ({
        %run_scoped3A = tpu.sem_alloc : memref<!tpu.dma_semaphore, #tpu.memory_space<semaphore_mem>>
        %dma_start3A_61 = arith.constant 0 : i32
        %dma_start3A_62 = tpu.memref_slice %arg12[%add3A_12, %dma_start3A_61] : memref<10240x128xf32, #tpu.memory_space<vmem_shared>> -> memref<128x128xf32, #tpu.memory_space<vmem_shared>>
        %dma_start3A_63 = arith.constant 0 : i32
        %dma_start3A_64 = tpu.memref_slice %arg12[%add3A_12, %dma_start3A_63] : memref<10240x128xf32, #tpu.memory_space<vmem_shared>> -> memref<128x128xf32, #tpu.memory_space<vmem_shared>>
        tpu.enqueue_dma source(%arg10 : memref<128x128xf32, #tpu.memory_space<vmem>>) target(%dma_start3A_64 : memref<128x128xf32, #tpu.memory_space<vmem_shared>>) target_semaphore(%run_scoped3A : memref<!tpu.dma_semaphore, #tpu.memory_space<semaphore_mem>>)
        %dma_wait3A = arith.constant 0 : i32
        %dma_wait3A_65 = tpu.memref_slice %arg12[%add3A_12, %dma_wait3A] : memref<10240x128xf32, #tpu.memory_space<vmem_shared>> -> memref<128x128xf32, #tpu.memory_space<vmem_shared>>
        %dma_wait3A_66 = arith.constant 0 : i32
        %dma_wait3A_67 = tpu.memref_slice %arg12[%add3A_12, %dma_wait3A_66] : memref<10240x128xf32, #tpu.memory_space<vmem_shared>> -> memref<128x128xf32, #tpu.memory_space<vmem_shared>>
        tpu.wait_dma2 semaphore(%run_scoped3A : memref<!tpu.dma_semaphore, #tpu.memory_space<semaphore_mem>>) src(%arg10 : memref<128x128xf32, #tpu.memory_space<vmem>>) dst(%dma_wait3A_67 : memref<128x128xf32, #tpu.memory_space<vmem_shared>>)
        tpu.yield
      }) : () -> ()
      %add3A_13 = arith.constant 128 : i32
      %add3A_14 = arith.addi %mul3A_11, %add3A_13 : i32
      "tpu.region"() ({
        %run_scoped3A = tpu.sem_alloc : memref<!tpu.dma_semaphore, #tpu.memory_space<semaphore_mem>>
        %dma_start3A_61 = arith.constant 0 : i32
        %dma_start3A_62 = tpu.memref_slice %arg12[%add3A_14, %dma_start3A_61] : memref<10240x128xf32, #tpu.memory_space<vmem_shared>> -> memref<128x128xf32, #tpu.memory_space<vmem_shared>>
        %dma_start3A_63 = arith.constant 0 : i32
        %dma_start3A_64 = tpu.memref_slice %arg12[%add3A_14, %dma_start3A_63] : memref<10240x128xf32, #tpu.memory_space<vmem_shared>> -> memref<128x128xf32, #tpu.memory_space<vmem_shared>>
        tpu.enqueue_dma source(%arg10 : memref<128x128xf32, #tpu.memory_space<vmem>>) target(%dma_start3A_64 : memref<128x128xf32, #tpu.memory_space<vmem_shared>>) target_semaphore(%run_scoped3A : memref<!tpu.dma_semaphore, #tpu.memory_space<semaphore_mem>>)
        %dma_wait3A = arith.constant 0 : i32
        %dma_wait3A_65 = tpu.memref_slice %arg12[%add3A_14, %dma_wait3A] : memref<10240x128xf32, #tpu.memory_space<vmem_shared>> -> memref<128x128xf32, #tpu.memory_space<vmem_shared>>
        %dma_wait3A_66 = arith.constant 0 : i32
        %dma_wait3A_67 = tpu.memref_slice %arg12[%add3A_14, %dma_wait3A_66] : memref<10240x128xf32, #tpu.memory_space<vmem_shared>> -> memref<128x128xf32, #tpu.memory_space<vmem_shared>>
        tpu.wait_dma2 semaphore(%run_scoped3A : memref<!tpu.dma_semaphore, #tpu.memory_space<semaphore_mem>>) src(%arg10 : memref<128x128xf32, #tpu.memory_space<vmem>>) dst(%dma_wait3A_67 : memref<128x128xf32, #tpu.memory_space<vmem_shared>>)
        tpu.yield
      }) : () -> ()
      %add3A_15 = arith.constant 256 : i32
      %add3A_16 = arith.addi %mul3A_11, %add3A_15 : i32
      "tpu.region"() ({
        %run_scoped3A = tpu.sem_alloc : memref<!tpu.dma_semaphore, #tpu.memory_space<semaphore_mem>>
        %dma_start3A_61 = arith.constant 0 : i32
        %dma_start3A_62 = tpu.memref_slice %arg12[%add3A_16, %dma_start3A_61] : memref<10240x128xf32, #tpu.memory_space<vmem_shared>> -> memref<128x128xf32, #tpu.memory_space<vmem_shared>>
        %dma_start3A_63 = arith.constant 0 : i32
        %dma_start3A_64 = tpu.memref_slice %arg12[%add3A_16, %dma_start3A_63] : memref<10240x128xf32, #tpu.memory_space<vmem_shared>> -> memref<128x128xf32, #tpu.memory_space<vmem_shared>>
        tpu.enqueue_dma source(%arg10 : memref<128x128xf32, #tpu.memory_space<vmem>>) target(%dma_start3A_64 : memref<128x128xf32, #tpu.memory_space<vmem_shared>>) target_semaphore(%run_scoped3A : memref<!tpu.dma_semaphore, #tpu.memory_space<semaphore_mem>>)
        %dma_wait3A = arith.constant 0 : i32
        %dma_wait3A_65 = tpu.memref_slice %arg12[%add3A_16, %dma_wait3A] : memref<10240x128xf32, #tpu.memory_space<vmem_shared>> -> memref<128x128xf32, #tpu.memory_space<vmem_shared>>
        %dma_wait3A_66 = arith.constant 0 : i32
        %dma_wait3A_67 = tpu.memref_slice %arg12[%add3A_16, %dma_wait3A_66] : memref<10240x128xf32, #tpu.memory_space<vmem_shared>> -> memref<128x128xf32, #tpu.memory_space<vmem_shared>>
        tpu.wait_dma2 semaphore(%run_scoped3A : memref<!tpu.dma_semaphore, #tpu.memory_space<semaphore_mem>>) src(%arg10 : memref<128x128xf32, #tpu.memory_space<vmem>>) dst(%dma_wait3A_67 : memref<128x128xf32, #tpu.memory_space<vmem_shared>>)
        tpu.yield
      }) : () -> ()
      %add3A_17 = arith.constant 384 : i32
      %add3A_18 = arith.addi %mul3A_11, %add3A_17 : i32
      "tpu.region"() ({
        %run_scoped3A = tpu.sem_alloc : memref<!tpu.dma_semaphore, #tpu.memory_space<semaphore_mem>>
        %dma_start3A_61 = arith.constant 0 : i32
        %dma_start3A_62 = tpu.memref_slice %arg12[%add3A_18, %dma_start3A_61] : memref<10240x128xf32, #tpu.memory_space<vmem_shared>> -> memref<128x128xf32, #tpu.memory_space<vmem_shared>>
        %dma_start3A_63 = arith.constant 0 : i32
        %dma_start3A_64 = tpu.memref_slice %arg12[%add3A_18, %dma_start3A_63] : memref<10240x128xf32, #tpu.memory_space<vmem_shared>> -> memref<128x128xf32, #tpu.memory_space<vmem_shared>>
        tpu.enqueue_dma source(%arg10 : memref<128x128xf32, #tpu.memory_space<vmem>>) target(%dma_start3A_64 : memref<128x128xf32, #tpu.memory_space<vmem_shared>>) target_semaphore(%run_scoped3A : memref<!tpu.dma_semaphore, #tpu.memory_space<semaphore_mem>>)
        %dma_wait3A = arith.constant 0 : i32
        %dma_wait3A_65 = tpu.memref_slice %arg12[%add3A_18, %dma_wait3A] : memref<10240x128xf32, #tpu.memory_space<vmem_shared>> -> memref<128x128xf32, #tpu.memory_space<vmem_shared>>
        %dma_wait3A_66 = arith.constant 0 : i32
        %dma_wait3A_67 = tpu.memref_slice %arg12[%add3A_18, %dma_wait3A_66] : memref<10240x128xf32, #tpu.memory_space<vmem_shared>> -> memref<128x128xf32, #tpu.memory_space<vmem_shared>>
        tpu.wait_dma2 semaphore(%run_scoped3A : memref<!tpu.dma_semaphore, #tpu.memory_space<semaphore_mem>>) src(%arg10 : memref<128x128xf32, #tpu.memory_space<vmem>>) dst(%dma_wait3A_67 : memref<128x128xf32, #tpu.memory_space<vmem_shared>>)
        tpu.yield
      }) : () -> ()
      %add3A_19 = arith.constant 512 : i32
      %add3A_20 = arith.addi %mul3A_11, %add3A_19 : i32
      "tpu.region"() ({
        %run_scoped3A = tpu.sem_alloc : memref<!tpu.dma_semaphore, #tpu.memory_space<semaphore_mem>>
        %dma_start3A_61 = arith.constant 0 : i32
        %dma_start3A_62 = tpu.memref_slice %arg12[%add3A_20, %dma_start3A_61] : memref<10240x128xf32, #tpu.memory_space<vmem_shared>> -> memref<128x128xf32, #tpu.memory_space<vmem_shared>>
        %dma_start3A_63 = arith.constant 0 : i32
        %dma_start3A_64 = tpu.memref_slice %arg12[%add3A_20, %dma_start3A_63] : memref<10240x128xf32, #tpu.memory_space<vmem_shared>> -> memref<128x128xf32, #tpu.memory_space<vmem_shared>>
        tpu.enqueue_dma source(%arg10 : memref<128x128xf32, #tpu.memory_space<vmem>>) target(%dma_start3A_64 : memref<128x128xf32, #tpu.memory_space<vmem_shared>>) target_semaphore(%run_scoped3A : memref<!tpu.dma_semaphore, #tpu.memory_space<semaphore_mem>>)
        %dma_wait3A = arith.constant 0 : i32
        %dma_wait3A_65 = tpu.memref_slice %arg12[%add3A_20, %dma_wait3A] : memref<10240x128xf32, #tpu.memory_space<vmem_shared>> -> memref<128x128xf32, #tpu.memory_space<vmem_shared>>
        %dma_wait3A_66 = arith.constant 0 : i32
        %dma_wait3A_67 = tpu.memref_slice %arg12[%add3A_20, %dma_wait3A_66] : memref<10240x128xf32, #tpu.memory_space<vmem_shared>> -> memref<128x128xf32, #tpu.memory_space<vmem_shared>>
        tpu.wait_dma2 semaphore(%run_scoped3A : memref<!tpu.dma_semaphore, #tpu.memory_space<semaphore_mem>>) src(%arg10 : memref<128x128xf32, #tpu.memory_space<vmem>>) dst(%dma_wait3A_67 : memref<128x128xf32, #tpu.memory_space<vmem_shared>>)
        tpu.yield
      }) : () -> ()
      %barrier3A = arith.constant 0 : index
      tpu.barrier barrier_id(%barrier3A)
      %mul3A_21 = arith.constant 80 : i32
      %mul3A_22 = arith.muli %arg1, %mul3A_21 : i32
      %add3A_23 = arith.constant 0 : i32
      %add3A_24 = arith.addi %mul3A_22, %add3A_23 : i32
      "tpu.region"() ({
        %run_scoped3A = tpu.sem_alloc : memref<!tpu.dma_semaphore, #tpu.memory_space<semaphore_mem>>
        %dma_start3A_61 = arith.constant 0 : i32
        %dma_start3A_62 = tpu.memref_slice %arg4[%add3A_24, %dma_start3A_61] : memref<1280x128xi32, #tpu.memory_space<hbm>> -> memref<40x128xi32, #tpu.memory_space<hbm>>
        %dma_start3A_63 = arith.constant 0 : i32
        %dma_start3A_64 = tpu.memref_slice %arg4[%add3A_24, %dma_start3A_63] : memref<1280x128xi32, #tpu.memory_space<hbm>> -> memref<40x128xi32, #tpu.memory_space<hbm>>
        tpu.enqueue_dma source(%dma_start3A_64 : memref<40x128xi32, #tpu.memory_space<hbm>>) target(%arg8 : memref<40x128xi32, #tpu.memory_space<vmem>>) target_semaphore(%run_scoped3A : memref<!tpu.dma_semaphore, #tpu.memory_space<semaphore_mem>>)
        %dma_wait3A = arith.constant 0 : i32
        %dma_wait3A_65 = tpu.memref_slice %arg4[%add3A_24, %dma_wait3A] : memref<1280x128xi32, #tpu.memory_space<hbm>> -> memref<40x128xi32, #tpu.memory_space<hbm>>
        %dma_wait3A_66 = arith.constant 0 : i32
        %dma_wait3A_67 = tpu.memref_slice %arg4[%add3A_24, %dma_wait3A_66] : memref<1280x128xi32, #tpu.memory_space<hbm>> -> memref<40x128xi32, #tpu.memory_space<hbm>>
        tpu.wait_dma2 semaphore(%run_scoped3A : memref<!tpu.dma_semaphore, #tpu.memory_space<semaphore_mem>>) src(%dma_wait3A_67 : memref<40x128xi32, #tpu.memory_space<hbm>>) dst(%arg8 : memref<40x128xi32, #tpu.memory_space<vmem>>)
        tpu.yield
      }) : () -> ()
      %mul3A_25 = arith.constant 80 : i32
      %mul3A_26 = arith.muli %arg1, %mul3A_25 : i32
      %add3A_27 = arith.constant 0 : i32
      %add3A_28 = arith.addi %mul3A_26, %add3A_27 : i32
      "tpu.region"() ({
        %run_scoped3A = tpu.sem_alloc : memref<!tpu.dma_semaphore, #tpu.memory_space<semaphore_mem>>
        %dma_start3A_61 = arith.constant 0 : i32
        %dma_start3A_62 = tpu.memref_slice %arg5[%add3A_28, %dma_start3A_61] : memref<1280x128xi32, #tpu.memory_space<hbm>> -> memref<40x128xi32, #tpu.memory_space<hbm>>
        %dma_start3A_63 = arith.constant 0 : i32
        %dma_start3A_64 = tpu.memref_slice %arg5[%add3A_28, %dma_start3A_63] : memref<1280x128xi32, #tpu.memory_space<hbm>> -> memref<40x128xi32, #tpu.memory_space<hbm>>
        tpu.enqueue_dma source(%dma_start3A_64 : memref<40x128xi32, #tpu.memory_space<hbm>>) target(%arg9 : memref<40x128xi32, #tpu.memory_space<vmem>>) target_semaphore(%run_scoped3A : memref<!tpu.dma_semaphore, #tpu.memory_space<semaphore_mem>>)
        %dma_wait3A = arith.constant 0 : i32
        %dma_wait3A_65 = tpu.memref_slice %arg5[%add3A_28, %dma_wait3A] : memref<1280x128xi32, #tpu.memory_space<hbm>> -> memref<40x128xi32, #tpu.memory_space<hbm>>
        %dma_wait3A_66 = arith.constant 0 : i32
        %dma_wait3A_67 = tpu.memref_slice %arg5[%add3A_28, %dma_wait3A_66] : memref<1280x128xi32, #tpu.memory_space<hbm>> -> memref<40x128xi32, #tpu.memory_space<hbm>>
        tpu.wait_dma2 semaphore(%run_scoped3A : memref<!tpu.dma_semaphore, #tpu.memory_space<semaphore_mem>>) src(%dma_wait3A_67 : memref<40x128xi32, #tpu.memory_space<hbm>>) dst(%arg9 : memref<40x128xi32, #tpu.memory_space<vmem>>)
        tpu.yield
      }) : () -> ()
      %dma_start3A = arith.constant 0 : i32
      %dma_start3A_29 = arith.constant 0 : i32
      %dma_start3A_30 = tpu.memref_slice %arg8[%dma_start3A, %dma_start3A_29] : memref<40x128xi32, #tpu.memory_space<vmem>> -> memref<1x128xi32, #tpu.memory_space<vmem>>
      %dma_start3A_31 = tpu.memref_squeeze %dma_start3A_30 : memref<1x128xi32, #tpu.memory_space<vmem>> -> memref<128xi32, #tpu.memory_space<vmem>>
      %dma_start3A_32 = arith.constant 0 : i32
      %dma_start3A_33 = arith.constant 0 : i32
      %dma_start3A_34 = tpu.memref_slice %arg2[%dma_start3A_32, %dma_start3A_33] : memref<10000x128xf32, #tpu.memory_space<hbm>> -> memref<10000x128xf32, #tpu.memory_space<hbm>>
      tpu.enqueue_indirect_dma source(%dma_start3A_34 : memref<10000x128xf32, #tpu.memory_space<hbm>>) target(%arg10 : memref<128x128xf32, #tpu.memory_space<vmem>>) offsets(%dma_start3A_31 : memref<128xi32, #tpu.memory_space<vmem>>) semaphore(%arg13 : memref<!tpu.dma_semaphore, #tpu.memory_space<semaphore_mem>>)
      %scan3A_35 = arith.constant 0 : i32
      %scan3A_36 = arith.constant 20 : i32
      %scan3A_37 = arith.addi %scan3A_35, %scan3A_36 : i32
      %scan3A_38 = arith.constant 1 : i32
      scf.for %scan3A_61 = %scan3A_35 to %scan3A_37 step %scan3A_38  : i32 {
        %mul3A_62 = arith.constant 2 : i32
        %mul3A_63 = arith.muli %mul3A_62, %scan3A_61 : i32
        %dma_wait3A = arith.constant 0 : i32
        %dma_wait3A_64 = tpu.memref_slice %arg8[%mul3A_63, %dma_wait3A] : memref<40x128xi32, #tpu.memory_space<vmem>> -> memref<1x128xi32, #tpu.memory_space<vmem>>
        %dma_wait3A_65 = tpu.memref_squeeze %dma_wait3A_64 : memref<1x128xi32, #tpu.memory_space<vmem>> -> memref<128xi32, #tpu.memory_space<vmem>>
        %dma_wait3A_66 = arith.constant 0 : i32
        %dma_wait3A_67 = arith.constant 0 : i32
        %dma_wait3A_68 = tpu.memref_slice %arg2[%dma_wait3A_66, %dma_wait3A_67] : memref<10000x128xf32, #tpu.memory_space<hbm>> -> memref<10000x128xf32, #tpu.memory_space<hbm>>
        tpu.wait_indirect_dma semaphore(%arg13 : memref<!tpu.dma_semaphore, #tpu.memory_space<semaphore_mem>>) src(%dma_wait3A_68 : memref<10000x128xf32, #tpu.memory_space<hbm>>) dst(%arg10 : memref<128x128xf32, #tpu.memory_space<vmem>>)
        %add3A_69 = arith.constant 1 : i32
        %add3A_70 = arith.addi %mul3A_63, %add3A_69 : i32
        %dma_start3A_71 = arith.constant 0 : i32
        %dma_start3A_72 = tpu.memref_slice %arg8[%add3A_70, %dma_start3A_71] : memref<40x128xi32, #tpu.memory_space<vmem>> -> memref<1x128xi32, #tpu.memory_space<vmem>>
        %dma_start3A_73 = tpu.memref_squeeze %dma_start3A_72 : memref<1x128xi32, #tpu.memory_space<vmem>> -> memref<128xi32, #tpu.memory_space<vmem>>
        %dma_start3A_74 = arith.constant 0 : i32
        %dma_start3A_75 = arith.constant 0 : i32
        %dma_start3A_76 = tpu.memref_slice %arg2[%dma_start3A_74, %dma_start3A_75] : memref<10000x128xf32, #tpu.memory_space<hbm>> -> memref<10000x128xf32, #tpu.memory_space<hbm>>
        tpu.enqueue_indirect_dma source(%dma_start3A_76 : memref<10000x128xf32, #tpu.memory_space<hbm>>) target(%arg11 : memref<128x128xf32, #tpu.memory_space<vmem>>) offsets(%dma_start3A_73 : memref<128xi32, #tpu.memory_space<vmem>>) semaphore(%arg14 : memref<!tpu.dma_semaphore, #tpu.memory_space<semaphore_mem>>)
        "tpu.region"() ({
          %run_scoped3A = tpu.sem_alloc : memref<!tpu.dma_semaphore, #tpu.memory_space<semaphore_mem>>
          %dma_start3A_91 = arith.constant 0 : i32
          %dma_start3A_92 = tpu.memref_slice %arg9[%mul3A_63, %dma_start3A_91] : memref<40x128xi32, #tpu.memory_space<vmem>> -> memref<1x128xi32, #tpu.memory_space<vmem>>
          %dma_start3A_93 = tpu.memref_squeeze %dma_start3A_92 : memref<1x128xi32, #tpu.memory_space<vmem>> -> memref<128xi32, #tpu.memory_space<vmem>>
          %dma_start3A_94 = arith.constant 0 : i32
          %dma_start3A_95 = arith.constant 0 : i32
          %dma_start3A_96 = tpu.memref_slice %arg12[%dma_start3A_94, %dma_start3A_95] : memref<10240x128xf32, #tpu.memory_space<vmem_shared>> -> memref<10240x128xf32, #tpu.memory_space<vmem_shared>>
          tpu.enqueue_indirect_dma source(%arg10 : memref<128x128xf32, #tpu.memory_space<vmem>>) target(%dma_start3A_96 : memref<10240x128xf32, #tpu.memory_space<vmem_shared>>) offsets(%dma_start3A_93 : memref<128xi32, #tpu.memory_space<vmem>>) semaphore(%run_scoped3A : memref<!tpu.dma_semaphore, #tpu.memory_space<semaphore_mem>>) {add = true}
          %dma_wait3A_97 = arith.constant 0 : i32
          %dma_wait3A_98 = tpu.memref_slice %arg9[%mul3A_63, %dma_wait3A_97] : memref<40x128xi32, #tpu.memory_space<vmem>> -> memref<1x128xi32, #tpu.memory_space<vmem>>
          %dma_wait3A_99 = tpu.memref_squeeze %dma_wait3A_98 : memref<1x128xi32, #tpu.memory_space<vmem>> -> memref<128xi32, #tpu.memory_space<vmem>>
          %dma_wait3A_100 = arith.constant 0 : i32
          %dma_wait3A_101 = arith.constant 0 : i32
          %dma_wait3A_102 = tpu.memref_slice %arg12[%dma_wait3A_100, %dma_wait3A_101] : memref<10240x128xf32, #tpu.memory_space<vmem_shared>> -> memref<10240x128xf32, #tpu.memory_space<vmem_shared>>
          tpu.wait_indirect_dma semaphore(%run_scoped3A : memref<!tpu.dma_semaphore, #tpu.memory_space<semaphore_mem>>) src(%arg10 : memref<128x128xf32, #tpu.memory_space<vmem>>) dst(%dma_wait3A_102 : memref<10240x128xf32, #tpu.memory_space<vmem_shared>>)
          tpu.yield
        }) : () -> ()
        %add3A_77 = arith.constant 1 : i32
        %add3A_78 = arith.addi %mul3A_63, %add3A_77 : i32
        %dma_wait3A_79 = arith.constant 0 : i32
        %dma_wait3A_80 = tpu.memref_slice %arg8[%add3A_78, %dma_wait3A_79] : memref<40x128xi32, #tpu.memory_space<vmem>> -> memref<1x128xi32, #tpu.memory_space<vmem>>
        %dma_wait3A_81 = tpu.memref_squeeze %dma_wait3A_80 : memref<1x128xi32, #tpu.memory_space<vmem>> -> memref<128xi32, #tpu.memory_space<vmem>>
        %dma_wait3A_82 = arith.constant 0 : i32
        %dma_wait3A_83 = arith.constant 0 : i32
        %dma_wait3A_84 = tpu.memref_slice %arg2[%dma_wait3A_82, %dma_wait3A_83] : memref<10000x128xf32, #tpu.memory_space<hbm>> -> memref<10000x128xf32, #tpu.memory_space<hbm>>
        tpu.wait_indirect_dma semaphore(%arg14 : memref<!tpu.dma_semaphore, #tpu.memory_space<semaphore_mem>>) src(%dma_wait3A_84 : memref<10000x128xf32, #tpu.memory_space<hbm>>) dst(%arg11 : memref<128x128xf32, #tpu.memory_space<vmem>>)
        %lt3A = arith.constant 19 : i32
        %lt3A_85 = arith.cmpi slt, %scan3A_61, %lt3A : i32
        %convert_element_type3A_86 = arith.extui %lt3A_85 : i1 to i32
        %cond3A_87 = arith.constant 0 : i32
        %cond3A_88 = arith.cmpi ne, %convert_element_type3A_86, %cond3A_87 : i32
        scf.if %cond3A_88 {
          %add3A_91 = arith.constant 2 : i32
          %add3A_92 = arith.addi %mul3A_63, %add3A_91 : i32
          %dma_start3A_93 = arith.constant 0 : i32
          %dma_start3A_94 = tpu.memref_slice %arg8[%add3A_92, %dma_start3A_93] : memref<40x128xi32, #tpu.memory_space<vmem>> -> memref<1x128xi32, #tpu.memory_space<vmem>>
          %dma_start3A_95 = tpu.memref_squeeze %dma_start3A_94 : memref<1x128xi32, #tpu.memory_space<vmem>> -> memref<128xi32, #tpu.memory_space<vmem>>
          %dma_start3A_96 = arith.constant 0 : i32
          %dma_start3A_97 = arith.constant 0 : i32
          %dma_start3A_98 = tpu.memref_slice %arg2[%dma_start3A_96, %dma_start3A_97] : memref<10000x128xf32, #tpu.memory_space<hbm>> -> memref<10000x128xf32, #tpu.memory_space<hbm>>
          tpu.enqueue_indirect_dma source(%dma_start3A_98 : memref<10000x128xf32, #tpu.memory_space<hbm>>) target(%arg10 : memref<128x128xf32, #tpu.memory_space<vmem>>) offsets(%dma_start3A_95 : memref<128xi32, #tpu.memory_space<vmem>>) semaphore(%arg13 : memref<!tpu.dma_semaphore, #tpu.memory_space<semaphore_mem>>)
        } else {
        }
        %add3A_89 = arith.constant 1 : i32
        %add3A_90 = arith.addi %mul3A_63, %add3A_89 : i32
        "tpu.region"() ({
          %run_scoped3A = tpu.sem_alloc : memref<!tpu.dma_semaphore, #tpu.memory_space<semaphore_mem>>
          %dma_start3A_91 = arith.constant 0 : i32
          %dma_start3A_92 = tpu.memref_slice %arg9[%add3A_90, %dma_start3A_91] : memref<40x128xi32, #tpu.memory_space<vmem>> -> memref<1x128xi32, #tpu.memory_space<vmem>>
          %dma_start3A_93 = tpu.memref_squeeze %dma_start3A_92 : memref<1x128xi32, #tpu.memory_space<vmem>> -> memref<128xi32, #tpu.memory_space<vmem>>
          %dma_start3A_94 = arith.constant 0 : i32
          %dma_start3A_95 = arith.constant 0 : i32
          %dma_start3A_96 = tpu.memref_slice %arg12[%dma_start3A_94, %dma_start3A_95] : memref<10240x128xf32, #tpu.memory_space<vmem_shared>> -> memref<10240x128xf32, #tpu.memory_space<vmem_shared>>
          tpu.enqueue_indirect_dma source(%arg11 : memref<128x128xf32, #tpu.memory_space<vmem>>) target(%dma_start3A_96 : memref<10240x128xf32, #tpu.memory_space<vmem_shared>>) offsets(%dma_start3A_93 : memref<128xi32, #tpu.memory_space<vmem>>) semaphore(%run_scoped3A : memref<!tpu.dma_semaphore, #tpu.memory_space<semaphore_mem>>) {add = true}
          %dma_wait3A_97 = arith.constant 0 : i32
          %dma_wait3A_98 = tpu.memref_slice %arg9[%add3A_90, %dma_wait3A_97] : memref<40x128xi32, #tpu.memory_space<vmem>> -> memref<1x128xi32, #tpu.memory_space<vmem>>
          %dma_wait3A_99 = tpu.memref_squeeze %dma_wait3A_98 : memref<1x128xi32, #tpu.memory_space<vmem>> -> memref<128xi32, #tpu.memory_space<vmem>>
          %dma_wait3A_100 = arith.constant 0 : i32
          %dma_wait3A_101 = arith.constant 0 : i32
          %dma_wait3A_102 = tpu.memref_slice %arg12[%dma_wait3A_100, %dma_wait3A_101] : memref<10240x128xf32, #tpu.memory_space<vmem_shared>> -> memref<10240x128xf32, #tpu.memory_space<vmem_shared>>
          tpu.wait_indirect_dma semaphore(%run_scoped3A : memref<!tpu.dma_semaphore, #tpu.memory_space<semaphore_mem>>) src(%arg11 : memref<128x128xf32, #tpu.memory_space<vmem>>) dst(%dma_wait3A_102 : memref<10240x128xf32, #tpu.memory_space<vmem_shared>>)
          tpu.yield
        }) : () -> ()
      }
      %scan3A_39 = arith.constant 20 : i32
      %mul3A_40 = arith.constant 80 : i32
      %mul3A_41 = arith.muli %arg1, %mul3A_40 : i32
      %add3A_42 = arith.constant 40 : i32
      %add3A_43 = arith.addi %mul3A_41, %add3A_42 : i32
      "tpu.region"() ({
        %run_scoped3A = tpu.sem_alloc : memref<!tpu.dma_semaphore, #tpu.memory_space<semaphore_mem>>
        %dma_start3A_61 = arith.constant 0 : i32
        %dma_start3A_62 = tpu.memref_slice %arg4[%add3A_43, %dma_start3A_61] : memref<1280x128xi32, #tpu.memory_space<hbm>> -> memref<40x128xi32, #tpu.memory_space<hbm>>
        %dma_start3A_63 = arith.constant 0 : i32
        %dma_start3A_64 = tpu.memref_slice %arg4[%add3A_43, %dma_start3A_63] : memref<1280x128xi32, #tpu.memory_space<hbm>> -> memref<40x128xi32, #tpu.memory_space<hbm>>
        tpu.enqueue_dma source(%dma_start3A_64 : memref<40x128xi32, #tpu.memory_space<hbm>>) target(%arg8 : memref<40x128xi32, #tpu.memory_space<vmem>>) target_semaphore(%run_scoped3A : memref<!tpu.dma_semaphore, #tpu.memory_space<semaphore_mem>>)
        %dma_wait3A = arith.constant 0 : i32
        %dma_wait3A_65 = tpu.memref_slice %arg4[%add3A_43, %dma_wait3A] : memref<1280x128xi32, #tpu.memory_space<hbm>> -> memref<40x128xi32, #tpu.memory_space<hbm>>
        %dma_wait3A_66 = arith.constant 0 : i32
        %dma_wait3A_67 = tpu.memref_slice %arg4[%add3A_43, %dma_wait3A_66] : memref<1280x128xi32, #tpu.memory_space<hbm>> -> memref<40x128xi32, #tpu.memory_space<hbm>>
        tpu.wait_dma2 semaphore(%run_scoped3A : memref<!tpu.dma_semaphore, #tpu.memory_space<semaphore_mem>>) src(%dma_wait3A_67 : memref<40x128xi32, #tpu.memory_space<hbm>>) dst(%arg8 : memref<40x128xi32, #tpu.memory_space<vmem>>)
        tpu.yield
      }) : () -> ()
      %mul3A_44 = arith.constant 80 : i32
      %mul3A_45 = arith.muli %arg1, %mul3A_44 : i32
      %add3A_46 = arith.constant 40 : i32
      %add3A_47 = arith.addi %mul3A_45, %add3A_46 : i32
      "tpu.region"() ({
        %run_scoped3A = tpu.sem_alloc : memref<!tpu.dma_semaphore, #tpu.memory_space<semaphore_mem>>
        %dma_start3A_61 = arith.constant 0 : i32
        %dma_start3A_62 = tpu.memref_slice %arg5[%add3A_47, %dma_start3A_61] : memref<1280x128xi32, #tpu.memory_space<hbm>> -> memref<40x128xi32, #tpu.memory_space<hbm>>
        %dma_start3A_63 = arith.constant 0 : i32
        %dma_start3A_64 = tpu.memref_slice %arg5[%add3A_47, %dma_start3A_63] : memref<1280x128xi32, #tpu.memory_space<hbm>> -> memref<40x128xi32, #tpu.memory_space<hbm>>
        tpu.enqueue_dma source(%dma_start3A_64 : memref<40x128xi32, #tpu.memory_space<hbm>>) target(%arg9 : memref<40x128xi32, #tpu.memory_space<vmem>>) target_semaphore(%run_scoped3A : memref<!tpu.dma_semaphore, #tpu.memory_space<semaphore_mem>>)
        %dma_wait3A = arith.constant 0 : i32
        %dma_wait3A_65 = tpu.memref_slice %arg5[%add3A_47, %dma_wait3A] : memref<1280x128xi32, #tpu.memory_space<hbm>> -> memref<40x128xi32, #tpu.memory_space<hbm>>
        %dma_wait3A_66 = arith.constant 0 : i32
        %dma_wait3A_67 = tpu.memref_slice %arg5[%add3A_47, %dma_wait3A_66] : memref<1280x128xi32, #tpu.memory_space<hbm>> -> memref<40x128xi32, #tpu.memory_space<hbm>>
        tpu.wait_dma2 semaphore(%run_scoped3A : memref<!tpu.dma_semaphore, #tpu.memory_space<semaphore_mem>>) src(%dma_wait3A_67 : memref<40x128xi32, #tpu.memory_space<hbm>>) dst(%arg9 : memref<40x128xi32, #tpu.memory_space<vmem>>)
        tpu.yield
      }) : () -> ()
      %dma_start3A_48 = arith.constant 0 : i32
      %dma_start3A_49 = arith.constant 0 : i32
      %dma_start3A_50 = tpu.memref_slice %arg8[%dma_start3A_48, %dma_start3A_49] : memref<40x128xi32, #tpu.memory_space<vmem>> -> memref<1x128xi32, #tpu.memory_space<vmem>>
      %dma_start3A_51 = tpu.memref_squeeze %dma_start3A_50 : memref<1x128xi32, #tpu.memory_space<vmem>> -> memref<128xi32, #tpu.memory_space<vmem>>
      %dma_start3A_52 = arith.constant 0 : i32
      %dma_start3A_53 = arith.constant 0 : i32
      %dma_start3A_54 = tpu.memref_slice %arg2[%dma_start3A_52, %dma_start3A_53] : memref<10000x128xf32, #tpu.memory_space<hbm>> -> memref<10000x128xf32, #tpu.memory_space<hbm>>
      tpu.enqueue_indirect_dma source(%dma_start3A_54 : memref<10000x128xf32, #tpu.memory_space<hbm>>) target(%arg10 : memref<128x128xf32, #tpu.memory_space<vmem>>) offsets(%dma_start3A_51 : memref<128xi32, #tpu.memory_space<vmem>>) semaphore(%arg13 : memref<!tpu.dma_semaphore, #tpu.memory_space<semaphore_mem>>)
      %scan3A_55 = arith.constant 0 : i32
      %scan3A_56 = arith.constant 20 : i32
      %scan3A_57 = arith.addi %scan3A_55, %scan3A_56 : i32
      %scan3A_58 = arith.constant 1 : i32
      scf.for %scan3A_61 = %scan3A_55 to %scan3A_57 step %scan3A_58  : i32 {
        %mul3A_62 = arith.constant 2 : i32
        %mul3A_63 = arith.muli %mul3A_62, %scan3A_61 : i32
        %dma_wait3A = arith.constant 0 : i32
        %dma_wait3A_64 = tpu.memref_slice %arg8[%mul3A_63, %dma_wait3A] : memref<40x128xi32, #tpu.memory_space<vmem>> -> memref<1x128xi32, #tpu.memory_space<vmem>>
        %dma_wait3A_65 = tpu.memref_squeeze %dma_wait3A_64 : memref<1x128xi32, #tpu.memory_space<vmem>> -> memref<128xi32, #tpu.memory_space<vmem>>
        %dma_wait3A_66 = arith.constant 0 : i32
        %dma_wait3A_67 = arith.constant 0 : i32
        %dma_wait3A_68 = tpu.memref_slice %arg2[%dma_wait3A_66, %dma_wait3A_67] : memref<10000x128xf32, #tpu.memory_space<hbm>> -> memref<10000x128xf32, #tpu.memory_space<hbm>>
        tpu.wait_indirect_dma semaphore(%arg13 : memref<!tpu.dma_semaphore, #tpu.memory_space<semaphore_mem>>) src(%dma_wait3A_68 : memref<10000x128xf32, #tpu.memory_space<hbm>>) dst(%arg10 : memref<128x128xf32, #tpu.memory_space<vmem>>)
        %add3A_69 = arith.constant 1 : i32
        %add3A_70 = arith.addi %mul3A_63, %add3A_69 : i32
        %dma_start3A_71 = arith.constant 0 : i32
        %dma_start3A_72 = tpu.memref_slice %arg8[%add3A_70, %dma_start3A_71] : memref<40x128xi32, #tpu.memory_space<vmem>> -> memref<1x128xi32, #tpu.memory_space<vmem>>
        %dma_start3A_73 = tpu.memref_squeeze %dma_start3A_72 : memref<1x128xi32, #tpu.memory_space<vmem>> -> memref<128xi32, #tpu.memory_space<vmem>>
        %dma_start3A_74 = arith.constant 0 : i32
        %dma_start3A_75 = arith.constant 0 : i32
        %dma_start3A_76 = tpu.memref_slice %arg2[%dma_start3A_74, %dma_start3A_75] : memref<10000x128xf32, #tpu.memory_space<hbm>> -> memref<10000x128xf32, #tpu.memory_space<hbm>>
        tpu.enqueue_indirect_dma source(%dma_start3A_76 : memref<10000x128xf32, #tpu.memory_space<hbm>>) target(%arg11 : memref<128x128xf32, #tpu.memory_space<vmem>>) offsets(%dma_start3A_73 : memref<128xi32, #tpu.memory_space<vmem>>) semaphore(%arg14 : memref<!tpu.dma_semaphore, #tpu.memory_space<semaphore_mem>>)
        "tpu.region"() ({
          %run_scoped3A = tpu.sem_alloc : memref<!tpu.dma_semaphore, #tpu.memory_space<semaphore_mem>>
          %dma_start3A_91 = arith.constant 0 : i32
          %dma_start3A_92 = tpu.memref_slice %arg9[%mul3A_63, %dma_start3A_91] : memref<40x128xi32, #tpu.memory_space<vmem>> -> memref<1x128xi32, #tpu.memory_space<vmem>>
          %dma_start3A_93 = tpu.memref_squeeze %dma_start3A_92 : memref<1x128xi32, #tpu.memory_space<vmem>> -> memref<128xi32, #tpu.memory_space<vmem>>
          %dma_start3A_94 = arith.constant 0 : i32
          %dma_start3A_95 = arith.constant 0 : i32
          %dma_start3A_96 = tpu.memref_slice %arg12[%dma_start3A_94, %dma_start3A_95] : memref<10240x128xf32, #tpu.memory_space<vmem_shared>> -> memref<10240x128xf32, #tpu.memory_space<vmem_shared>>
          tpu.enqueue_indirect_dma source(%arg10 : memref<128x128xf32, #tpu.memory_space<vmem>>) target(%dma_start3A_96 : memref<10240x128xf32, #tpu.memory_space<vmem_shared>>) offsets(%dma_start3A_93 : memref<128xi32, #tpu.memory_space<vmem>>) semaphore(%run_scoped3A : memref<!tpu.dma_semaphore, #tpu.memory_space<semaphore_mem>>) {add = true}
          %dma_wait3A_97 = arith.constant 0 : i32
          %dma_wait3A_98 = tpu.memref_slice %arg9[%mul3A_63, %dma_wait3A_97] : memref<40x128xi32, #tpu.memory_space<vmem>> -> memref<1x128xi32, #tpu.memory_space<vmem>>
          %dma_wait3A_99 = tpu.memref_squeeze %dma_wait3A_98 : memref<1x128xi32, #tpu.memory_space<vmem>> -> memref<128xi32, #tpu.memory_space<vmem>>
          %dma_wait3A_100 = arith.constant 0 : i32
          %dma_wait3A_101 = arith.constant 0 : i32
          %dma_wait3A_102 = tpu.memref_slice %arg12[%dma_wait3A_100, %dma_wait3A_101] : memref<10240x128xf32, #tpu.memory_space<vmem_shared>> -> memref<10240x128xf32, #tpu.memory_space<vmem_shared>>
          tpu.wait_indirect_dma semaphore(%run_scoped3A : memref<!tpu.dma_semaphore, #tpu.memory_space<semaphore_mem>>) src(%arg10 : memref<128x128xf32, #tpu.memory_space<vmem>>) dst(%dma_wait3A_102 : memref<10240x128xf32, #tpu.memory_space<vmem_shared>>)
          tpu.yield
        }) : () -> ()
        %add3A_77 = arith.constant 1 : i32
        %add3A_78 = arith.addi %mul3A_63, %add3A_77 : i32
        %dma_wait3A_79 = arith.constant 0 : i32
        %dma_wait3A_80 = tpu.memref_slice %arg8[%add3A_78, %dma_wait3A_79] : memref<40x128xi32, #tpu.memory_space<vmem>> -> memref<1x128xi32, #tpu.memory_space<vmem>>
        %dma_wait3A_81 = tpu.memref_squeeze %dma_wait3A_80 : memref<1x128xi32, #tpu.memory_space<vmem>> -> memref<128xi32, #tpu.memory_space<vmem>>
        %dma_wait3A_82 = arith.constant 0 : i32
        %dma_wait3A_83 = arith.constant 0 : i32
        %dma_wait3A_84 = tpu.memref_slice %arg2[%dma_wait3A_82, %dma_wait3A_83] : memref<10000x128xf32, #tpu.memory_space<hbm>> -> memref<10000x128xf32, #tpu.memory_space<hbm>>
        tpu.wait_indirect_dma semaphore(%arg14 : memref<!tpu.dma_semaphore, #tpu.memory_space<semaphore_mem>>) src(%dma_wait3A_84 : memref<10000x128xf32, #tpu.memory_space<hbm>>) dst(%arg11 : memref<128x128xf32, #tpu.memory_space<vmem>>)
        %lt3A = arith.constant 19 : i32
        %lt3A_85 = arith.cmpi slt, %scan3A_61, %lt3A : i32
        %convert_element_type3A_86 = arith.extui %lt3A_85 : i1 to i32
        %cond3A_87 = arith.constant 0 : i32
        %cond3A_88 = arith.cmpi ne, %convert_element_type3A_86, %cond3A_87 : i32
        scf.if %cond3A_88 {
          %add3A_91 = arith.constant 2 : i32
          %add3A_92 = arith.addi %mul3A_63, %add3A_91 : i32
          %dma_start3A_93 = arith.constant 0 : i32
          %dma_start3A_94 = tpu.memref_slice %arg8[%add3A_92, %dma_start3A_93] : memref<40x128xi32, #tpu.memory_space<vmem>> -> memref<1x128xi32, #tpu.memory_space<vmem>>
          %dma_start3A_95 = tpu.memref_squeeze %dma_start3A_94 : memref<1x128xi32, #tpu.memory_space<vmem>> -> memref<128xi32, #tpu.memory_space<vmem>>
          %dma_start3A_96 = arith.constant 0 : i32
          %dma_start3A_97 = arith.constant 0 : i32
          %dma_start3A_98 = tpu.memref_slice %arg2[%dma_start3A_96, %dma_start3A_97] : memref<10000x128xf32, #tpu.memory_space<hbm>> -> memref<10000x128xf32, #tpu.memory_space<hbm>>
          tpu.enqueue_indirect_dma source(%dma_start3A_98 : memref<10000x128xf32, #tpu.memory_space<hbm>>) target(%arg10 : memref<128x128xf32, #tpu.memory_space<vmem>>) offsets(%dma_start3A_95 : memref<128xi32, #tpu.memory_space<vmem>>) semaphore(%arg13 : memref<!tpu.dma_semaphore, #tpu.memory_space<semaphore_mem>>)
        } else {
        }
        %add3A_89 = arith.constant 1 : i32
        %add3A_90 = arith.addi %mul3A_63, %add3A_89 : i32
        "tpu.region"() ({
          %run_scoped3A = tpu.sem_alloc : memref<!tpu.dma_semaphore, #tpu.memory_space<semaphore_mem>>
          %dma_start3A_91 = arith.constant 0 : i32
          %dma_start3A_92 = tpu.memref_slice %arg9[%add3A_90, %dma_start3A_91] : memref<40x128xi32, #tpu.memory_space<vmem>> -> memref<1x128xi32, #tpu.memory_space<vmem>>
          %dma_start3A_93 = tpu.memref_squeeze %dma_start3A_92 : memref<1x128xi32, #tpu.memory_space<vmem>> -> memref<128xi32, #tpu.memory_space<vmem>>
          %dma_start3A_94 = arith.constant 0 : i32
          %dma_start3A_95 = arith.constant 0 : i32
          %dma_start3A_96 = tpu.memref_slice %arg12[%dma_start3A_94, %dma_start3A_95] : memref<10240x128xf32, #tpu.memory_space<vmem_shared>> -> memref<10240x128xf32, #tpu.memory_space<vmem_shared>>
          tpu.enqueue_indirect_dma source(%arg11 : memref<128x128xf32, #tpu.memory_space<vmem>>) target(%dma_start3A_96 : memref<10240x128xf32, #tpu.memory_space<vmem_shared>>) offsets(%dma_start3A_93 : memref<128xi32, #tpu.memory_space<vmem>>) semaphore(%run_scoped3A : memref<!tpu.dma_semaphore, #tpu.memory_space<semaphore_mem>>) {add = true}
          %dma_wait3A_97 = arith.constant 0 : i32
          %dma_wait3A_98 = tpu.memref_slice %arg9[%add3A_90, %dma_wait3A_97] : memref<40x128xi32, #tpu.memory_space<vmem>> -> memref<1x128xi32, #tpu.memory_space<vmem>>
          %dma_wait3A_99 = tpu.memref_squeeze %dma_wait3A_98 : memref<1x128xi32, #tpu.memory_space<vmem>> -> memref<128xi32, #tpu.memory_space<vmem>>
          %dma_wait3A_100 = arith.constant 0 : i32
          %dma_wait3A_101 = arith.constant 0 : i32
          %dma_wait3A_102 = tpu.memref_slice %arg12[%dma_wait3A_100, %dma_wait3A_101] : memref<10240x128xf32, #tpu.memory_space<vmem_shared>> -> memref<10240x128xf32, #tpu.memory_space<vmem_shared>>
          tpu.wait_indirect_dma semaphore(%run_scoped3A : memref<!tpu.dma_semaphore, #tpu.memory_space<semaphore_mem>>) src(%arg11 : memref<128x128xf32, #tpu.memory_space<vmem>>) dst(%dma_wait3A_102 : memref<10240x128xf32, #tpu.memory_space<vmem_shared>>)
          tpu.yield
        }) : () -> ()
      }
      %scan3A_59 = arith.constant 20 : i32
      %barrier3A_60 = arith.constant 0 : index
      tpu.barrier barrier_id(%barrier3A_60)
      "tpu.region"() ({
        %run_scoped3A = tpu.sem_alloc : memref<!tpu.dma_semaphore, #tpu.memory_space<semaphore_mem>>
        %dma_start3A_61 = arith.constant 0 : i32
        %dma_start3A_62 = tpu.memref_slice %arg6[%mul3A_11, %dma_start3A_61] : memref<10240x128xf32, #tpu.memory_space<hbm>> -> memref<640x128xf32, #tpu.memory_space<hbm>>
        %dma_start3A_63 = arith.constant 0 : i32
        %dma_start3A_64 = tpu.memref_slice %arg12[%mul3A_11, %dma_start3A_63] : memref<10240x128xf32, #tpu.memory_space<vmem_shared>> -> memref<640x128xf32, #tpu.memory_space<vmem_shared>>
        tpu.enqueue_dma source(%dma_start3A_64 : memref<640x128xf32, #tpu.memory_space<vmem_shared>>) target(%dma_start3A_62 : memref<640x128xf32, #tpu.memory_space<hbm>>) target_semaphore(%run_scoped3A : memref<!tpu.dma_semaphore, #tpu.memory_space<semaphore_mem>>)
        %dma_wait3A = arith.constant 0 : i32
        %dma_wait3A_65 = tpu.memref_slice %arg6[%mul3A_11, %dma_wait3A] : memref<10240x128xf32, #tpu.memory_space<hbm>> -> memref<640x128xf32, #tpu.memory_space<hbm>>
        %dma_wait3A_66 = arith.constant 0 : i32
        %dma_wait3A_67 = tpu.memref_slice %arg12[%mul3A_11, %dma_wait3A_66] : memref<10240x128xf32, #tpu.memory_space<vmem_shared>> -> memref<640x128xf32, #tpu.memory_space<vmem_shared>>
        tpu.wait_dma2 semaphore(%run_scoped3A : memref<!tpu.dma_semaphore, #tpu.memory_space<semaphore_mem>>) src(%dma_wait3A_67 : memref<640x128xf32, #tpu.memory_space<vmem_shared>>) dst(%dma_wait3A_65 : memref<640x128xf32, #tpu.memory_space<hbm>>)
        tpu.yield
      }) : () -> ()
    } else {
    }
    %eq3A_2 = arith.constant 1 : i32
    %eq3A_3 = arith.cmpi eq, %arg0, %eq3A_2 : i32
    %convert_element_type3A_4 = arith.extui %eq3A_3 : i1 to i32
    %cond3A_5 = arith.constant 0 : i32
    %cond3A_6 = arith.cmpi ne, %convert_element_type3A_4, %cond3A_5 : i32
    scf.if %cond3A_6 {
      %scan3A = arith.constant 0 : i32
      %scan3A_7 = arith.constant 1024 : i32
      %scan3A_8 = arith.addi %scan3A, %scan3A_7 : i32
      %scan3A_9 = arith.constant 1 : i32
      scf.for %scan3A_61 = %scan3A to %scan3A_8 step %scan3A_9  : i32 {
        %broadcast_in_dim3A = arith.constant 0.000000e+00 : f32
        %broadcast_in_dim3A_62 = vector.broadcast %broadcast_in_dim3A : f32 to vector<16xf32>
        %shift_right_arithmetic3A = arith.constant 3 : i32
        %shift_right_arithmetic3A_63 = arith.shrsi %scan3A_61, %shift_right_arithmetic3A : i32
        %and3A = arith.constant 7 : i32
        %and3A_64 = arith.andi %scan3A_61, %and3A : i32
        %mul3A_65 = arith.constant 16 : i32
        %mul3A_66 = arith.muli %and3A_64, %mul3A_65 : i32
        %swap3A = arith.index_cast %shift_right_arithmetic3A_63 : i32 to index
        %swap3A_67 = arith.index_cast %mul3A_66 : i32 to index
        %swap3A_68 = tpu.vector_load %arg10[%swap3A, %swap3A_67] {strides = array<i32>} : memref<128x128xf32, #tpu.memory_space<vmem>>, vector<16xf32>,
        tpu.vector_store %arg10[%swap3A, %swap3A_67], %broadcast_in_dim3A_62 {strides = array<i32>} : memref<128x128xf32, #tpu.memory_space<vmem>>, vector<16xf32>,
      }
      %scan3A_10 = arith.constant 1024 : i32
      %mul3A = arith.constant 640 : i32
      %mul3A_11 = arith.muli %arg1, %mul3A : i32
      %add3A = arith.constant 0 : i32
      %add3A_12 = arith.addi %mul3A_11, %add3A : i32
      "tpu.region"() ({
        %run_scoped3A = tpu.sem_alloc : memref<!tpu.dma_semaphore, #tpu.memory_space<semaphore_mem>>
        %dma_start3A_61 = arith.constant 0 : i32
        %dma_start3A_62 = tpu.memref_slice %arg12[%add3A_12, %dma_start3A_61] : memref<10240x128xf32, #tpu.memory_space<vmem_shared>> -> memref<128x128xf32, #tpu.memory_space<vmem_shared>>
        %dma_start3A_63 = arith.constant 0 : i32
        %dma_start3A_64 = tpu.memref_slice %arg12[%add3A_12, %dma_start3A_63] : memref<10240x128xf32, #tpu.memory_space<vmem_shared>> -> memref<128x128xf32, #tpu.memory_space<vmem_shared>>
        tpu.enqueue_dma source(%arg10 : memref<128x128xf32, #tpu.memory_space<vmem>>) target(%dma_start3A_64 : memref<128x128xf32, #tpu.memory_space<vmem_shared>>) target_semaphore(%run_scoped3A : memref<!tpu.dma_semaphore, #tpu.memory_space<semaphore_mem>>)
        %dma_wait3A = arith.constant 0 : i32
        %dma_wait3A_65 = tpu.memref_slice %arg12[%add3A_12, %dma_wait3A] : memref<10240x128xf32, #tpu.memory_space<vmem_shared>> -> memref<128x128xf32, #tpu.memory_space<vmem_shared>>
        %dma_wait3A_66 = arith.constant 0 : i32
        %dma_wait3A_67 = tpu.memref_slice %arg12[%add3A_12, %dma_wait3A_66] : memref<10240x128xf32, #tpu.memory_space<vmem_shared>> -> memref<128x128xf32, #tpu.memory_space<vmem_shared>>
        tpu.wait_dma2 semaphore(%run_scoped3A : memref<!tpu.dma_semaphore, #tpu.memory_space<semaphore_mem>>) src(%arg10 : memref<128x128xf32, #tpu.memory_space<vmem>>) dst(%dma_wait3A_67 : memref<128x128xf32, #tpu.memory_space<vmem_shared>>)
        tpu.yield
      }) : () -> ()
      %add3A_13 = arith.constant 128 : i32
      %add3A_14 = arith.addi %mul3A_11, %add3A_13 : i32
      "tpu.region"() ({
        %run_scoped3A = tpu.sem_alloc : memref<!tpu.dma_semaphore, #tpu.memory_space<semaphore_mem>>
        %dma_start3A_61 = arith.constant 0 : i32
        %dma_start3A_62 = tpu.memref_slice %arg12[%add3A_14, %dma_start3A_61] : memref<10240x128xf32, #tpu.memory_space<vmem_shared>> -> memref<128x128xf32, #tpu.memory_space<vmem_shared>>
        %dma_start3A_63 = arith.constant 0 : i32
        %dma_start3A_64 = tpu.memref_slice %arg12[%add3A_14, %dma_start3A_63] : memref<10240x128xf32, #tpu.memory_space<vmem_shared>> -> memref<128x128xf32, #tpu.memory_space<vmem_shared>>
        tpu.enqueue_dma source(%arg10 : memref<128x128xf32, #tpu.memory_space<vmem>>) target(%dma_start3A_64 : memref<128x128xf32, #tpu.memory_space<vmem_shared>>) target_semaphore(%run_scoped3A : memref<!tpu.dma_semaphore, #tpu.memory_space<semaphore_mem>>)
        %dma_wait3A = arith.constant 0 : i32
        %dma_wait3A_65 = tpu.memref_slice %arg12[%add3A_14, %dma_wait3A] : memref<10240x128xf32, #tpu.memory_space<vmem_shared>> -> memref<128x128xf32, #tpu.memory_space<vmem_shared>>
        %dma_wait3A_66 = arith.constant 0 : i32
        %dma_wait3A_67 = tpu.memref_slice %arg12[%add3A_14, %dma_wait3A_66] : memref<10240x128xf32, #tpu.memory_space<vmem_shared>> -> memref<128x128xf32, #tpu.memory_space<vmem_shared>>
        tpu.wait_dma2 semaphore(%run_scoped3A : memref<!tpu.dma_semaphore, #tpu.memory_space<semaphore_mem>>) src(%arg10 : memref<128x128xf32, #tpu.memory_space<vmem>>) dst(%dma_wait3A_67 : memref<128x128xf32, #tpu.memory_space<vmem_shared>>)
        tpu.yield
      }) : () -> ()
      %add3A_15 = arith.constant 256 : i32
      %add3A_16 = arith.addi %mul3A_11, %add3A_15 : i32
      "tpu.region"() ({
        %run_scoped3A = tpu.sem_alloc : memref<!tpu.dma_semaphore, #tpu.memory_space<semaphore_mem>>
        %dma_start3A_61 = arith.constant 0 : i32
        %dma_start3A_62 = tpu.memref_slice %arg12[%add3A_16, %dma_start3A_61] : memref<10240x128xf32, #tpu.memory_space<vmem_shared>> -> memref<128x128xf32, #tpu.memory_space<vmem_shared>>
        %dma_start3A_63 = arith.constant 0 : i32
        %dma_start3A_64 = tpu.memref_slice %arg12[%add3A_16, %dma_start3A_63] : memref<10240x128xf32, #tpu.memory_space<vmem_shared>> -> memref<128x128xf32, #tpu.memory_space<vmem_shared>>
        tpu.enqueue_dma source(%arg10 : memref<128x128xf32, #tpu.memory_space<vmem>>) target(%dma_start3A_64 : memref<128x128xf32, #tpu.memory_space<vmem_shared>>) target_semaphore(%run_scoped3A : memref<!tpu.dma_semaphore, #tpu.memory_space<semaphore_mem>>)
        %dma_wait3A = arith.constant 0 : i32
        %dma_wait3A_65 = tpu.memref_slice %arg12[%add3A_16, %dma_wait3A] : memref<10240x128xf32, #tpu.memory_space<vmem_shared>> -> memref<128x128xf32, #tpu.memory_space<vmem_shared>>
        %dma_wait3A_66 = arith.constant 0 : i32
        %dma_wait3A_67 = tpu.memref_slice %arg12[%add3A_16, %dma_wait3A_66] : memref<10240x128xf32, #tpu.memory_space<vmem_shared>> -> memref<128x128xf32, #tpu.memory_space<vmem_shared>>
        tpu.wait_dma2 semaphore(%run_scoped3A : memref<!tpu.dma_semaphore, #tpu.memory_space<semaphore_mem>>) src(%arg10 : memref<128x128xf32, #tpu.memory_space<vmem>>) dst(%dma_wait3A_67 : memref<128x128xf32, #tpu.memory_space<vmem_shared>>)
        tpu.yield
      }) : () -> ()
      %add3A_17 = arith.constant 384 : i32
      %add3A_18 = arith.addi %mul3A_11, %add3A_17 : i32
      "tpu.region"() ({
        %run_scoped3A = tpu.sem_alloc : memref<!tpu.dma_semaphore, #tpu.memory_space<semaphore_mem>>
        %dma_start3A_61 = arith.constant 0 : i32
        %dma_start3A_62 = tpu.memref_slice %arg12[%add3A_18, %dma_start3A_61] : memref<10240x128xf32, #tpu.memory_space<vmem_shared>> -> memref<128x128xf32, #tpu.memory_space<vmem_shared>>
        %dma_start3A_63 = arith.constant 0 : i32
        %dma_start3A_64 = tpu.memref_slice %arg12[%add3A_18, %dma_start3A_63] : memref<10240x128xf32, #tpu.memory_space<vmem_shared>> -> memref<128x128xf32, #tpu.memory_space<vmem_shared>>
        tpu.enqueue_dma source(%arg10 : memref<128x128xf32, #tpu.memory_space<vmem>>) target(%dma_start3A_64 : memref<128x128xf32, #tpu.memory_space<vmem_shared>>) target_semaphore(%run_scoped3A : memref<!tpu.dma_semaphore, #tpu.memory_space<semaphore_mem>>)
        %dma_wait3A = arith.constant 0 : i32
        %dma_wait3A_65 = tpu.memref_slice %arg12[%add3A_18, %dma_wait3A] : memref<10240x128xf32, #tpu.memory_space<vmem_shared>> -> memref<128x128xf32, #tpu.memory_space<vmem_shared>>
        %dma_wait3A_66 = arith.constant 0 : i32
        %dma_wait3A_67 = tpu.memref_slice %arg12[%add3A_18, %dma_wait3A_66] : memref<10240x128xf32, #tpu.memory_space<vmem_shared>> -> memref<128x128xf32, #tpu.memory_space<vmem_shared>>
        tpu.wait_dma2 semaphore(%run_scoped3A : memref<!tpu.dma_semaphore, #tpu.memory_space<semaphore_mem>>) src(%arg10 : memref<128x128xf32, #tpu.memory_space<vmem>>) dst(%dma_wait3A_67 : memref<128x128xf32, #tpu.memory_space<vmem_shared>>)
        tpu.yield
      }) : () -> ()
      %add3A_19 = arith.constant 512 : i32
      %add3A_20 = arith.addi %mul3A_11, %add3A_19 : i32
      "tpu.region"() ({
        %run_scoped3A = tpu.sem_alloc : memref<!tpu.dma_semaphore, #tpu.memory_space<semaphore_mem>>
        %dma_start3A_61 = arith.constant 0 : i32
        %dma_start3A_62 = tpu.memref_slice %arg12[%add3A_20, %dma_start3A_61] : memref<10240x128xf32, #tpu.memory_space<vmem_shared>> -> memref<128x128xf32, #tpu.memory_space<vmem_shared>>
        %dma_start3A_63 = arith.constant 0 : i32
        %dma_start3A_64 = tpu.memref_slice %arg12[%add3A_20, %dma_start3A_63] : memref<10240x128xf32, #tpu.memory_space<vmem_shared>> -> memref<128x128xf32, #tpu.memory_space<vmem_shared>>
        tpu.enqueue_dma source(%arg10 : memref<128x128xf32, #tpu.memory_space<vmem>>) target(%dma_start3A_64 : memref<128x128xf32, #tpu.memory_space<vmem_shared>>) target_semaphore(%run_scoped3A : memref<!tpu.dma_semaphore, #tpu.memory_space<semaphore_mem>>)
        %dma_wait3A = arith.constant 0 : i32
        %dma_wait3A_65 = tpu.memref_slice %arg12[%add3A_20, %dma_wait3A] : memref<10240x128xf32, #tpu.memory_space<vmem_shared>> -> memref<128x128xf32, #tpu.memory_space<vmem_shared>>
        %dma_wait3A_66 = arith.constant 0 : i32
        %dma_wait3A_67 = tpu.memref_slice %arg12[%add3A_20, %dma_wait3A_66] : memref<10240x128xf32, #tpu.memory_space<vmem_shared>> -> memref<128x128xf32, #tpu.memory_space<vmem_shared>>
        tpu.wait_dma2 semaphore(%run_scoped3A : memref<!tpu.dma_semaphore, #tpu.memory_space<semaphore_mem>>) src(%arg10 : memref<128x128xf32, #tpu.memory_space<vmem>>) dst(%dma_wait3A_67 : memref<128x128xf32, #tpu.memory_space<vmem_shared>>)
        tpu.yield
      }) : () -> ()
      %barrier3A = arith.constant 0 : index
      tpu.barrier barrier_id(%barrier3A)
      %mul3A_21 = arith.constant 80 : i32
      %mul3A_22 = arith.muli %arg1, %mul3A_21 : i32
      %add3A_23 = arith.constant 0 : i32
      %add3A_24 = arith.addi %mul3A_22, %add3A_23 : i32
      "tpu.region"() ({
        %run_scoped3A = tpu.sem_alloc : memref<!tpu.dma_semaphore, #tpu.memory_space<semaphore_mem>>
        %dma_start3A_61 = arith.constant 0 : i32
        %dma_start3A_62 = tpu.memref_slice %arg4[%add3A_24, %dma_start3A_61] : memref<1280x128xi32, #tpu.memory_space<hbm>> -> memref<40x128xi32, #tpu.memory_space<hbm>>
        %dma_start3A_63 = arith.constant 0 : i32
        %dma_start3A_64 = tpu.memref_slice %arg4[%add3A_24, %dma_start3A_63] : memref<1280x128xi32, #tpu.memory_space<hbm>> -> memref<40x128xi32, #tpu.memory_space<hbm>>
        tpu.enqueue_dma source(%dma_start3A_64 : memref<40x128xi32, #tpu.memory_space<hbm>>) target(%arg8 : memref<40x128xi32, #tpu.memory_space<vmem>>) target_semaphore(%run_scoped3A : memref<!tpu.dma_semaphore, #tpu.memory_space<semaphore_mem>>)
        %dma_wait3A = arith.constant 0 : i32
        %dma_wait3A_65 = tpu.memref_slice %arg4[%add3A_24, %dma_wait3A] : memref<1280x128xi32, #tpu.memory_space<hbm>> -> memref<40x128xi32, #tpu.memory_space<hbm>>
        %dma_wait3A_66 = arith.constant 0 : i32
        %dma_wait3A_67 = tpu.memref_slice %arg4[%add3A_24, %dma_wait3A_66] : memref<1280x128xi32, #tpu.memory_space<hbm>> -> memref<40x128xi32, #tpu.memory_space<hbm>>
        tpu.wait_dma2 semaphore(%run_scoped3A : memref<!tpu.dma_semaphore, #tpu.memory_space<semaphore_mem>>) src(%dma_wait3A_67 : memref<40x128xi32, #tpu.memory_space<hbm>>) dst(%arg8 : memref<40x128xi32, #tpu.memory_space<vmem>>)
        tpu.yield
      }) : () -> ()
      %mul3A_25 = arith.constant 80 : i32
      %mul3A_26 = arith.muli %arg1, %mul3A_25 : i32
      %add3A_27 = arith.constant 0 : i32
      %add3A_28 = arith.addi %mul3A_26, %add3A_27 : i32
      "tpu.region"() ({
        %run_scoped3A = tpu.sem_alloc : memref<!tpu.dma_semaphore, #tpu.memory_space<semaphore_mem>>
        %dma_start3A_61 = arith.constant 0 : i32
        %dma_start3A_62 = tpu.memref_slice %arg5[%add3A_28, %dma_start3A_61] : memref<1280x128xi32, #tpu.memory_space<hbm>> -> memref<40x128xi32, #tpu.memory_space<hbm>>
        %dma_start3A_63 = arith.constant 0 : i32
        %dma_start3A_64 = tpu.memref_slice %arg5[%add3A_28, %dma_start3A_63] : memref<1280x128xi32, #tpu.memory_space<hbm>> -> memref<40x128xi32, #tpu.memory_space<hbm>>
        tpu.enqueue_dma source(%dma_start3A_64 : memref<40x128xi32, #tpu.memory_space<hbm>>) target(%arg9 : memref<40x128xi32, #tpu.memory_space<vmem>>) target_semaphore(%run_scoped3A : memref<!tpu.dma_semaphore, #tpu.memory_space<semaphore_mem>>)
        %dma_wait3A = arith.constant 0 : i32
        %dma_wait3A_65 = tpu.memref_slice %arg5[%add3A_28, %dma_wait3A] : memref<1280x128xi32, #tpu.memory_space<hbm>> -> memref<40x128xi32, #tpu.memory_space<hbm>>
        %dma_wait3A_66 = arith.constant 0 : i32
        %dma_wait3A_67 = tpu.memref_slice %arg5[%add3A_28, %dma_wait3A_66] : memref<1280x128xi32, #tpu.memory_space<hbm>> -> memref<40x128xi32, #tpu.memory_space<hbm>>
        tpu.wait_dma2 semaphore(%run_scoped3A : memref<!tpu.dma_semaphore, #tpu.memory_space<semaphore_mem>>) src(%dma_wait3A_67 : memref<40x128xi32, #tpu.memory_space<hbm>>) dst(%arg9 : memref<40x128xi32, #tpu.memory_space<vmem>>)
        tpu.yield
      }) : () -> ()
      %dma_start3A = arith.constant 0 : i32
      %dma_start3A_29 = arith.constant 0 : i32
      %dma_start3A_30 = tpu.memref_slice %arg8[%dma_start3A, %dma_start3A_29] : memref<40x128xi32, #tpu.memory_space<vmem>> -> memref<1x128xi32, #tpu.memory_space<vmem>>
      %dma_start3A_31 = tpu.memref_squeeze %dma_start3A_30 : memref<1x128xi32, #tpu.memory_space<vmem>> -> memref<128xi32, #tpu.memory_space<vmem>>
      %dma_start3A_32 = arith.constant 0 : i32
      %dma_start3A_33 = arith.constant 0 : i32
      %dma_start3A_34 = tpu.memref_slice %arg3[%dma_start3A_32, %dma_start3A_33] : memref<10000x128xf32, #tpu.memory_space<hbm>> -> memref<10000x128xf32, #tpu.memory_space<hbm>>
      tpu.enqueue_indirect_dma source(%dma_start3A_34 : memref<10000x128xf32, #tpu.memory_space<hbm>>) target(%arg10 : memref<128x128xf32, #tpu.memory_space<vmem>>) offsets(%dma_start3A_31 : memref<128xi32, #tpu.memory_space<vmem>>) semaphore(%arg13 : memref<!tpu.dma_semaphore, #tpu.memory_space<semaphore_mem>>)
      %scan3A_35 = arith.constant 0 : i32
      %scan3A_36 = arith.constant 20 : i32
      %scan3A_37 = arith.addi %scan3A_35, %scan3A_36 : i32
      %scan3A_38 = arith.constant 1 : i32
      scf.for %scan3A_61 = %scan3A_35 to %scan3A_37 step %scan3A_38  : i32 {
        %mul3A_62 = arith.constant 2 : i32
        %mul3A_63 = arith.muli %mul3A_62, %scan3A_61 : i32
        %dma_wait3A = arith.constant 0 : i32
        %dma_wait3A_64 = tpu.memref_slice %arg8[%mul3A_63, %dma_wait3A] : memref<40x128xi32, #tpu.memory_space<vmem>> -> memref<1x128xi32, #tpu.memory_space<vmem>>
        %dma_wait3A_65 = tpu.memref_squeeze %dma_wait3A_64 : memref<1x128xi32, #tpu.memory_space<vmem>> -> memref<128xi32, #tpu.memory_space<vmem>>
        %dma_wait3A_66 = arith.constant 0 : i32
        %dma_wait3A_67 = arith.constant 0 : i32
        %dma_wait3A_68 = tpu.memref_slice %arg3[%dma_wait3A_66, %dma_wait3A_67] : memref<10000x128xf32, #tpu.memory_space<hbm>> -> memref<10000x128xf32, #tpu.memory_space<hbm>>
        tpu.wait_indirect_dma semaphore(%arg13 : memref<!tpu.dma_semaphore, #tpu.memory_space<semaphore_mem>>) src(%dma_wait3A_68 : memref<10000x128xf32, #tpu.memory_space<hbm>>) dst(%arg10 : memref<128x128xf32, #tpu.memory_space<vmem>>)
        %add3A_69 = arith.constant 1 : i32
        %add3A_70 = arith.addi %mul3A_63, %add3A_69 : i32
        %dma_start3A_71 = arith.constant 0 : i32
        %dma_start3A_72 = tpu.memref_slice %arg8[%add3A_70, %dma_start3A_71] : memref<40x128xi32, #tpu.memory_space<vmem>> -> memref<1x128xi32, #tpu.memory_space<vmem>>
        %dma_start3A_73 = tpu.memref_squeeze %dma_start3A_72 : memref<1x128xi32, #tpu.memory_space<vmem>> -> memref<128xi32, #tpu.memory_space<vmem>>
        %dma_start3A_74 = arith.constant 0 : i32
        %dma_start3A_75 = arith.constant 0 : i32
        %dma_start3A_76 = tpu.memref_slice %arg3[%dma_start3A_74, %dma_start3A_75] : memref<10000x128xf32, #tpu.memory_space<hbm>> -> memref<10000x128xf32, #tpu.memory_space<hbm>>
        tpu.enqueue_indirect_dma source(%dma_start3A_76 : memref<10000x128xf32, #tpu.memory_space<hbm>>) target(%arg11 : memref<128x128xf32, #tpu.memory_space<vmem>>) offsets(%dma_start3A_73 : memref<128xi32, #tpu.memory_space<vmem>>) semaphore(%arg14 : memref<!tpu.dma_semaphore, #tpu.memory_space<semaphore_mem>>)
        "tpu.region"() ({
          %run_scoped3A = tpu.sem_alloc : memref<!tpu.dma_semaphore, #tpu.memory_space<semaphore_mem>>
          %dma_start3A_91 = arith.constant 0 : i32
          %dma_start3A_92 = tpu.memref_slice %arg9[%mul3A_63, %dma_start3A_91] : memref<40x128xi32, #tpu.memory_space<vmem>> -> memref<1x128xi32, #tpu.memory_space<vmem>>
          %dma_start3A_93 = tpu.memref_squeeze %dma_start3A_92 : memref<1x128xi32, #tpu.memory_space<vmem>> -> memref<128xi32, #tpu.memory_space<vmem>>
          %dma_start3A_94 = arith.constant 0 : i32
          %dma_start3A_95 = arith.constant 0 : i32
          %dma_start3A_96 = tpu.memref_slice %arg12[%dma_start3A_94, %dma_start3A_95] : memref<10240x128xf32, #tpu.memory_space<vmem_shared>> -> memref<10240x128xf32, #tpu.memory_space<vmem_shared>>
          tpu.enqueue_indirect_dma source(%arg10 : memref<128x128xf32, #tpu.memory_space<vmem>>) target(%dma_start3A_96 : memref<10240x128xf32, #tpu.memory_space<vmem_shared>>) offsets(%dma_start3A_93 : memref<128xi32, #tpu.memory_space<vmem>>) semaphore(%run_scoped3A : memref<!tpu.dma_semaphore, #tpu.memory_space<semaphore_mem>>) {add = true}
          %dma_wait3A_97 = arith.constant 0 : i32
          %dma_wait3A_98 = tpu.memref_slice %arg9[%mul3A_63, %dma_wait3A_97] : memref<40x128xi32, #tpu.memory_space<vmem>> -> memref<1x128xi32, #tpu.memory_space<vmem>>
          %dma_wait3A_99 = tpu.memref_squeeze %dma_wait3A_98 : memref<1x128xi32, #tpu.memory_space<vmem>> -> memref<128xi32, #tpu.memory_space<vmem>>
          %dma_wait3A_100 = arith.constant 0 : i32
          %dma_wait3A_101 = arith.constant 0 : i32
          %dma_wait3A_102 = tpu.memref_slice %arg12[%dma_wait3A_100, %dma_wait3A_101] : memref<10240x128xf32, #tpu.memory_space<vmem_shared>> -> memref<10240x128xf32, #tpu.memory_space<vmem_shared>>
          tpu.wait_indirect_dma semaphore(%run_scoped3A : memref<!tpu.dma_semaphore, #tpu.memory_space<semaphore_mem>>) src(%arg10 : memref<128x128xf32, #tpu.memory_space<vmem>>) dst(%dma_wait3A_102 : memref<10240x128xf32, #tpu.memory_space<vmem_shared>>)
          tpu.yield
        }) : () -> ()
        %add3A_77 = arith.constant 1 : i32
        %add3A_78 = arith.addi %mul3A_63, %add3A_77 : i32
        %dma_wait3A_79 = arith.constant 0 : i32
        %dma_wait3A_80 = tpu.memref_slice %arg8[%add3A_78, %dma_wait3A_79] : memref<40x128xi32, #tpu.memory_space<vmem>> -> memref<1x128xi32, #tpu.memory_space<vmem>>
        %dma_wait3A_81 = tpu.memref_squeeze %dma_wait3A_80 : memref<1x128xi32, #tpu.memory_space<vmem>> -> memref<128xi32, #tpu.memory_space<vmem>>
        %dma_wait3A_82 = arith.constant 0 : i32
        %dma_wait3A_83 = arith.constant 0 : i32
        %dma_wait3A_84 = tpu.memref_slice %arg3[%dma_wait3A_82, %dma_wait3A_83] : memref<10000x128xf32, #tpu.memory_space<hbm>> -> memref<10000x128xf32, #tpu.memory_space<hbm>>
        tpu.wait_indirect_dma semaphore(%arg14 : memref<!tpu.dma_semaphore, #tpu.memory_space<semaphore_mem>>) src(%dma_wait3A_84 : memref<10000x128xf32, #tpu.memory_space<hbm>>) dst(%arg11 : memref<128x128xf32, #tpu.memory_space<vmem>>)
        %lt3A = arith.constant 19 : i32
        %lt3A_85 = arith.cmpi slt, %scan3A_61, %lt3A : i32
        %convert_element_type3A_86 = arith.extui %lt3A_85 : i1 to i32
        %cond3A_87 = arith.constant 0 : i32
        %cond3A_88 = arith.cmpi ne, %convert_element_type3A_86, %cond3A_87 : i32
        scf.if %cond3A_88 {
          %add3A_91 = arith.constant 2 : i32
          %add3A_92 = arith.addi %mul3A_63, %add3A_91 : i32
          %dma_start3A_93 = arith.constant 0 : i32
          %dma_start3A_94 = tpu.memref_slice %arg8[%add3A_92, %dma_start3A_93] : memref<40x128xi32, #tpu.memory_space<vmem>> -> memref<1x128xi32, #tpu.memory_space<vmem>>
          %dma_start3A_95 = tpu.memref_squeeze %dma_start3A_94 : memref<1x128xi32, #tpu.memory_space<vmem>> -> memref<128xi32, #tpu.memory_space<vmem>>
          %dma_start3A_96 = arith.constant 0 : i32
          %dma_start3A_97 = arith.constant 0 : i32
          %dma_start3A_98 = tpu.memref_slice %arg3[%dma_start3A_96, %dma_start3A_97] : memref<10000x128xf32, #tpu.memory_space<hbm>> -> memref<10000x128xf32, #tpu.memory_space<hbm>>
          tpu.enqueue_indirect_dma source(%dma_start3A_98 : memref<10000x128xf32, #tpu.memory_space<hbm>>) target(%arg10 : memref<128x128xf32, #tpu.memory_space<vmem>>) offsets(%dma_start3A_95 : memref<128xi32, #tpu.memory_space<vmem>>) semaphore(%arg13 : memref<!tpu.dma_semaphore, #tpu.memory_space<semaphore_mem>>)
        } else {
        }
        %add3A_89 = arith.constant 1 : i32
        %add3A_90 = arith.addi %mul3A_63, %add3A_89 : i32
        "tpu.region"() ({
          %run_scoped3A = tpu.sem_alloc : memref<!tpu.dma_semaphore, #tpu.memory_space<semaphore_mem>>
          %dma_start3A_91 = arith.constant 0 : i32
          %dma_start3A_92 = tpu.memref_slice %arg9[%add3A_90, %dma_start3A_91] : memref<40x128xi32, #tpu.memory_space<vmem>> -> memref<1x128xi32, #tpu.memory_space<vmem>>
          %dma_start3A_93 = tpu.memref_squeeze %dma_start3A_92 : memref<1x128xi32, #tpu.memory_space<vmem>> -> memref<128xi32, #tpu.memory_space<vmem>>
          %dma_start3A_94 = arith.constant 0 : i32
          %dma_start3A_95 = arith.constant 0 : i32
          %dma_start3A_96 = tpu.memref_slice %arg12[%dma_start3A_94, %dma_start3A_95] : memref<10240x128xf32, #tpu.memory_space<vmem_shared>> -> memref<10240x128xf32, #tpu.memory_space<vmem_shared>>
          tpu.enqueue_indirect_dma source(%arg11 : memref<128x128xf32, #tpu.memory_space<vmem>>) target(%dma_start3A_96 : memref<10240x128xf32, #tpu.memory_space<vmem_shared>>) offsets(%dma_start3A_93 : memref<128xi32, #tpu.memory_space<vmem>>) semaphore(%run_scoped3A : memref<!tpu.dma_semaphore, #tpu.memory_space<semaphore_mem>>) {add = true}
          %dma_wait3A_97 = arith.constant 0 : i32
          %dma_wait3A_98 = tpu.memref_slice %arg9[%add3A_90, %dma_wait3A_97] : memref<40x128xi32, #tpu.memory_space<vmem>> -> memref<1x128xi32, #tpu.memory_space<vmem>>
          %dma_wait3A_99 = tpu.memref_squeeze %dma_wait3A_98 : memref<1x128xi32, #tpu.memory_space<vmem>> -> memref<128xi32, #tpu.memory_space<vmem>>
          %dma_wait3A_100 = arith.constant 0 : i32
          %dma_wait3A_101 = arith.constant 0 : i32
          %dma_wait3A_102 = tpu.memref_slice %arg12[%dma_wait3A_100, %dma_wait3A_101] : memref<10240x128xf32, #tpu.memory_space<vmem_shared>> -> memref<10240x128xf32, #tpu.memory_space<vmem_shared>>
          tpu.wait_indirect_dma semaphore(%run_scoped3A : memref<!tpu.dma_semaphore, #tpu.memory_space<semaphore_mem>>) src(%arg11 : memref<128x128xf32, #tpu.memory_space<vmem>>) dst(%dma_wait3A_102 : memref<10240x128xf32, #tpu.memory_space<vmem_shared>>)
          tpu.yield
        }) : () -> ()
      }
      %scan3A_39 = arith.constant 20 : i32
      %mul3A_40 = arith.constant 80 : i32
      %mul3A_41 = arith.muli %arg1, %mul3A_40 : i32
      %add3A_42 = arith.constant 40 : i32
      %add3A_43 = arith.addi %mul3A_41, %add3A_42 : i32
      "tpu.region"() ({
        %run_scoped3A = tpu.sem_alloc : memref<!tpu.dma_semaphore, #tpu.memory_space<semaphore_mem>>
        %dma_start3A_61 = arith.constant 0 : i32
        %dma_start3A_62 = tpu.memref_slice %arg4[%add3A_43, %dma_start3A_61] : memref<1280x128xi32, #tpu.memory_space<hbm>> -> memref<40x128xi32, #tpu.memory_space<hbm>>
        %dma_start3A_63 = arith.constant 0 : i32
        %dma_start3A_64 = tpu.memref_slice %arg4[%add3A_43, %dma_start3A_63] : memref<1280x128xi32, #tpu.memory_space<hbm>> -> memref<40x128xi32, #tpu.memory_space<hbm>>
        tpu.enqueue_dma source(%dma_start3A_64 : memref<40x128xi32, #tpu.memory_space<hbm>>) target(%arg8 : memref<40x128xi32, #tpu.memory_space<vmem>>) target_semaphore(%run_scoped3A : memref<!tpu.dma_semaphore, #tpu.memory_space<semaphore_mem>>)
        %dma_wait3A = arith.constant 0 : i32
        %dma_wait3A_65 = tpu.memref_slice %arg4[%add3A_43, %dma_wait3A] : memref<1280x128xi32, #tpu.memory_space<hbm>> -> memref<40x128xi32, #tpu.memory_space<hbm>>
        %dma_wait3A_66 = arith.constant 0 : i32
        %dma_wait3A_67 = tpu.memref_slice %arg4[%add3A_43, %dma_wait3A_66] : memref<1280x128xi32, #tpu.memory_space<hbm>> -> memref<40x128xi32, #tpu.memory_space<hbm>>
        tpu.wait_dma2 semaphore(%run_scoped3A : memref<!tpu.dma_semaphore, #tpu.memory_space<semaphore_mem>>) src(%dma_wait3A_67 : memref<40x128xi32, #tpu.memory_space<hbm>>) dst(%arg8 : memref<40x128xi32, #tpu.memory_space<vmem>>)
        tpu.yield
      }) : () -> ()
      %mul3A_44 = arith.constant 80 : i32
      %mul3A_45 = arith.muli %arg1, %mul3A_44 : i32
      %add3A_46 = arith.constant 40 : i32
      %add3A_47 = arith.addi %mul3A_45, %add3A_46 : i32
      "tpu.region"() ({
        %run_scoped3A = tpu.sem_alloc : memref<!tpu.dma_semaphore, #tpu.memory_space<semaphore_mem>>
        %dma_start3A_61 = arith.constant 0 : i32
        %dma_start3A_62 = tpu.memref_slice %arg5[%add3A_47, %dma_start3A_61] : memref<1280x128xi32, #tpu.memory_space<hbm>> -> memref<40x128xi32, #tpu.memory_space<hbm>>
        %dma_start3A_63 = arith.constant 0 : i32
        %dma_start3A_64 = tpu.memref_slice %arg5[%add3A_47, %dma_start3A_63] : memref<1280x128xi32, #tpu.memory_space<hbm>> -> memref<40x128xi32, #tpu.memory_space<hbm>>
        tpu.enqueue_dma source(%dma_start3A_64 : memref<40x128xi32, #tpu.memory_space<hbm>>) target(%arg9 : memref<40x128xi32, #tpu.memory_space<vmem>>) target_semaphore(%run_scoped3A : memref<!tpu.dma_semaphore, #tpu.memory_space<semaphore_mem>>)
        %dma_wait3A = arith.constant 0 : i32
        %dma_wait3A_65 = tpu.memref_slice %arg5[%add3A_47, %dma_wait3A] : memref<1280x128xi32, #tpu.memory_space<hbm>> -> memref<40x128xi32, #tpu.memory_space<hbm>>
        %dma_wait3A_66 = arith.constant 0 : i32
        %dma_wait3A_67 = tpu.memref_slice %arg5[%add3A_47, %dma_wait3A_66] : memref<1280x128xi32, #tpu.memory_space<hbm>> -> memref<40x128xi32, #tpu.memory_space<hbm>>
        tpu.wait_dma2 semaphore(%run_scoped3A : memref<!tpu.dma_semaphore, #tpu.memory_space<semaphore_mem>>) src(%dma_wait3A_67 : memref<40x128xi32, #tpu.memory_space<hbm>>) dst(%arg9 : memref<40x128xi32, #tpu.memory_space<vmem>>)
        tpu.yield
      }) : () -> ()
      %dma_start3A_48 = arith.constant 0 : i32
      %dma_start3A_49 = arith.constant 0 : i32
      %dma_start3A_50 = tpu.memref_slice %arg8[%dma_start3A_48, %dma_start3A_49] : memref<40x128xi32, #tpu.memory_space<vmem>> -> memref<1x128xi32, #tpu.memory_space<vmem>>
      %dma_start3A_51 = tpu.memref_squeeze %dma_start3A_50 : memref<1x128xi32, #tpu.memory_space<vmem>> -> memref<128xi32, #tpu.memory_space<vmem>>
      %dma_start3A_52 = arith.constant 0 : i32
      %dma_start3A_53 = arith.constant 0 : i32
      %dma_start3A_54 = tpu.memref_slice %arg3[%dma_start3A_52, %dma_start3A_53] : memref<10000x128xf32, #tpu.memory_space<hbm>> -> memref<10000x128xf32, #tpu.memory_space<hbm>>
      tpu.enqueue_indirect_dma source(%dma_start3A_54 : memref<10000x128xf32, #tpu.memory_space<hbm>>) target(%arg10 : memref<128x128xf32, #tpu.memory_space<vmem>>) offsets(%dma_start3A_51 : memref<128xi32, #tpu.memory_space<vmem>>) semaphore(%arg13 : memref<!tpu.dma_semaphore, #tpu.memory_space<semaphore_mem>>)
      %scan3A_55 = arith.constant 0 : i32
      %scan3A_56 = arith.constant 20 : i32
      %scan3A_57 = arith.addi %scan3A_55, %scan3A_56 : i32
      %scan3A_58 = arith.constant 1 : i32
      scf.for %scan3A_61 = %scan3A_55 to %scan3A_57 step %scan3A_58  : i32 {
        %mul3A_62 = arith.constant 2 : i32
        %mul3A_63 = arith.muli %mul3A_62, %scan3A_61 : i32
        %dma_wait3A = arith.constant 0 : i32
        %dma_wait3A_64 = tpu.memref_slice %arg8[%mul3A_63, %dma_wait3A] : memref<40x128xi32, #tpu.memory_space<vmem>> -> memref<1x128xi32, #tpu.memory_space<vmem>>
        %dma_wait3A_65 = tpu.memref_squeeze %dma_wait3A_64 : memref<1x128xi32, #tpu.memory_space<vmem>> -> memref<128xi32, #tpu.memory_space<vmem>>
        %dma_wait3A_66 = arith.constant 0 : i32
        %dma_wait3A_67 = arith.constant 0 : i32
        %dma_wait3A_68 = tpu.memref_slice %arg3[%dma_wait3A_66, %dma_wait3A_67] : memref<10000x128xf32, #tpu.memory_space<hbm>> -> memref<10000x128xf32, #tpu.memory_space<hbm>>
        tpu.wait_indirect_dma semaphore(%arg13 : memref<!tpu.dma_semaphore, #tpu.memory_space<semaphore_mem>>) src(%dma_wait3A_68 : memref<10000x128xf32, #tpu.memory_space<hbm>>) dst(%arg10 : memref<128x128xf32, #tpu.memory_space<vmem>>)
        %add3A_69 = arith.constant 1 : i32
        %add3A_70 = arith.addi %mul3A_63, %add3A_69 : i32
        %dma_start3A_71 = arith.constant 0 : i32
        %dma_start3A_72 = tpu.memref_slice %arg8[%add3A_70, %dma_start3A_71] : memref<40x128xi32, #tpu.memory_space<vmem>> -> memref<1x128xi32, #tpu.memory_space<vmem>>
        %dma_start3A_73 = tpu.memref_squeeze %dma_start3A_72 : memref<1x128xi32, #tpu.memory_space<vmem>> -> memref<128xi32, #tpu.memory_space<vmem>>
        %dma_start3A_74 = arith.constant 0 : i32
        %dma_start3A_75 = arith.constant 0 : i32
        %dma_start3A_76 = tpu.memref_slice %arg3[%dma_start3A_74, %dma_start3A_75] : memref<10000x128xf32, #tpu.memory_space<hbm>> -> memref<10000x128xf32, #tpu.memory_space<hbm>>
        tpu.enqueue_indirect_dma source(%dma_start3A_76 : memref<10000x128xf32, #tpu.memory_space<hbm>>) target(%arg11 : memref<128x128xf32, #tpu.memory_space<vmem>>) offsets(%dma_start3A_73 : memref<128xi32, #tpu.memory_space<vmem>>) semaphore(%arg14 : memref<!tpu.dma_semaphore, #tpu.memory_space<semaphore_mem>>)
        "tpu.region"() ({
          %run_scoped3A = tpu.sem_alloc : memref<!tpu.dma_semaphore, #tpu.memory_space<semaphore_mem>>
          %dma_start3A_91 = arith.constant 0 : i32
          %dma_start3A_92 = tpu.memref_slice %arg9[%mul3A_63, %dma_start3A_91] : memref<40x128xi32, #tpu.memory_space<vmem>> -> memref<1x128xi32, #tpu.memory_space<vmem>>
          %dma_start3A_93 = tpu.memref_squeeze %dma_start3A_92 : memref<1x128xi32, #tpu.memory_space<vmem>> -> memref<128xi32, #tpu.memory_space<vmem>>
          %dma_start3A_94 = arith.constant 0 : i32
          %dma_start3A_95 = arith.constant 0 : i32
          %dma_start3A_96 = tpu.memref_slice %arg12[%dma_start3A_94, %dma_start3A_95] : memref<10240x128xf32, #tpu.memory_space<vmem_shared>> -> memref<10240x128xf32, #tpu.memory_space<vmem_shared>>
          tpu.enqueue_indirect_dma source(%arg10 : memref<128x128xf32, #tpu.memory_space<vmem>>) target(%dma_start3A_96 : memref<10240x128xf32, #tpu.memory_space<vmem_shared>>) offsets(%dma_start3A_93 : memref<128xi32, #tpu.memory_space<vmem>>) semaphore(%run_scoped3A : memref<!tpu.dma_semaphore, #tpu.memory_space<semaphore_mem>>) {add = true}
          %dma_wait3A_97 = arith.constant 0 : i32
          %dma_wait3A_98 = tpu.memref_slice %arg9[%mul3A_63, %dma_wait3A_97] : memref<40x128xi32, #tpu.memory_space<vmem>> -> memref<1x128xi32, #tpu.memory_space<vmem>>
          %dma_wait3A_99 = tpu.memref_squeeze %dma_wait3A_98 : memref<1x128xi32, #tpu.memory_space<vmem>> -> memref<128xi32, #tpu.memory_space<vmem>>
          %dma_wait3A_100 = arith.constant 0 : i32
          %dma_wait3A_101 = arith.constant 0 : i32
          %dma_wait3A_102 = tpu.memref_slice %arg12[%dma_wait3A_100, %dma_wait3A_101] : memref<10240x128xf32, #tpu.memory_space<vmem_shared>> -> memref<10240x128xf32, #tpu.memory_space<vmem_shared>>
          tpu.wait_indirect_dma semaphore(%run_scoped3A : memref<!tpu.dma_semaphore, #tpu.memory_space<semaphore_mem>>) src(%arg10 : memref<128x128xf32, #tpu.memory_space<vmem>>) dst(%dma_wait3A_102 : memref<10240x128xf32, #tpu.memory_space<vmem_shared>>)
          tpu.yield
        }) : () -> ()
        %add3A_77 = arith.constant 1 : i32
        %add3A_78 = arith.addi %mul3A_63, %add3A_77 : i32
        %dma_wait3A_79 = arith.constant 0 : i32
        %dma_wait3A_80 = tpu.memref_slice %arg8[%add3A_78, %dma_wait3A_79] : memref<40x128xi32, #tpu.memory_space<vmem>> -> memref<1x128xi32, #tpu.memory_space<vmem>>
        %dma_wait3A_81 = tpu.memref_squeeze %dma_wait3A_80 : memref<1x128xi32, #tpu.memory_space<vmem>> -> memref<128xi32, #tpu.memory_space<vmem>>
        %dma_wait3A_82 = arith.constant 0 : i32
        %dma_wait3A_83 = arith.constant 0 : i32
        %dma_wait3A_84 = tpu.memref_slice %arg3[%dma_wait3A_82, %dma_wait3A_83] : memref<10000x128xf32, #tpu.memory_space<hbm>> -> memref<10000x128xf32, #tpu.memory_space<hbm>>
        tpu.wait_indirect_dma semaphore(%arg14 : memref<!tpu.dma_semaphore, #tpu.memory_space<semaphore_mem>>) src(%dma_wait3A_84 : memref<10000x128xf32, #tpu.memory_space<hbm>>) dst(%arg11 : memref<128x128xf32, #tpu.memory_space<vmem>>)
        %lt3A = arith.constant 19 : i32
        %lt3A_85 = arith.cmpi slt, %scan3A_61, %lt3A : i32
        %convert_element_type3A_86 = arith.extui %lt3A_85 : i1 to i32
        %cond3A_87 = arith.constant 0 : i32
        %cond3A_88 = arith.cmpi ne, %convert_element_type3A_86, %cond3A_87 : i32
        scf.if %cond3A_88 {
          %add3A_91 = arith.constant 2 : i32
          %add3A_92 = arith.addi %mul3A_63, %add3A_91 : i32
          %dma_start3A_93 = arith.constant 0 : i32
          %dma_start3A_94 = tpu.memref_slice %arg8[%add3A_92, %dma_start3A_93] : memref<40x128xi32, #tpu.memory_space<vmem>> -> memref<1x128xi32, #tpu.memory_space<vmem>>
          %dma_start3A_95 = tpu.memref_squeeze %dma_start3A_94 : memref<1x128xi32, #tpu.memory_space<vmem>> -> memref<128xi32, #tpu.memory_space<vmem>>
          %dma_start3A_96 = arith.constant 0 : i32
          %dma_start3A_97 = arith.constant 0 : i32
          %dma_start3A_98 = tpu.memref_slice %arg3[%dma_start3A_96, %dma_start3A_97] : memref<10000x128xf32, #tpu.memory_space<hbm>> -> memref<10000x128xf32, #tpu.memory_space<hbm>>
          tpu.enqueue_indirect_dma source(%dma_start3A_98 : memref<10000x128xf32, #tpu.memory_space<hbm>>) target(%arg10 : memref<128x128xf32, #tpu.memory_space<vmem>>) offsets(%dma_start3A_95 : memref<128xi32, #tpu.memory_space<vmem>>) semaphore(%arg13 : memref<!tpu.dma_semaphore, #tpu.memory_space<semaphore_mem>>)
        } else {
        }
        %add3A_89 = arith.constant 1 : i32
        %add3A_90 = arith.addi %mul3A_63, %add3A_89 : i32
        "tpu.region"() ({
          %run_scoped3A = tpu.sem_alloc : memref<!tpu.dma_semaphore, #tpu.memory_space<semaphore_mem>>
          %dma_start3A_91 = arith.constant 0 : i32
          %dma_start3A_92 = tpu.memref_slice %arg9[%add3A_90, %dma_start3A_91] : memref<40x128xi32, #tpu.memory_space<vmem>> -> memref<1x128xi32, #tpu.memory_space<vmem>>
          %dma_start3A_93 = tpu.memref_squeeze %dma_start3A_92 : memref<1x128xi32, #tpu.memory_space<vmem>> -> memref<128xi32, #tpu.memory_space<vmem>>
          %dma_start3A_94 = arith.constant 0 : i32
          %dma_start3A_95 = arith.constant 0 : i32
          %dma_start3A_96 = tpu.memref_slice %arg12[%dma_start3A_94, %dma_start3A_95] : memref<10240x128xf32, #tpu.memory_space<vmem_shared>> -> memref<10240x128xf32, #tpu.memory_space<vmem_shared>>
          tpu.enqueue_indirect_dma source(%arg11 : memref<128x128xf32, #tpu.memory_space<vmem>>) target(%dma_start3A_96 : memref<10240x128xf32, #tpu.memory_space<vmem_shared>>) offsets(%dma_start3A_93 : memref<128xi32, #tpu.memory_space<vmem>>) semaphore(%run_scoped3A : memref<!tpu.dma_semaphore, #tpu.memory_space<semaphore_mem>>) {add = true}
          %dma_wait3A_97 = arith.constant 0 : i32
          %dma_wait3A_98 = tpu.memref_slice %arg9[%add3A_90, %dma_wait3A_97] : memref<40x128xi32, #tpu.memory_space<vmem>> -> memref<1x128xi32, #tpu.memory_space<vmem>>
          %dma_wait3A_99 = tpu.memref_squeeze %dma_wait3A_98 : memref<1x128xi32, #tpu.memory_space<vmem>> -> memref<128xi32, #tpu.memory_space<vmem>>
          %dma_wait3A_100 = arith.constant 0 : i32
          %dma_wait3A_101 = arith.constant 0 : i32
          %dma_wait3A_102 = tpu.memref_slice %arg12[%dma_wait3A_100, %dma_wait3A_101] : memref<10240x128xf32, #tpu.memory_space<vmem_shared>> -> memref<10240x128xf32, #tpu.memory_space<vmem_shared>>
          tpu.wait_indirect_dma semaphore(%run_scoped3A : memref<!tpu.dma_semaphore, #tpu.memory_space<semaphore_mem>>) src(%arg11 : memref<128x128xf32, #tpu.memory_space<vmem>>) dst(%dma_wait3A_102 : memref<10240x128xf32, #tpu.memory_space<vmem_shared>>)
          tpu.yield
        }) : () -> ()
      }
      %scan3A_59 = arith.constant 20 : i32
      %barrier3A_60 = arith.constant 0 : index
      tpu.barrier barrier_id(%barrier3A_60)
      "tpu.region"() ({
        %run_scoped3A = tpu.sem_alloc : memref<!tpu.dma_semaphore, #tpu.memory_space<semaphore_mem>>
        %dma_start3A_61 = arith.constant 0 : i32
        %dma_start3A_62 = tpu.memref_slice %arg7[%mul3A_11, %dma_start3A_61] : memref<10240x128xf32, #tpu.memory_space<hbm>> -> memref<640x128xf32, #tpu.memory_space<hbm>>
        %dma_start3A_63 = arith.constant 0 : i32
        %dma_start3A_64 = tpu.memref_slice %arg12[%mul3A_11, %dma_start3A_63] : memref<10240x128xf32, #tpu.memory_space<vmem_shared>> -> memref<640x128xf32, #tpu.memory_space<vmem_shared>>
        tpu.enqueue_dma source(%dma_start3A_64 : memref<640x128xf32, #tpu.memory_space<vmem_shared>>) target(%dma_start3A_62 : memref<640x128xf32, #tpu.memory_space<hbm>>) target_semaphore(%run_scoped3A : memref<!tpu.dma_semaphore, #tpu.memory_space<semaphore_mem>>)
        %dma_wait3A = arith.constant 0 : i32
        %dma_wait3A_65 = tpu.memref_slice %arg7[%mul3A_11, %dma_wait3A] : memref<10240x128xf32, #tpu.memory_space<hbm>> -> memref<640x128xf32, #tpu.memory_space<hbm>>
        %dma_wait3A_66 = arith.constant 0 : i32
        %dma_wait3A_67 = tpu.memref_slice %arg12[%mul3A_11, %dma_wait3A_66] : memref<10240x128xf32, #tpu.memory_space<vmem_shared>> -> memref<640x128xf32, #tpu.memory_space<vmem_shared>>
        tpu.wait_dma2 semaphore(%run_scoped3A : memref<!tpu.dma_semaphore, #tpu.memory_space<semaphore_mem>>) src(%dma_wait3A_67 : memref<640x128xf32, #tpu.memory_space<vmem_shared>>) dst(%dma_wait3A_65 : memref<640x128xf32, #tpu.memory_space<hbm>>)
        tpu.yield
      }) : () -> ()
    } else {
    }
    return
  }
}

#map = affine_map<(d0, d1) -> (0, 0)>
module attributes {stable_mosaic.version = 14 : i64} {
  func.func @_agg_kernel(%arg0: i32, %arg1: i32, %arg2: memref<10000x128xf32, #tpu.memory_space<hbm>>, %arg3: memref<10000x128xf32, #tpu.memory_space<hbm>>, %arg4: memref<1280x128xi32, #tpu.memory_space<hbm>>, %arg5: memref<1280x128xi32, #tpu.memory_space<hbm>>, %arg6: memref<10240x128xf32, #tpu.memory_space<hbm>>, %arg7: memref<10240x128xf32, #tpu.memory_space<hbm>>, %arg8: memref<40x128xi32, #tpu.memory_space<vmem>>, %arg9: memref<40x128xi32, #tpu.memory_space<vmem>>, %arg10: memref<128x128xf32, #tpu.memory_space<vmem>>, %arg11: memref<128x128xf32, #tpu.memory_space<vmem>>, %arg12: memref<10240x128xf32, #tpu.memory_space<vmem_shared>>, %arg13: memref<!tpu.dma_semaphore, #tpu.memory_space<semaphore_mem>>, %arg14: memref<!tpu.dma_semaphore, #tpu.memory_space<semaphore_mem>>) attributes {dimension_semantics = [#tpu.dimension_semantics<core_parallel>, #tpu.dimension_semantics<subcore_parallel>], iteration_bounds = array<i64: 2, 16>, scalar_prefetch = 0 : i64, scratch_operands = 7 : i64, tpu.core_type = #tpu.core_type<sc_vector_subcore>, window_params = [{transform_indices = #map}, {transform_indices = #map}, {transform_indices = #map}, {transform_indices = #map}, {transform_indices = #map}, {transform_indices = #map}]} {
    %eq3A = arith.constant 0 : i32
    %eq3A_0 = arith.cmpi eq, %arg0, %eq3A : i32
    %convert_element_type3A = arith.extui %eq3A_0 : i1 to i32
    %cond3A = arith.constant 0 : i32
    %cond3A_1 = arith.cmpi ne, %convert_element_type3A, %cond3A : i32
    scf.if %cond3A_1 {
      %scan3A = arith.constant 0 : i32
      %scan3A_7 = arith.constant 1024 : i32
      %scan3A_8 = arith.addi %scan3A, %scan3A_7 : i32
      %scan3A_9 = arith.constant 1 : i32
      scf.for %scan3A_61 = %scan3A to %scan3A_8 step %scan3A_9  : i32 {
        %broadcast_in_dim3A = arith.constant 0.000000e+00 : f32
        %broadcast_in_dim3A_62 = vector.broadcast %broadcast_in_dim3A : f32 to vector<16xf32>
        %shift_right_arithmetic3A = arith.constant 3 : i32
        %shift_right_arithmetic3A_63 = arith.shrsi %scan3A_61, %shift_right_arithmetic3A : i32
        %and3A = arith.constant 7 : i32
        %and3A_64 = arith.andi %scan3A_61, %and3A : i32
        %mul3A_65 = arith.constant 16 : i32
        %mul3A_66 = arith.muli %and3A_64, %mul3A_65 : i32
        %swap3A = arith.index_cast %shift_right_arithmetic3A_63 : i32 to index
        %swap3A_67 = arith.index_cast %mul3A_66 : i32 to index
        %swap3A_68 = tpu.vector_load %arg10[%swap3A, %swap3A_67] {strides = array<i32>} : memref<128x128xf32, #tpu.memory_space<vmem>>, vector<16xf32>,
        tpu.vector_store %arg10[%swap3A, %swap3A_67], %broadcast_in_dim3A_62 {strides = array<i32>} : memref<128x128xf32, #tpu.memory_space<vmem>>, vector<16xf32>,
      }
      %scan3A_10 = arith.constant 1024 : i32
      %mul3A = arith.constant 640 : i32
      %mul3A_11 = arith.muli %arg1, %mul3A : i32
      %add3A = arith.constant 0 : i32
      %add3A_12 = arith.addi %mul3A_11, %add3A : i32
      "tpu.region"() ({
        %run_scoped3A = tpu.sem_alloc : memref<!tpu.dma_semaphore, #tpu.memory_space<semaphore_mem>>
        %dma_start3A_61 = arith.constant 0 : i32
        %dma_start3A_62 = tpu.memref_slice %arg12[%add3A_12, %dma_start3A_61] : memref<10240x128xf32, #tpu.memory_space<vmem_shared>> -> memref<128x128xf32, #tpu.memory_space<vmem_shared>>
        %dma_start3A_63 = arith.constant 0 : i32
        %dma_start3A_64 = tpu.memref_slice %arg12[%add3A_12, %dma_start3A_63] : memref<10240x128xf32, #tpu.memory_space<vmem_shared>> -> memref<128x128xf32, #tpu.memory_space<vmem_shared>>
        tpu.enqueue_dma source(%arg10 : memref<128x128xf32, #tpu.memory_space<vmem>>) target(%dma_start3A_64 : memref<128x128xf32, #tpu.memory_space<vmem_shared>>) target_semaphore(%run_scoped3A : memref<!tpu.dma_semaphore, #tpu.memory_space<semaphore_mem>>)
        %dma_wait3A = arith.constant 0 : i32
        %dma_wait3A_65 = tpu.memref_slice %arg12[%add3A_12, %dma_wait3A] : memref<10240x128xf32, #tpu.memory_space<vmem_shared>> -> memref<128x128xf32, #tpu.memory_space<vmem_shared>>
        %dma_wait3A_66 = arith.constant 0 : i32
        %dma_wait3A_67 = tpu.memref_slice %arg12[%add3A_12, %dma_wait3A_66] : memref<10240x128xf32, #tpu.memory_space<vmem_shared>> -> memref<128x128xf32, #tpu.memory_space<vmem_shared>>
        tpu.wait_dma2 semaphore(%run_scoped3A : memref<!tpu.dma_semaphore, #tpu.memory_space<semaphore_mem>>) src(%arg10 : memref<128x128xf32, #tpu.memory_space<vmem>>) dst(%dma_wait3A_67 : memref<128x128xf32, #tpu.memory_space<vmem_shared>>)
        tpu.yield
      }) : () -> ()
      %add3A_13 = arith.constant 128 : i32
      %add3A_14 = arith.addi %mul3A_11, %add3A_13 : i32
      "tpu.region"() ({
        %run_scoped3A = tpu.sem_alloc : memref<!tpu.dma_semaphore, #tpu.memory_space<semaphore_mem>>
        %dma_start3A_61 = arith.constant 0 : i32
        %dma_start3A_62 = tpu.memref_slice %arg12[%add3A_14, %dma_start3A_61] : memref<10240x128xf32, #tpu.memory_space<vmem_shared>> -> memref<128x128xf32, #tpu.memory_space<vmem_shared>>
        %dma_start3A_63 = arith.constant 0 : i32
        %dma_start3A_64 = tpu.memref_slice %arg12[%add3A_14, %dma_start3A_63] : memref<10240x128xf32, #tpu.memory_space<vmem_shared>> -> memref<128x128xf32, #tpu.memory_space<vmem_shared>>
        tpu.enqueue_dma source(%arg10 : memref<128x128xf32, #tpu.memory_space<vmem>>) target(%dma_start3A_64 : memref<128x128xf32, #tpu.memory_space<vmem_shared>>) target_semaphore(%run_scoped3A : memref<!tpu.dma_semaphore, #tpu.memory_space<semaphore_mem>>)
        %dma_wait3A = arith.constant 0 : i32
        %dma_wait3A_65 = tpu.memref_slice %arg12[%add3A_14, %dma_wait3A] : memref<10240x128xf32, #tpu.memory_space<vmem_shared>> -> memref<128x128xf32, #tpu.memory_space<vmem_shared>>
        %dma_wait3A_66 = arith.constant 0 : i32
        %dma_wait3A_67 = tpu.memref_slice %arg12[%add3A_14, %dma_wait3A_66] : memref<10240x128xf32, #tpu.memory_space<vmem_shared>> -> memref<128x128xf32, #tpu.memory_space<vmem_shared>>
        tpu.wait_dma2 semaphore(%run_scoped3A : memref<!tpu.dma_semaphore, #tpu.memory_space<semaphore_mem>>) src(%arg10 : memref<128x128xf32, #tpu.memory_space<vmem>>) dst(%dma_wait3A_67 : memref<128x128xf32, #tpu.memory_space<vmem_shared>>)
        tpu.yield
      }) : () -> ()
      %add3A_15 = arith.constant 256 : i32
      %add3A_16 = arith.addi %mul3A_11, %add3A_15 : i32
      "tpu.region"() ({
        %run_scoped3A = tpu.sem_alloc : memref<!tpu.dma_semaphore, #tpu.memory_space<semaphore_mem>>
        %dma_start3A_61 = arith.constant 0 : i32
        %dma_start3A_62 = tpu.memref_slice %arg12[%add3A_16, %dma_start3A_61] : memref<10240x128xf32, #tpu.memory_space<vmem_shared>> -> memref<128x128xf32, #tpu.memory_space<vmem_shared>>
        %dma_start3A_63 = arith.constant 0 : i32
        %dma_start3A_64 = tpu.memref_slice %arg12[%add3A_16, %dma_start3A_63] : memref<10240x128xf32, #tpu.memory_space<vmem_shared>> -> memref<128x128xf32, #tpu.memory_space<vmem_shared>>
        tpu.enqueue_dma source(%arg10 : memref<128x128xf32, #tpu.memory_space<vmem>>) target(%dma_start3A_64 : memref<128x128xf32, #tpu.memory_space<vmem_shared>>) target_semaphore(%run_scoped3A : memref<!tpu.dma_semaphore, #tpu.memory_space<semaphore_mem>>)
        %dma_wait3A = arith.constant 0 : i32
        %dma_wait3A_65 = tpu.memref_slice %arg12[%add3A_16, %dma_wait3A] : memref<10240x128xf32, #tpu.memory_space<vmem_shared>> -> memref<128x128xf32, #tpu.memory_space<vmem_shared>>
        %dma_wait3A_66 = arith.constant 0 : i32
        %dma_wait3A_67 = tpu.memref_slice %arg12[%add3A_16, %dma_wait3A_66] : memref<10240x128xf32, #tpu.memory_space<vmem_shared>> -> memref<128x128xf32, #tpu.memory_space<vmem_shared>>
        tpu.wait_dma2 semaphore(%run_scoped3A : memref<!tpu.dma_semaphore, #tpu.memory_space<semaphore_mem>>) src(%arg10 : memref<128x128xf32, #tpu.memory_space<vmem>>) dst(%dma_wait3A_67 : memref<128x128xf32, #tpu.memory_space<vmem_shared>>)
        tpu.yield
      }) : () -> ()
      %add3A_17 = arith.constant 384 : i32
      %add3A_18 = arith.addi %mul3A_11, %add3A_17 : i32
      "tpu.region"() ({
        %run_scoped3A = tpu.sem_alloc : memref<!tpu.dma_semaphore, #tpu.memory_space<semaphore_mem>>
        %dma_start3A_61 = arith.constant 0 : i32
        %dma_start3A_62 = tpu.memref_slice %arg12[%add3A_18, %dma_start3A_61] : memref<10240x128xf32, #tpu.memory_space<vmem_shared>> -> memref<128x128xf32, #tpu.memory_space<vmem_shared>>
        %dma_start3A_63 = arith.constant 0 : i32
        %dma_start3A_64 = tpu.memref_slice %arg12[%add3A_18, %dma_start3A_63] : memref<10240x128xf32, #tpu.memory_space<vmem_shared>> -> memref<128x128xf32, #tpu.memory_space<vmem_shared>>
        tpu.enqueue_dma source(%arg10 : memref<128x128xf32, #tpu.memory_space<vmem>>) target(%dma_start3A_64 : memref<128x128xf32, #tpu.memory_space<vmem_shared>>) target_semaphore(%run_scoped3A : memref<!tpu.dma_semaphore, #tpu.memory_space<semaphore_mem>>)
        %dma_wait3A = arith.constant 0 : i32
        %dma_wait3A_65 = tpu.memref_slice %arg12[%add3A_18, %dma_wait3A] : memref<10240x128xf32, #tpu.memory_space<vmem_shared>> -> memref<128x128xf32, #tpu.memory_space<vmem_shared>>
        %dma_wait3A_66 = arith.constant 0 : i32
        %dma_wait3A_67 = tpu.memref_slice %arg12[%add3A_18, %dma_wait3A_66] : memref<10240x128xf32, #tpu.memory_space<vmem_shared>> -> memref<128x128xf32, #tpu.memory_space<vmem_shared>>
        tpu.wait_dma2 semaphore(%run_scoped3A : memref<!tpu.dma_semaphore, #tpu.memory_space<semaphore_mem>>) src(%arg10 : memref<128x128xf32, #tpu.memory_space<vmem>>) dst(%dma_wait3A_67 : memref<128x128xf32, #tpu.memory_space<vmem_shared>>)
        tpu.yield
      }) : () -> ()
      %add3A_19 = arith.constant 512 : i32
      %add3A_20 = arith.addi %mul3A_11, %add3A_19 : i32
      "tpu.region"() ({
        %run_scoped3A = tpu.sem_alloc : memref<!tpu.dma_semaphore, #tpu.memory_space<semaphore_mem>>
        %dma_start3A_61 = arith.constant 0 : i32
        %dma_start3A_62 = tpu.memref_slice %arg12[%add3A_20, %dma_start3A_61] : memref<10240x128xf32, #tpu.memory_space<vmem_shared>> -> memref<128x128xf32, #tpu.memory_space<vmem_shared>>
        %dma_start3A_63 = arith.constant 0 : i32
        %dma_start3A_64 = tpu.memref_slice %arg12[%add3A_20, %dma_start3A_63] : memref<10240x128xf32, #tpu.memory_space<vmem_shared>> -> memref<128x128xf32, #tpu.memory_space<vmem_shared>>
        tpu.enqueue_dma source(%arg10 : memref<128x128xf32, #tpu.memory_space<vmem>>) target(%dma_start3A_64 : memref<128x128xf32, #tpu.memory_space<vmem_shared>>) target_semaphore(%run_scoped3A : memref<!tpu.dma_semaphore, #tpu.memory_space<semaphore_mem>>)
        %dma_wait3A = arith.constant 0 : i32
        %dma_wait3A_65 = tpu.memref_slice %arg12[%add3A_20, %dma_wait3A] : memref<10240x128xf32, #tpu.memory_space<vmem_shared>> -> memref<128x128xf32, #tpu.memory_space<vmem_shared>>
        %dma_wait3A_66 = arith.constant 0 : i32
        %dma_wait3A_67 = tpu.memref_slice %arg12[%add3A_20, %dma_wait3A_66] : memref<10240x128xf32, #tpu.memory_space<vmem_shared>> -> memref<128x128xf32, #tpu.memory_space<vmem_shared>>
        tpu.wait_dma2 semaphore(%run_scoped3A : memref<!tpu.dma_semaphore, #tpu.memory_space<semaphore_mem>>) src(%arg10 : memref<128x128xf32, #tpu.memory_space<vmem>>) dst(%dma_wait3A_67 : memref<128x128xf32, #tpu.memory_space<vmem_shared>>)
        tpu.yield
      }) : () -> ()
      %barrier3A = arith.constant 0 : index
      tpu.barrier barrier_id(%barrier3A)
      %mul3A_21 = arith.constant 80 : i32
      %mul3A_22 = arith.muli %arg1, %mul3A_21 : i32
      %add3A_23 = arith.constant 0 : i32
      %add3A_24 = arith.addi %mul3A_22, %add3A_23 : i32
      "tpu.region"() ({
        %run_scoped3A = tpu.sem_alloc : memref<!tpu.dma_semaphore, #tpu.memory_space<semaphore_mem>>
        %dma_start3A_61 = arith.constant 0 : i32
        %dma_start3A_62 = tpu.memref_slice %arg4[%add3A_24, %dma_start3A_61] : memref<1280x128xi32, #tpu.memory_space<hbm>> -> memref<40x128xi32, #tpu.memory_space<hbm>>
        %dma_start3A_63 = arith.constant 0 : i32
        %dma_start3A_64 = tpu.memref_slice %arg4[%add3A_24, %dma_start3A_63] : memref<1280x128xi32, #tpu.memory_space<hbm>> -> memref<40x128xi32, #tpu.memory_space<hbm>>
        tpu.enqueue_dma source(%dma_start3A_64 : memref<40x128xi32, #tpu.memory_space<hbm>>) target(%arg8 : memref<40x128xi32, #tpu.memory_space<vmem>>) target_semaphore(%run_scoped3A : memref<!tpu.dma_semaphore, #tpu.memory_space<semaphore_mem>>)
        %dma_wait3A = arith.constant 0 : i32
        %dma_wait3A_65 = tpu.memref_slice %arg4[%add3A_24, %dma_wait3A] : memref<1280x128xi32, #tpu.memory_space<hbm>> -> memref<40x128xi32, #tpu.memory_space<hbm>>
        %dma_wait3A_66 = arith.constant 0 : i32
        %dma_wait3A_67 = tpu.memref_slice %arg4[%add3A_24, %dma_wait3A_66] : memref<1280x128xi32, #tpu.memory_space<hbm>> -> memref<40x128xi32, #tpu.memory_space<hbm>>
        tpu.wait_dma2 semaphore(%run_scoped3A : memref<!tpu.dma_semaphore, #tpu.memory_space<semaphore_mem>>) src(%dma_wait3A_67 : memref<40x128xi32, #tpu.memory_space<hbm>>) dst(%arg8 : memref<40x128xi32, #tpu.memory_space<vmem>>)
        tpu.yield
      }) : () -> ()
      %mul3A_25 = arith.constant 80 : i32
      %mul3A_26 = arith.muli %arg1, %mul3A_25 : i32
      %add3A_27 = arith.constant 0 : i32
      %add3A_28 = arith.addi %mul3A_26, %add3A_27 : i32
      "tpu.region"() ({
        %run_scoped3A = tpu.sem_alloc : memref<!tpu.dma_semaphore, #tpu.memory_space<semaphore_mem>>
        %dma_start3A_61 = arith.constant 0 : i32
        %dma_start3A_62 = tpu.memref_slice %arg5[%add3A_28, %dma_start3A_61] : memref<1280x128xi32, #tpu.memory_space<hbm>> -> memref<40x128xi32, #tpu.memory_space<hbm>>
        %dma_start3A_63 = arith.constant 0 : i32
        %dma_start3A_64 = tpu.memref_slice %arg5[%add3A_28, %dma_start3A_63] : memref<1280x128xi32, #tpu.memory_space<hbm>> -> memref<40x128xi32, #tpu.memory_space<hbm>>
        tpu.enqueue_dma source(%dma_start3A_64 : memref<40x128xi32, #tpu.memory_space<hbm>>) target(%arg9 : memref<40x128xi32, #tpu.memory_space<vmem>>) target_semaphore(%run_scoped3A : memref<!tpu.dma_semaphore, #tpu.memory_space<semaphore_mem>>)
        %dma_wait3A = arith.constant 0 : i32
        %dma_wait3A_65 = tpu.memref_slice %arg5[%add3A_28, %dma_wait3A] : memref<1280x128xi32, #tpu.memory_space<hbm>> -> memref<40x128xi32, #tpu.memory_space<hbm>>
        %dma_wait3A_66 = arith.constant 0 : i32
        %dma_wait3A_67 = tpu.memref_slice %arg5[%add3A_28, %dma_wait3A_66] : memref<1280x128xi32, #tpu.memory_space<hbm>> -> memref<40x128xi32, #tpu.memory_space<hbm>>
        tpu.wait_dma2 semaphore(%run_scoped3A : memref<!tpu.dma_semaphore, #tpu.memory_space<semaphore_mem>>) src(%dma_wait3A_67 : memref<40x128xi32, #tpu.memory_space<hbm>>) dst(%arg9 : memref<40x128xi32, #tpu.memory_space<vmem>>)
        tpu.yield
      }) : () -> ()
      %dma_start3A = arith.constant 0 : i32
      %dma_start3A_29 = arith.constant 0 : i32
      %dma_start3A_30 = tpu.memref_slice %arg8[%dma_start3A, %dma_start3A_29] : memref<40x128xi32, #tpu.memory_space<vmem>> -> memref<1x128xi32, #tpu.memory_space<vmem>>
      %dma_start3A_31 = tpu.memref_squeeze %dma_start3A_30 : memref<1x128xi32, #tpu.memory_space<vmem>> -> memref<128xi32, #tpu.memory_space<vmem>>
      %dma_start3A_32 = arith.constant 0 : i32
      %dma_start3A_33 = arith.constant 0 : i32
      %dma_start3A_34 = tpu.memref_slice %arg2[%dma_start3A_32, %dma_start3A_33] : memref<10000x128xf32, #tpu.memory_space<hbm>> -> memref<10000x128xf32, #tpu.memory_space<hbm>>
      tpu.enqueue_indirect_dma source(%dma_start3A_34 : memref<10000x128xf32, #tpu.memory_space<hbm>>) target(%arg10 : memref<128x128xf32, #tpu.memory_space<vmem>>) offsets(%dma_start3A_31 : memref<128xi32, #tpu.memory_space<vmem>>) semaphore(%arg13 : memref<!tpu.dma_semaphore, #tpu.memory_space<semaphore_mem>>)
      %scan3A_35 = arith.constant 0 : i32
      %scan3A_36 = arith.constant 20 : i32
      %scan3A_37 = arith.addi %scan3A_35, %scan3A_36 : i32
      %scan3A_38 = arith.constant 1 : i32
      scf.for %scan3A_61 = %scan3A_35 to %scan3A_37 step %scan3A_38  : i32 {
        %mul3A_62 = arith.constant 2 : i32
        %mul3A_63 = arith.muli %mul3A_62, %scan3A_61 : i32
        %dma_wait3A = arith.constant 0 : i32
        %dma_wait3A_64 = tpu.memref_slice %arg8[%mul3A_63, %dma_wait3A] : memref<40x128xi32, #tpu.memory_space<vmem>> -> memref<1x128xi32, #tpu.memory_space<vmem>>
        %dma_wait3A_65 = tpu.memref_squeeze %dma_wait3A_64 : memref<1x128xi32, #tpu.memory_space<vmem>> -> memref<128xi32, #tpu.memory_space<vmem>>
        %dma_wait3A_66 = arith.constant 0 : i32
        %dma_wait3A_67 = arith.constant 0 : i32
        %dma_wait3A_68 = tpu.memref_slice %arg2[%dma_wait3A_66, %dma_wait3A_67] : memref<10000x128xf32, #tpu.memory_space<hbm>> -> memref<10000x128xf32, #tpu.memory_space<hbm>>
        tpu.wait_indirect_dma semaphore(%arg13 : memref<!tpu.dma_semaphore, #tpu.memory_space<semaphore_mem>>) src(%dma_wait3A_68 : memref<10000x128xf32, #tpu.memory_space<hbm>>) dst(%arg10 : memref<128x128xf32, #tpu.memory_space<vmem>>)
        %add3A_69 = arith.constant 1 : i32
        %add3A_70 = arith.addi %mul3A_63, %add3A_69 : i32
        %dma_start3A_71 = arith.constant 0 : i32
        %dma_start3A_72 = tpu.memref_slice %arg8[%add3A_70, %dma_start3A_71] : memref<40x128xi32, #tpu.memory_space<vmem>> -> memref<1x128xi32, #tpu.memory_space<vmem>>
        %dma_start3A_73 = tpu.memref_squeeze %dma_start3A_72 : memref<1x128xi32, #tpu.memory_space<vmem>> -> memref<128xi32, #tpu.memory_space<vmem>>
        %dma_start3A_74 = arith.constant 0 : i32
        %dma_start3A_75 = arith.constant 0 : i32
        %dma_start3A_76 = tpu.memref_slice %arg2[%dma_start3A_74, %dma_start3A_75] : memref<10000x128xf32, #tpu.memory_space<hbm>> -> memref<10000x128xf32, #tpu.memory_space<hbm>>
        tpu.enqueue_indirect_dma source(%dma_start3A_76 : memref<10000x128xf32, #tpu.memory_space<hbm>>) target(%arg11 : memref<128x128xf32, #tpu.memory_space<vmem>>) offsets(%dma_start3A_73 : memref<128xi32, #tpu.memory_space<vmem>>) semaphore(%arg14 : memref<!tpu.dma_semaphore, #tpu.memory_space<semaphore_mem>>)
        "tpu.region"() ({
          %run_scoped3A = tpu.sem_alloc : memref<!tpu.dma_semaphore, #tpu.memory_space<semaphore_mem>>
          %dma_start3A_91 = arith.constant 0 : i32
          %dma_start3A_92 = tpu.memref_slice %arg9[%mul3A_63, %dma_start3A_91] : memref<40x128xi32, #tpu.memory_space<vmem>> -> memref<1x128xi32, #tpu.memory_space<vmem>>
          %dma_start3A_93 = tpu.memref_squeeze %dma_start3A_92 : memref<1x128xi32, #tpu.memory_space<vmem>> -> memref<128xi32, #tpu.memory_space<vmem>>
          %dma_start3A_94 = arith.constant 0 : i32
          %dma_start3A_95 = arith.constant 0 : i32
          %dma_start3A_96 = tpu.memref_slice %arg12[%dma_start3A_94, %dma_start3A_95] : memref<10240x128xf32, #tpu.memory_space<vmem_shared>> -> memref<10240x128xf32, #tpu.memory_space<vmem_shared>>
          tpu.enqueue_indirect_dma source(%arg10 : memref<128x128xf32, #tpu.memory_space<vmem>>) target(%dma_start3A_96 : memref<10240x128xf32, #tpu.memory_space<vmem_shared>>) offsets(%dma_start3A_93 : memref<128xi32, #tpu.memory_space<vmem>>) semaphore(%run_scoped3A : memref<!tpu.dma_semaphore, #tpu.memory_space<semaphore_mem>>) {add = true}
          %dma_wait3A_97 = arith.constant 0 : i32
          %dma_wait3A_98 = tpu.memref_slice %arg9[%mul3A_63, %dma_wait3A_97] : memref<40x128xi32, #tpu.memory_space<vmem>> -> memref<1x128xi32, #tpu.memory_space<vmem>>
          %dma_wait3A_99 = tpu.memref_squeeze %dma_wait3A_98 : memref<1x128xi32, #tpu.memory_space<vmem>> -> memref<128xi32, #tpu.memory_space<vmem>>
          %dma_wait3A_100 = arith.constant 0 : i32
          %dma_wait3A_101 = arith.constant 0 : i32
          %dma_wait3A_102 = tpu.memref_slice %arg12[%dma_wait3A_100, %dma_wait3A_101] : memref<10240x128xf32, #tpu.memory_space<vmem_shared>> -> memref<10240x128xf32, #tpu.memory_space<vmem_shared>>
          tpu.wait_indirect_dma semaphore(%run_scoped3A : memref<!tpu.dma_semaphore, #tpu.memory_space<semaphore_mem>>) src(%arg10 : memref<128x128xf32, #tpu.memory_space<vmem>>) dst(%dma_wait3A_102 : memref<10240x128xf32, #tpu.memory_space<vmem_shared>>)
          tpu.yield
        }) : () -> ()
        %add3A_77 = arith.constant 1 : i32
        %add3A_78 = arith.addi %mul3A_63, %add3A_77 : i32
        %dma_wait3A_79 = arith.constant 0 : i32
        %dma_wait3A_80 = tpu.memref_slice %arg8[%add3A_78, %dma_wait3A_79] : memref<40x128xi32, #tpu.memory_space<vmem>> -> memref<1x128xi32, #tpu.memory_space<vmem>>
        %dma_wait3A_81 = tpu.memref_squeeze %dma_wait3A_80 : memref<1x128xi32, #tpu.memory_space<vmem>> -> memref<128xi32, #tpu.memory_space<vmem>>
        %dma_wait3A_82 = arith.constant 0 : i32
        %dma_wait3A_83 = arith.constant 0 : i32
        %dma_wait3A_84 = tpu.memref_slice %arg2[%dma_wait3A_82, %dma_wait3A_83] : memref<10000x128xf32, #tpu.memory_space<hbm>> -> memref<10000x128xf32, #tpu.memory_space<hbm>>
        tpu.wait_indirect_dma semaphore(%arg14 : memref<!tpu.dma_semaphore, #tpu.memory_space<semaphore_mem>>) src(%dma_wait3A_84 : memref<10000x128xf32, #tpu.memory_space<hbm>>) dst(%arg11 : memref<128x128xf32, #tpu.memory_space<vmem>>)
        %lt3A = arith.constant 19 : i32
        %lt3A_85 = arith.cmpi slt, %scan3A_61, %lt3A : i32
        %convert_element_type3A_86 = arith.extui %lt3A_85 : i1 to i32
        %cond3A_87 = arith.constant 0 : i32
        %cond3A_88 = arith.cmpi ne, %convert_element_type3A_86, %cond3A_87 : i32
        scf.if %cond3A_88 {
          %add3A_91 = arith.constant 2 : i32
          %add3A_92 = arith.addi %mul3A_63, %add3A_91 : i32
          %dma_start3A_93 = arith.constant 0 : i32
          %dma_start3A_94 = tpu.memref_slice %arg8[%add3A_92, %dma_start3A_93] : memref<40x128xi32, #tpu.memory_space<vmem>> -> memref<1x128xi32, #tpu.memory_space<vmem>>
          %dma_start3A_95 = tpu.memref_squeeze %dma_start3A_94 : memref<1x128xi32, #tpu.memory_space<vmem>> -> memref<128xi32, #tpu.memory_space<vmem>>
          %dma_start3A_96 = arith.constant 0 : i32
          %dma_start3A_97 = arith.constant 0 : i32
          %dma_start3A_98 = tpu.memref_slice %arg2[%dma_start3A_96, %dma_start3A_97] : memref<10000x128xf32, #tpu.memory_space<hbm>> -> memref<10000x128xf32, #tpu.memory_space<hbm>>
          tpu.enqueue_indirect_dma source(%dma_start3A_98 : memref<10000x128xf32, #tpu.memory_space<hbm>>) target(%arg10 : memref<128x128xf32, #tpu.memory_space<vmem>>) offsets(%dma_start3A_95 : memref<128xi32, #tpu.memory_space<vmem>>) semaphore(%arg13 : memref<!tpu.dma_semaphore, #tpu.memory_space<semaphore_mem>>)
        } else {
        }
        %add3A_89 = arith.constant 1 : i32
        %add3A_90 = arith.addi %mul3A_63, %add3A_89 : i32
        "tpu.region"() ({
          %run_scoped3A = tpu.sem_alloc : memref<!tpu.dma_semaphore, #tpu.memory_space<semaphore_mem>>
          %dma_start3A_91 = arith.constant 0 : i32
          %dma_start3A_92 = tpu.memref_slice %arg9[%add3A_90, %dma_start3A_91] : memref<40x128xi32, #tpu.memory_space<vmem>> -> memref<1x128xi32, #tpu.memory_space<vmem>>
          %dma_start3A_93 = tpu.memref_squeeze %dma_start3A_92 : memref<1x128xi32, #tpu.memory_space<vmem>> -> memref<128xi32, #tpu.memory_space<vmem>>
          %dma_start3A_94 = arith.constant 0 : i32
          %dma_start3A_95 = arith.constant 0 : i32
          %dma_start3A_96 = tpu.memref_slice %arg12[%dma_start3A_94, %dma_start3A_95] : memref<10240x128xf32, #tpu.memory_space<vmem_shared>> -> memref<10240x128xf32, #tpu.memory_space<vmem_shared>>
          tpu.enqueue_indirect_dma source(%arg11 : memref<128x128xf32, #tpu.memory_space<vmem>>) target(%dma_start3A_96 : memref<10240x128xf32, #tpu.memory_space<vmem_shared>>) offsets(%dma_start3A_93 : memref<128xi32, #tpu.memory_space<vmem>>) semaphore(%run_scoped3A : memref<!tpu.dma_semaphore, #tpu.memory_space<semaphore_mem>>) {add = true}
          %dma_wait3A_97 = arith.constant 0 : i32
          %dma_wait3A_98 = tpu.memref_slice %arg9[%add3A_90, %dma_wait3A_97] : memref<40x128xi32, #tpu.memory_space<vmem>> -> memref<1x128xi32, #tpu.memory_space<vmem>>
          %dma_wait3A_99 = tpu.memref_squeeze %dma_wait3A_98 : memref<1x128xi32, #tpu.memory_space<vmem>> -> memref<128xi32, #tpu.memory_space<vmem>>
          %dma_wait3A_100 = arith.constant 0 : i32
          %dma_wait3A_101 = arith.constant 0 : i32
          %dma_wait3A_102 = tpu.memref_slice %arg12[%dma_wait3A_100, %dma_wait3A_101] : memref<10240x128xf32, #tpu.memory_space<vmem_shared>> -> memref<10240x128xf32, #tpu.memory_space<vmem_shared>>
          tpu.wait_indirect_dma semaphore(%run_scoped3A : memref<!tpu.dma_semaphore, #tpu.memory_space<semaphore_mem>>) src(%arg11 : memref<128x128xf32, #tpu.memory_space<vmem>>) dst(%dma_wait3A_102 : memref<10240x128xf32, #tpu.memory_space<vmem_shared>>)
          tpu.yield
        }) : () -> ()
      }
      %scan3A_39 = arith.constant 20 : i32
      %mul3A_40 = arith.constant 80 : i32
      %mul3A_41 = arith.muli %arg1, %mul3A_40 : i32
      %add3A_42 = arith.constant 40 : i32
      %add3A_43 = arith.addi %mul3A_41, %add3A_42 : i32
      "tpu.region"() ({
        %run_scoped3A = tpu.sem_alloc : memref<!tpu.dma_semaphore, #tpu.memory_space<semaphore_mem>>
        %dma_start3A_61 = arith.constant 0 : i32
        %dma_start3A_62 = tpu.memref_slice %arg4[%add3A_43, %dma_start3A_61] : memref<1280x128xi32, #tpu.memory_space<hbm>> -> memref<40x128xi32, #tpu.memory_space<hbm>>
        %dma_start3A_63 = arith.constant 0 : i32
        %dma_start3A_64 = tpu.memref_slice %arg4[%add3A_43, %dma_start3A_63] : memref<1280x128xi32, #tpu.memory_space<hbm>> -> memref<40x128xi32, #tpu.memory_space<hbm>>
        tpu.enqueue_dma source(%dma_start3A_64 : memref<40x128xi32, #tpu.memory_space<hbm>>) target(%arg8 : memref<40x128xi32, #tpu.memory_space<vmem>>) target_semaphore(%run_scoped3A : memref<!tpu.dma_semaphore, #tpu.memory_space<semaphore_mem>>)
        %dma_wait3A = arith.constant 0 : i32
        %dma_wait3A_65 = tpu.memref_slice %arg4[%add3A_43, %dma_wait3A] : memref<1280x128xi32, #tpu.memory_space<hbm>> -> memref<40x128xi32, #tpu.memory_space<hbm>>
        %dma_wait3A_66 = arith.constant 0 : i32
        %dma_wait3A_67 = tpu.memref_slice %arg4[%add3A_43, %dma_wait3A_66] : memref<1280x128xi32, #tpu.memory_space<hbm>> -> memref<40x128xi32, #tpu.memory_space<hbm>>
        tpu.wait_dma2 semaphore(%run_scoped3A : memref<!tpu.dma_semaphore, #tpu.memory_space<semaphore_mem>>) src(%dma_wait3A_67 : memref<40x128xi32, #tpu.memory_space<hbm>>) dst(%arg8 : memref<40x128xi32, #tpu.memory_space<vmem>>)
        tpu.yield
      }) : () -> ()
      %mul3A_44 = arith.constant 80 : i32
      %mul3A_45 = arith.muli %arg1, %mul3A_44 : i32
      %add3A_46 = arith.constant 40 : i32
      %add3A_47 = arith.addi %mul3A_45, %add3A_46 : i32
      "tpu.region"() ({
        %run_scoped3A = tpu.sem_alloc : memref<!tpu.dma_semaphore, #tpu.memory_space<semaphore_mem>>
        %dma_start3A_61 = arith.constant 0 : i32
        %dma_start3A_62 = tpu.memref_slice %arg5[%add3A_47, %dma_start3A_61] : memref<1280x128xi32, #tpu.memory_space<hbm>> -> memref<40x128xi32, #tpu.memory_space<hbm>>
        %dma_start3A_63 = arith.constant 0 : i32
        %dma_start3A_64 = tpu.memref_slice %arg5[%add3A_47, %dma_start3A_63] : memref<1280x128xi32, #tpu.memory_space<hbm>> -> memref<40x128xi32, #tpu.memory_space<hbm>>
        tpu.enqueue_dma source(%dma_start3A_64 : memref<40x128xi32, #tpu.memory_space<hbm>>) target(%arg9 : memref<40x128xi32, #tpu.memory_space<vmem>>) target_semaphore(%run_scoped3A : memref<!tpu.dma_semaphore, #tpu.memory_space<semaphore_mem>>)
        %dma_wait3A = arith.constant 0 : i32
        %dma_wait3A_65 = tpu.memref_slice %arg5[%add3A_47, %dma_wait3A] : memref<1280x128xi32, #tpu.memory_space<hbm>> -> memref<40x128xi32, #tpu.memory_space<hbm>>
        %dma_wait3A_66 = arith.constant 0 : i32
        %dma_wait3A_67 = tpu.memref_slice %arg5[%add3A_47, %dma_wait3A_66] : memref<1280x128xi32, #tpu.memory_space<hbm>> -> memref<40x128xi32, #tpu.memory_space<hbm>>
        tpu.wait_dma2 semaphore(%run_scoped3A : memref<!tpu.dma_semaphore, #tpu.memory_space<semaphore_mem>>) src(%dma_wait3A_67 : memref<40x128xi32, #tpu.memory_space<hbm>>) dst(%arg9 : memref<40x128xi32, #tpu.memory_space<vmem>>)
        tpu.yield
      }) : () -> ()
      %dma_start3A_48 = arith.constant 0 : i32
      %dma_start3A_49 = arith.constant 0 : i32
      %dma_start3A_50 = tpu.memref_slice %arg8[%dma_start3A_48, %dma_start3A_49] : memref<40x128xi32, #tpu.memory_space<vmem>> -> memref<1x128xi32, #tpu.memory_space<vmem>>
      %dma_start3A_51 = tpu.memref_squeeze %dma_start3A_50 : memref<1x128xi32, #tpu.memory_space<vmem>> -> memref<128xi32, #tpu.memory_space<vmem>>
      %dma_start3A_52 = arith.constant 0 : i32
      %dma_start3A_53 = arith.constant 0 : i32
      %dma_start3A_54 = tpu.memref_slice %arg2[%dma_start3A_52, %dma_start3A_53] : memref<10000x128xf32, #tpu.memory_space<hbm>> -> memref<10000x128xf32, #tpu.memory_space<hbm>>
      tpu.enqueue_indirect_dma source(%dma_start3A_54 : memref<10000x128xf32, #tpu.memory_space<hbm>>) target(%arg10 : memref<128x128xf32, #tpu.memory_space<vmem>>) offsets(%dma_start3A_51 : memref<128xi32, #tpu.memory_space<vmem>>) semaphore(%arg13 : memref<!tpu.dma_semaphore, #tpu.memory_space<semaphore_mem>>)
      %scan3A_55 = arith.constant 0 : i32
      %scan3A_56 = arith.constant 20 : i32
      %scan3A_57 = arith.addi %scan3A_55, %scan3A_56 : i32
      %scan3A_58 = arith.constant 1 : i32
      scf.for %scan3A_61 = %scan3A_55 to %scan3A_57 step %scan3A_58  : i32 {
        %mul3A_62 = arith.constant 2 : i32
        %mul3A_63 = arith.muli %mul3A_62, %scan3A_61 : i32
        %dma_wait3A = arith.constant 0 : i32
        %dma_wait3A_64 = tpu.memref_slice %arg8[%mul3A_63, %dma_wait3A] : memref<40x128xi32, #tpu.memory_space<vmem>> -> memref<1x128xi32, #tpu.memory_space<vmem>>
        %dma_wait3A_65 = tpu.memref_squeeze %dma_wait3A_64 : memref<1x128xi32, #tpu.memory_space<vmem>> -> memref<128xi32, #tpu.memory_space<vmem>>
        %dma_wait3A_66 = arith.constant 0 : i32
        %dma_wait3A_67 = arith.constant 0 : i32
        %dma_wait3A_68 = tpu.memref_slice %arg2[%dma_wait3A_66, %dma_wait3A_67] : memref<10000x128xf32, #tpu.memory_space<hbm>> -> memref<10000x128xf32, #tpu.memory_space<hbm>>
        tpu.wait_indirect_dma semaphore(%arg13 : memref<!tpu.dma_semaphore, #tpu.memory_space<semaphore_mem>>) src(%dma_wait3A_68 : memref<10000x128xf32, #tpu.memory_space<hbm>>) dst(%arg10 : memref<128x128xf32, #tpu.memory_space<vmem>>)
        %add3A_69 = arith.constant 1 : i32
        %add3A_70 = arith.addi %mul3A_63, %add3A_69 : i32
        %dma_start3A_71 = arith.constant 0 : i32
        %dma_start3A_72 = tpu.memref_slice %arg8[%add3A_70, %dma_start3A_71] : memref<40x128xi32, #tpu.memory_space<vmem>> -> memref<1x128xi32, #tpu.memory_space<vmem>>
        %dma_start3A_73 = tpu.memref_squeeze %dma_start3A_72 : memref<1x128xi32, #tpu.memory_space<vmem>> -> memref<128xi32, #tpu.memory_space<vmem>>
        %dma_start3A_74 = arith.constant 0 : i32
        %dma_start3A_75 = arith.constant 0 : i32
        %dma_start3A_76 = tpu.memref_slice %arg2[%dma_start3A_74, %dma_start3A_75] : memref<10000x128xf32, #tpu.memory_space<hbm>> -> memref<10000x128xf32, #tpu.memory_space<hbm>>
        tpu.enqueue_indirect_dma source(%dma_start3A_76 : memref<10000x128xf32, #tpu.memory_space<hbm>>) target(%arg11 : memref<128x128xf32, #tpu.memory_space<vmem>>) offsets(%dma_start3A_73 : memref<128xi32, #tpu.memory_space<vmem>>) semaphore(%arg14 : memref<!tpu.dma_semaphore, #tpu.memory_space<semaphore_mem>>)
        "tpu.region"() ({
          %run_scoped3A = tpu.sem_alloc : memref<!tpu.dma_semaphore, #tpu.memory_space<semaphore_mem>>
          %dma_start3A_91 = arith.constant 0 : i32
          %dma_start3A_92 = tpu.memref_slice %arg9[%mul3A_63, %dma_start3A_91] : memref<40x128xi32, #tpu.memory_space<vmem>> -> memref<1x128xi32, #tpu.memory_space<vmem>>
          %dma_start3A_93 = tpu.memref_squeeze %dma_start3A_92 : memref<1x128xi32, #tpu.memory_space<vmem>> -> memref<128xi32, #tpu.memory_space<vmem>>
          %dma_start3A_94 = arith.constant 0 : i32
          %dma_start3A_95 = arith.constant 0 : i32
          %dma_start3A_96 = tpu.memref_slice %arg12[%dma_start3A_94, %dma_start3A_95] : memref<10240x128xf32, #tpu.memory_space<vmem_shared>> -> memref<10240x128xf32, #tpu.memory_space<vmem_shared>>
          tpu.enqueue_indirect_dma source(%arg10 : memref<128x128xf32, #tpu.memory_space<vmem>>) target(%dma_start3A_96 : memref<10240x128xf32, #tpu.memory_space<vmem_shared>>) offsets(%dma_start3A_93 : memref<128xi32, #tpu.memory_space<vmem>>) semaphore(%run_scoped3A : memref<!tpu.dma_semaphore, #tpu.memory_space<semaphore_mem>>) {add = true}
          %dma_wait3A_97 = arith.constant 0 : i32
          %dma_wait3A_98 = tpu.memref_slice %arg9[%mul3A_63, %dma_wait3A_97] : memref<40x128xi32, #tpu.memory_space<vmem>> -> memref<1x128xi32, #tpu.memory_space<vmem>>
          %dma_wait3A_99 = tpu.memref_squeeze %dma_wait3A_98 : memref<1x128xi32, #tpu.memory_space<vmem>> -> memref<128xi32, #tpu.memory_space<vmem>>
          %dma_wait3A_100 = arith.constant 0 : i32
          %dma_wait3A_101 = arith.constant 0 : i32
          %dma_wait3A_102 = tpu.memref_slice %arg12[%dma_wait3A_100, %dma_wait3A_101] : memref<10240x128xf32, #tpu.memory_space<vmem_shared>> -> memref<10240x128xf32, #tpu.memory_space<vmem_shared>>
          tpu.wait_indirect_dma semaphore(%run_scoped3A : memref<!tpu.dma_semaphore, #tpu.memory_space<semaphore_mem>>) src(%arg10 : memref<128x128xf32, #tpu.memory_space<vmem>>) dst(%dma_wait3A_102 : memref<10240x128xf32, #tpu.memory_space<vmem_shared>>)
          tpu.yield
        }) : () -> ()
        %add3A_77 = arith.constant 1 : i32
        %add3A_78 = arith.addi %mul3A_63, %add3A_77 : i32
        %dma_wait3A_79 = arith.constant 0 : i32
        %dma_wait3A_80 = tpu.memref_slice %arg8[%add3A_78, %dma_wait3A_79] : memref<40x128xi32, #tpu.memory_space<vmem>> -> memref<1x128xi32, #tpu.memory_space<vmem>>
        %dma_wait3A_81 = tpu.memref_squeeze %dma_wait3A_80 : memref<1x128xi32, #tpu.memory_space<vmem>> -> memref<128xi32, #tpu.memory_space<vmem>>
        %dma_wait3A_82 = arith.constant 0 : i32
        %dma_wait3A_83 = arith.constant 0 : i32
        %dma_wait3A_84 = tpu.memref_slice %arg2[%dma_wait3A_82, %dma_wait3A_83] : memref<10000x128xf32, #tpu.memory_space<hbm>> -> memref<10000x128xf32, #tpu.memory_space<hbm>>
        tpu.wait_indirect_dma semaphore(%arg14 : memref<!tpu.dma_semaphore, #tpu.memory_space<semaphore_mem>>) src(%dma_wait3A_84 : memref<10000x128xf32, #tpu.memory_space<hbm>>) dst(%arg11 : memref<128x128xf32, #tpu.memory_space<vmem>>)
        %lt3A = arith.constant 19 : i32
        %lt3A_85 = arith.cmpi slt, %scan3A_61, %lt3A : i32
        %convert_element_type3A_86 = arith.extui %lt3A_85 : i1 to i32
        %cond3A_87 = arith.constant 0 : i32
        %cond3A_88 = arith.cmpi ne, %convert_element_type3A_86, %cond3A_87 : i32
        scf.if %cond3A_88 {
          %add3A_91 = arith.constant 2 : i32
          %add3A_92 = arith.addi %mul3A_63, %add3A_91 : i32
          %dma_start3A_93 = arith.constant 0 : i32
          %dma_start3A_94 = tpu.memref_slice %arg8[%add3A_92, %dma_start3A_93] : memref<40x128xi32, #tpu.memory_space<vmem>> -> memref<1x128xi32, #tpu.memory_space<vmem>>
          %dma_start3A_95 = tpu.memref_squeeze %dma_start3A_94 : memref<1x128xi32, #tpu.memory_space<vmem>> -> memref<128xi32, #tpu.memory_space<vmem>>
          %dma_start3A_96 = arith.constant 0 : i32
          %dma_start3A_97 = arith.constant 0 : i32
          %dma_start3A_98 = tpu.memref_slice %arg2[%dma_start3A_96, %dma_start3A_97] : memref<10000x128xf32, #tpu.memory_space<hbm>> -> memref<10000x128xf32, #tpu.memory_space<hbm>>
          tpu.enqueue_indirect_dma source(%dma_start3A_98 : memref<10000x128xf32, #tpu.memory_space<hbm>>) target(%arg10 : memref<128x128xf32, #tpu.memory_space<vmem>>) offsets(%dma_start3A_95 : memref<128xi32, #tpu.memory_space<vmem>>) semaphore(%arg13 : memref<!tpu.dma_semaphore, #tpu.memory_space<semaphore_mem>>)
        } else {
        }
        %add3A_89 = arith.constant 1 : i32
        %add3A_90 = arith.addi %mul3A_63, %add3A_89 : i32
        "tpu.region"() ({
          %run_scoped3A = tpu.sem_alloc : memref<!tpu.dma_semaphore, #tpu.memory_space<semaphore_mem>>
          %dma_start3A_91 = arith.constant 0 : i32
          %dma_start3A_92 = tpu.memref_slice %arg9[%add3A_90, %dma_start3A_91] : memref<40x128xi32, #tpu.memory_space<vmem>> -> memref<1x128xi32, #tpu.memory_space<vmem>>
          %dma_start3A_93 = tpu.memref_squeeze %dma_start3A_92 : memref<1x128xi32, #tpu.memory_space<vmem>> -> memref<128xi32, #tpu.memory_space<vmem>>
          %dma_start3A_94 = arith.constant 0 : i32
          %dma_start3A_95 = arith.constant 0 : i32
          %dma_start3A_96 = tpu.memref_slice %arg12[%dma_start3A_94, %dma_start3A_95] : memref<10240x128xf32, #tpu.memory_space<vmem_shared>> -> memref<10240x128xf32, #tpu.memory_space<vmem_shared>>
          tpu.enqueue_indirect_dma source(%arg11 : memref<128x128xf32, #tpu.memory_space<vmem>>) target(%dma_start3A_96 : memref<10240x128xf32, #tpu.memory_space<vmem_shared>>) offsets(%dma_start3A_93 : memref<128xi32, #tpu.memory_space<vmem>>) semaphore(%run_scoped3A : memref<!tpu.dma_semaphore, #tpu.memory_space<semaphore_mem>>) {add = true}
          %dma_wait3A_97 = arith.constant 0 : i32
          %dma_wait3A_98 = tpu.memref_slice %arg9[%add3A_90, %dma_wait3A_97] : memref<40x128xi32, #tpu.memory_space<vmem>> -> memref<1x128xi32, #tpu.memory_space<vmem>>
          %dma_wait3A_99 = tpu.memref_squeeze %dma_wait3A_98 : memref<1x128xi32, #tpu.memory_space<vmem>> -> memref<128xi32, #tpu.memory_space<vmem>>
          %dma_wait3A_100 = arith.constant 0 : i32
          %dma_wait3A_101 = arith.constant 0 : i32
          %dma_wait3A_102 = tpu.memref_slice %arg12[%dma_wait3A_100, %dma_wait3A_101] : memref<10240x128xf32, #tpu.memory_space<vmem_shared>> -> memref<10240x128xf32, #tpu.memory_space<vmem_shared>>
          tpu.wait_indirect_dma semaphore(%run_scoped3A : memref<!tpu.dma_semaphore, #tpu.memory_space<semaphore_mem>>) src(%arg11 : memref<128x128xf32, #tpu.memory_space<vmem>>) dst(%dma_wait3A_102 : memref<10240x128xf32, #tpu.memory_space<vmem_shared>>)
          tpu.yield
        }) : () -> ()
      }
      %scan3A_59 = arith.constant 20 : i32
      %barrier3A_60 = arith.constant 0 : index
      tpu.barrier barrier_id(%barrier3A_60)
      "tpu.region"() ({
        %run_scoped3A = tpu.sem_alloc : memref<!tpu.dma_semaphore, #tpu.memory_space<semaphore_mem>>
        %dma_start3A_61 = arith.constant 0 : i32
        %dma_start3A_62 = tpu.memref_slice %arg6[%mul3A_11, %dma_start3A_61] : memref<10240x128xf32, #tpu.memory_space<hbm>> -> memref<640x128xf32, #tpu.memory_space<hbm>>
        %dma_start3A_63 = arith.constant 0 : i32
        %dma_start3A_64 = tpu.memref_slice %arg12[%mul3A_11, %dma_start3A_63] : memref<10240x128xf32, #tpu.memory_space<vmem_shared>> -> memref<640x128xf32, #tpu.memory_space<vmem_shared>>
        tpu.enqueue_dma source(%dma_start3A_64 : memref<640x128xf32, #tpu.memory_space<vmem_shared>>) target(%dma_start3A_62 : memref<640x128xf32, #tpu.memory_space<hbm>>) target_semaphore(%run_scoped3A : memref<!tpu.dma_semaphore, #tpu.memory_space<semaphore_mem>>)
        %dma_wait3A = arith.constant 0 : i32
        %dma_wait3A_65 = tpu.memref_slice %arg6[%mul3A_11, %dma_wait3A] : memref<10240x128xf32, #tpu.memory_space<hbm>> -> memref<640x128xf32, #tpu.memory_space<hbm>>
        %dma_wait3A_66 = arith.constant 0 : i32
        %dma_wait3A_67 = tpu.memref_slice %arg12[%mul3A_11, %dma_wait3A_66] : memref<10240x128xf32, #tpu.memory_space<vmem_shared>> -> memref<640x128xf32, #tpu.memory_space<vmem_shared>>
        tpu.wait_dma2 semaphore(%run_scoped3A : memref<!tpu.dma_semaphore, #tpu.memory_space<semaphore_mem>>) src(%dma_wait3A_67 : memref<640x128xf32, #tpu.memory_space<vmem_shared>>) dst(%dma_wait3A_65 : memref<640x128xf32, #tpu.memory_space<hbm>>)
        tpu.yield
      }) : () -> ()
    } else {
    }
    %eq3A_2 = arith.constant 1 : i32
    %eq3A_3 = arith.cmpi eq, %arg0, %eq3A_2 : i32
    %convert_element_type3A_4 = arith.extui %eq3A_3 : i1 to i32
    %cond3A_5 = arith.constant 0 : i32
    %cond3A_6 = arith.cmpi ne, %convert_element_type3A_4, %cond3A_5 : i32
    scf.if %cond3A_6 {
      %scan3A = arith.constant 0 : i32
      %scan3A_7 = arith.constant 1024 : i32
      %scan3A_8 = arith.addi %scan3A, %scan3A_7 : i32
      %scan3A_9 = arith.constant 1 : i32
      scf.for %scan3A_61 = %scan3A to %scan3A_8 step %scan3A_9  : i32 {
        %broadcast_in_dim3A = arith.constant 0.000000e+00 : f32
        %broadcast_in_dim3A_62 = vector.broadcast %broadcast_in_dim3A : f32 to vector<16xf32>
        %shift_right_arithmetic3A = arith.constant 3 : i32
        %shift_right_arithmetic3A_63 = arith.shrsi %scan3A_61, %shift_right_arithmetic3A : i32
        %and3A = arith.constant 7 : i32
        %and3A_64 = arith.andi %scan3A_61, %and3A : i32
        %mul3A_65 = arith.constant 16 : i32
        %mul3A_66 = arith.muli %and3A_64, %mul3A_65 : i32
        %swap3A = arith.index_cast %shift_right_arithmetic3A_63 : i32 to index
        %swap3A_67 = arith.index_cast %mul3A_66 : i32 to index
        %swap3A_68 = tpu.vector_load %arg10[%swap3A, %swap3A_67] {strides = array<i32>} : memref<128x128xf32, #tpu.memory_space<vmem>>, vector<16xf32>,
        tpu.vector_store %arg10[%swap3A, %swap3A_67], %broadcast_in_dim3A_62 {strides = array<i32>} : memref<128x128xf32, #tpu.memory_space<vmem>>, vector<16xf32>,
      }
      %scan3A_10 = arith.constant 1024 : i32
      %mul3A = arith.constant 640 : i32
      %mul3A_11 = arith.muli %arg1, %mul3A : i32
      %add3A = arith.constant 0 : i32
      %add3A_12 = arith.addi %mul3A_11, %add3A : i32
      "tpu.region"() ({
        %run_scoped3A = tpu.sem_alloc : memref<!tpu.dma_semaphore, #tpu.memory_space<semaphore_mem>>
        %dma_start3A_61 = arith.constant 0 : i32
        %dma_start3A_62 = tpu.memref_slice %arg12[%add3A_12, %dma_start3A_61] : memref<10240x128xf32, #tpu.memory_space<vmem_shared>> -> memref<128x128xf32, #tpu.memory_space<vmem_shared>>
        %dma_start3A_63 = arith.constant 0 : i32
        %dma_start3A_64 = tpu.memref_slice %arg12[%add3A_12, %dma_start3A_63] : memref<10240x128xf32, #tpu.memory_space<vmem_shared>> -> memref<128x128xf32, #tpu.memory_space<vmem_shared>>
        tpu.enqueue_dma source(%arg10 : memref<128x128xf32, #tpu.memory_space<vmem>>) target(%dma_start3A_64 : memref<128x128xf32, #tpu.memory_space<vmem_shared>>) target_semaphore(%run_scoped3A : memref<!tpu.dma_semaphore, #tpu.memory_space<semaphore_mem>>)
        %dma_wait3A = arith.constant 0 : i32
        %dma_wait3A_65 = tpu.memref_slice %arg12[%add3A_12, %dma_wait3A] : memref<10240x128xf32, #tpu.memory_space<vmem_shared>> -> memref<128x128xf32, #tpu.memory_space<vmem_shared>>
        %dma_wait3A_66 = arith.constant 0 : i32
        %dma_wait3A_67 = tpu.memref_slice %arg12[%add3A_12, %dma_wait3A_66] : memref<10240x128xf32, #tpu.memory_space<vmem_shared>> -> memref<128x128xf32, #tpu.memory_space<vmem_shared>>
        tpu.wait_dma2 semaphore(%run_scoped3A : memref<!tpu.dma_semaphore, #tpu.memory_space<semaphore_mem>>) src(%arg10 : memref<128x128xf32, #tpu.memory_space<vmem>>) dst(%dma_wait3A_67 : memref<128x128xf32, #tpu.memory_space<vmem_shared>>)
        tpu.yield
      }) : () -> ()
      %add3A_13 = arith.constant 128 : i32
      %add3A_14 = arith.addi %mul3A_11, %add3A_13 : i32
      "tpu.region"() ({
        %run_scoped3A = tpu.sem_alloc : memref<!tpu.dma_semaphore, #tpu.memory_space<semaphore_mem>>
        %dma_start3A_61 = arith.constant 0 : i32
        %dma_start3A_62 = tpu.memref_slice %arg12[%add3A_14, %dma_start3A_61] : memref<10240x128xf32, #tpu.memory_space<vmem_shared>> -> memref<128x128xf32, #tpu.memory_space<vmem_shared>>
        %dma_start3A_63 = arith.constant 0 : i32
        %dma_start3A_64 = tpu.memref_slice %arg12[%add3A_14, %dma_start3A_63] : memref<10240x128xf32, #tpu.memory_space<vmem_shared>> -> memref<128x128xf32, #tpu.memory_space<vmem_shared>>
        tpu.enqueue_dma source(%arg10 : memref<128x128xf32, #tpu.memory_space<vmem>>) target(%dma_start3A_64 : memref<128x128xf32, #tpu.memory_space<vmem_shared>>) target_semaphore(%run_scoped3A : memref<!tpu.dma_semaphore, #tpu.memory_space<semaphore_mem>>)
        %dma_wait3A = arith.constant 0 : i32
        %dma_wait3A_65 = tpu.memref_slice %arg12[%add3A_14, %dma_wait3A] : memref<10240x128xf32, #tpu.memory_space<vmem_shared>> -> memref<128x128xf32, #tpu.memory_space<vmem_shared>>
        %dma_wait3A_66 = arith.constant 0 : i32
        %dma_wait3A_67 = tpu.memref_slice %arg12[%add3A_14, %dma_wait3A_66] : memref<10240x128xf32, #tpu.memory_space<vmem_shared>> -> memref<128x128xf32, #tpu.memory_space<vmem_shared>>
        tpu.wait_dma2 semaphore(%run_scoped3A : memref<!tpu.dma_semaphore, #tpu.memory_space<semaphore_mem>>) src(%arg10 : memref<128x128xf32, #tpu.memory_space<vmem>>) dst(%dma_wait3A_67 : memref<128x128xf32, #tpu.memory_space<vmem_shared>>)
        tpu.yield
      }) : () -> ()
      %add3A_15 = arith.constant 256 : i32
      %add3A_16 = arith.addi %mul3A_11, %add3A_15 : i32
      "tpu.region"() ({
        %run_scoped3A = tpu.sem_alloc : memref<!tpu.dma_semaphore, #tpu.memory_space<semaphore_mem>>
        %dma_start3A_61 = arith.constant 0 : i32
        %dma_start3A_62 = tpu.memref_slice %arg12[%add3A_16, %dma_start3A_61] : memref<10240x128xf32, #tpu.memory_space<vmem_shared>> -> memref<128x128xf32, #tpu.memory_space<vmem_shared>>
        %dma_start3A_63 = arith.constant 0 : i32
        %dma_start3A_64 = tpu.memref_slice %arg12[%add3A_16, %dma_start3A_63] : memref<10240x128xf32, #tpu.memory_space<vmem_shared>> -> memref<128x128xf32, #tpu.memory_space<vmem_shared>>
        tpu.enqueue_dma source(%arg10 : memref<128x128xf32, #tpu.memory_space<vmem>>) target(%dma_start3A_64 : memref<128x128xf32, #tpu.memory_space<vmem_shared>>) target_semaphore(%run_scoped3A : memref<!tpu.dma_semaphore, #tpu.memory_space<semaphore_mem>>)
        %dma_wait3A = arith.constant 0 : i32
        %dma_wait3A_65 = tpu.memref_slice %arg12[%add3A_16, %dma_wait3A] : memref<10240x128xf32, #tpu.memory_space<vmem_shared>> -> memref<128x128xf32, #tpu.memory_space<vmem_shared>>
        %dma_wait3A_66 = arith.constant 0 : i32
        %dma_wait3A_67 = tpu.memref_slice %arg12[%add3A_16, %dma_wait3A_66] : memref<10240x128xf32, #tpu.memory_space<vmem_shared>> -> memref<128x128xf32, #tpu.memory_space<vmem_shared>>
        tpu.wait_dma2 semaphore(%run_scoped3A : memref<!tpu.dma_semaphore, #tpu.memory_space<semaphore_mem>>) src(%arg10 : memref<128x128xf32, #tpu.memory_space<vmem>>) dst(%dma_wait3A_67 : memref<128x128xf32, #tpu.memory_space<vmem_shared>>)
        tpu.yield
      }) : () -> ()
      %add3A_17 = arith.constant 384 : i32
      %add3A_18 = arith.addi %mul3A_11, %add3A_17 : i32
      "tpu.region"() ({
        %run_scoped3A = tpu.sem_alloc : memref<!tpu.dma_semaphore, #tpu.memory_space<semaphore_mem>>
        %dma_start3A_61 = arith.constant 0 : i32
        %dma_start3A_62 = tpu.memref_slice %arg12[%add3A_18, %dma_start3A_61] : memref<10240x128xf32, #tpu.memory_space<vmem_shared>> -> memref<128x128xf32, #tpu.memory_space<vmem_shared>>
        %dma_start3A_63 = arith.constant 0 : i32
        %dma_start3A_64 = tpu.memref_slice %arg12[%add3A_18, %dma_start3A_63] : memref<10240x128xf32, #tpu.memory_space<vmem_shared>> -> memref<128x128xf32, #tpu.memory_space<vmem_shared>>
        tpu.enqueue_dma source(%arg10 : memref<128x128xf32, #tpu.memory_space<vmem>>) target(%dma_start3A_64 : memref<128x128xf32, #tpu.memory_space<vmem_shared>>) target_semaphore(%run_scoped3A : memref<!tpu.dma_semaphore, #tpu.memory_space<semaphore_mem>>)
        %dma_wait3A = arith.constant 0 : i32
        %dma_wait3A_65 = tpu.memref_slice %arg12[%add3A_18, %dma_wait3A] : memref<10240x128xf32, #tpu.memory_space<vmem_shared>> -> memref<128x128xf32, #tpu.memory_space<vmem_shared>>
        %dma_wait3A_66 = arith.constant 0 : i32
        %dma_wait3A_67 = tpu.memref_slice %arg12[%add3A_18, %dma_wait3A_66] : memref<10240x128xf32, #tpu.memory_space<vmem_shared>> -> memref<128x128xf32, #tpu.memory_space<vmem_shared>>
        tpu.wait_dma2 semaphore(%run_scoped3A : memref<!tpu.dma_semaphore, #tpu.memory_space<semaphore_mem>>) src(%arg10 : memref<128x128xf32, #tpu.memory_space<vmem>>) dst(%dma_wait3A_67 : memref<128x128xf32, #tpu.memory_space<vmem_shared>>)
        tpu.yield
      }) : () -> ()
      %add3A_19 = arith.constant 512 : i32
      %add3A_20 = arith.addi %mul3A_11, %add3A_19 : i32
      "tpu.region"() ({
        %run_scoped3A = tpu.sem_alloc : memref<!tpu.dma_semaphore, #tpu.memory_space<semaphore_mem>>
        %dma_start3A_61 = arith.constant 0 : i32
        %dma_start3A_62 = tpu.memref_slice %arg12[%add3A_20, %dma_start3A_61] : memref<10240x128xf32, #tpu.memory_space<vmem_shared>> -> memref<128x128xf32, #tpu.memory_space<vmem_shared>>
        %dma_start3A_63 = arith.constant 0 : i32
        %dma_start3A_64 = tpu.memref_slice %arg12[%add3A_20, %dma_start3A_63] : memref<10240x128xf32, #tpu.memory_space<vmem_shared>> -> memref<128x128xf32, #tpu.memory_space<vmem_shared>>
        tpu.enqueue_dma source(%arg10 : memref<128x128xf32, #tpu.memory_space<vmem>>) target(%dma_start3A_64 : memref<128x128xf32, #tpu.memory_space<vmem_shared>>) target_semaphore(%run_scoped3A : memref<!tpu.dma_semaphore, #tpu.memory_space<semaphore_mem>>)
        %dma_wait3A = arith.constant 0 : i32
        %dma_wait3A_65 = tpu.memref_slice %arg12[%add3A_20, %dma_wait3A] : memref<10240x128xf32, #tpu.memory_space<vmem_shared>> -> memref<128x128xf32, #tpu.memory_space<vmem_shared>>
        %dma_wait3A_66 = arith.constant 0 : i32
        %dma_wait3A_67 = tpu.memref_slice %arg12[%add3A_20, %dma_wait3A_66] : memref<10240x128xf32, #tpu.memory_space<vmem_shared>> -> memref<128x128xf32, #tpu.memory_space<vmem_shared>>
        tpu.wait_dma2 semaphore(%run_scoped3A : memref<!tpu.dma_semaphore, #tpu.memory_space<semaphore_mem>>) src(%arg10 : memref<128x128xf32, #tpu.memory_space<vmem>>) dst(%dma_wait3A_67 : memref<128x128xf32, #tpu.memory_space<vmem_shared>>)
        tpu.yield
      }) : () -> ()
      %barrier3A = arith.constant 0 : index
      tpu.barrier barrier_id(%barrier3A)
      %mul3A_21 = arith.constant 80 : i32
      %mul3A_22 = arith.muli %arg1, %mul3A_21 : i32
      %add3A_23 = arith.constant 0 : i32
      %add3A_24 = arith.addi %mul3A_22, %add3A_23 : i32
      "tpu.region"() ({
        %run_scoped3A = tpu.sem_alloc : memref<!tpu.dma_semaphore, #tpu.memory_space<semaphore_mem>>
        %dma_start3A_61 = arith.constant 0 : i32
        %dma_start3A_62 = tpu.memref_slice %arg4[%add3A_24, %dma_start3A_61] : memref<1280x128xi32, #tpu.memory_space<hbm>> -> memref<40x128xi32, #tpu.memory_space<hbm>>
        %dma_start3A_63 = arith.constant 0 : i32
        %dma_start3A_64 = tpu.memref_slice %arg4[%add3A_24, %dma_start3A_63] : memref<1280x128xi32, #tpu.memory_space<hbm>> -> memref<40x128xi32, #tpu.memory_space<hbm>>
        tpu.enqueue_dma source(%dma_start3A_64 : memref<40x128xi32, #tpu.memory_space<hbm>>) target(%arg8 : memref<40x128xi32, #tpu.memory_space<vmem>>) target_semaphore(%run_scoped3A : memref<!tpu.dma_semaphore, #tpu.memory_space<semaphore_mem>>)
        %dma_wait3A = arith.constant 0 : i32
        %dma_wait3A_65 = tpu.memref_slice %arg4[%add3A_24, %dma_wait3A] : memref<1280x128xi32, #tpu.memory_space<hbm>> -> memref<40x128xi32, #tpu.memory_space<hbm>>
        %dma_wait3A_66 = arith.constant 0 : i32
        %dma_wait3A_67 = tpu.memref_slice %arg4[%add3A_24, %dma_wait3A_66] : memref<1280x128xi32, #tpu.memory_space<hbm>> -> memref<40x128xi32, #tpu.memory_space<hbm>>
        tpu.wait_dma2 semaphore(%run_scoped3A : memref<!tpu.dma_semaphore, #tpu.memory_space<semaphore_mem>>) src(%dma_wait3A_67 : memref<40x128xi32, #tpu.memory_space<hbm>>) dst(%arg8 : memref<40x128xi32, #tpu.memory_space<vmem>>)
        tpu.yield
      }) : () -> ()
      %mul3A_25 = arith.constant 80 : i32
      %mul3A_26 = arith.muli %arg1, %mul3A_25 : i32
      %add3A_27 = arith.constant 0 : i32
      %add3A_28 = arith.addi %mul3A_26, %add3A_27 : i32
      "tpu.region"() ({
        %run_scoped3A = tpu.sem_alloc : memref<!tpu.dma_semaphore, #tpu.memory_space<semaphore_mem>>
        %dma_start3A_61 = arith.constant 0 : i32
        %dma_start3A_62 = tpu.memref_slice %arg5[%add3A_28, %dma_start3A_61] : memref<1280x128xi32, #tpu.memory_space<hbm>> -> memref<40x128xi32, #tpu.memory_space<hbm>>
        %dma_start3A_63 = arith.constant 0 : i32
        %dma_start3A_64 = tpu.memref_slice %arg5[%add3A_28, %dma_start3A_63] : memref<1280x128xi32, #tpu.memory_space<hbm>> -> memref<40x128xi32, #tpu.memory_space<hbm>>
        tpu.enqueue_dma source(%dma_start3A_64 : memref<40x128xi32, #tpu.memory_space<hbm>>) target(%arg9 : memref<40x128xi32, #tpu.memory_space<vmem>>) target_semaphore(%run_scoped3A : memref<!tpu.dma_semaphore, #tpu.memory_space<semaphore_mem>>)
        %dma_wait3A = arith.constant 0 : i32
        %dma_wait3A_65 = tpu.memref_slice %arg5[%add3A_28, %dma_wait3A] : memref<1280x128xi32, #tpu.memory_space<hbm>> -> memref<40x128xi32, #tpu.memory_space<hbm>>
        %dma_wait3A_66 = arith.constant 0 : i32
        %dma_wait3A_67 = tpu.memref_slice %arg5[%add3A_28, %dma_wait3A_66] : memref<1280x128xi32, #tpu.memory_space<hbm>> -> memref<40x128xi32, #tpu.memory_space<hbm>>
        tpu.wait_dma2 semaphore(%run_scoped3A : memref<!tpu.dma_semaphore, #tpu.memory_space<semaphore_mem>>) src(%dma_wait3A_67 : memref<40x128xi32, #tpu.memory_space<hbm>>) dst(%arg9 : memref<40x128xi32, #tpu.memory_space<vmem>>)
        tpu.yield
      }) : () -> ()
      %dma_start3A = arith.constant 0 : i32
      %dma_start3A_29 = arith.constant 0 : i32
      %dma_start3A_30 = tpu.memref_slice %arg8[%dma_start3A, %dma_start3A_29] : memref<40x128xi32, #tpu.memory_space<vmem>> -> memref<1x128xi32, #tpu.memory_space<vmem>>
      %dma_start3A_31 = tpu.memref_squeeze %dma_start3A_30 : memref<1x128xi32, #tpu.memory_space<vmem>> -> memref<128xi32, #tpu.memory_space<vmem>>
      %dma_start3A_32 = arith.constant 0 : i32
      %dma_start3A_33 = arith.constant 0 : i32
      %dma_start3A_34 = tpu.memref_slice %arg3[%dma_start3A_32, %dma_start3A_33] : memref<10000x128xf32, #tpu.memory_space<hbm>> -> memref<10000x128xf32, #tpu.memory_space<hbm>>
      tpu.enqueue_indirect_dma source(%dma_start3A_34 : memref<10000x128xf32, #tpu.memory_space<hbm>>) target(%arg10 : memref<128x128xf32, #tpu.memory_space<vmem>>) offsets(%dma_start3A_31 : memref<128xi32, #tpu.memory_space<vmem>>) semaphore(%arg13 : memref<!tpu.dma_semaphore, #tpu.memory_space<semaphore_mem>>)
      %scan3A_35 = arith.constant 0 : i32
      %scan3A_36 = arith.constant 20 : i32
      %scan3A_37 = arith.addi %scan3A_35, %scan3A_36 : i32
      %scan3A_38 = arith.constant 1 : i32
      scf.for %scan3A_61 = %scan3A_35 to %scan3A_37 step %scan3A_38  : i32 {
        %mul3A_62 = arith.constant 2 : i32
        %mul3A_63 = arith.muli %mul3A_62, %scan3A_61 : i32
        %dma_wait3A = arith.constant 0 : i32
        %dma_wait3A_64 = tpu.memref_slice %arg8[%mul3A_63, %dma_wait3A] : memref<40x128xi32, #tpu.memory_space<vmem>> -> memref<1x128xi32, #tpu.memory_space<vmem>>
        %dma_wait3A_65 = tpu.memref_squeeze %dma_wait3A_64 : memref<1x128xi32, #tpu.memory_space<vmem>> -> memref<128xi32, #tpu.memory_space<vmem>>
        %dma_wait3A_66 = arith.constant 0 : i32
        %dma_wait3A_67 = arith.constant 0 : i32
        %dma_wait3A_68 = tpu.memref_slice %arg3[%dma_wait3A_66, %dma_wait3A_67] : memref<10000x128xf32, #tpu.memory_space<hbm>> -> memref<10000x128xf32, #tpu.memory_space<hbm>>
        tpu.wait_indirect_dma semaphore(%arg13 : memref<!tpu.dma_semaphore, #tpu.memory_space<semaphore_mem>>) src(%dma_wait3A_68 : memref<10000x128xf32, #tpu.memory_space<hbm>>) dst(%arg10 : memref<128x128xf32, #tpu.memory_space<vmem>>)
        %add3A_69 = arith.constant 1 : i32
        %add3A_70 = arith.addi %mul3A_63, %add3A_69 : i32
        %dma_start3A_71 = arith.constant 0 : i32
        %dma_start3A_72 = tpu.memref_slice %arg8[%add3A_70, %dma_start3A_71] : memref<40x128xi32, #tpu.memory_space<vmem>> -> memref<1x128xi32, #tpu.memory_space<vmem>>
        %dma_start3A_73 = tpu.memref_squeeze %dma_start3A_72 : memref<1x128xi32, #tpu.memory_space<vmem>> -> memref<128xi32, #tpu.memory_space<vmem>>
        %dma_start3A_74 = arith.constant 0 : i32
        %dma_start3A_75 = arith.constant 0 : i32
        %dma_start3A_76 = tpu.memref_slice %arg3[%dma_start3A_74, %dma_start3A_75] : memref<10000x128xf32, #tpu.memory_space<hbm>> -> memref<10000x128xf32, #tpu.memory_space<hbm>>
        tpu.enqueue_indirect_dma source(%dma_start3A_76 : memref<10000x128xf32, #tpu.memory_space<hbm>>) target(%arg11 : memref<128x128xf32, #tpu.memory_space<vmem>>) offsets(%dma_start3A_73 : memref<128xi32, #tpu.memory_space<vmem>>) semaphore(%arg14 : memref<!tpu.dma_semaphore, #tpu.memory_space<semaphore_mem>>)
        "tpu.region"() ({
          %run_scoped3A = tpu.sem_alloc : memref<!tpu.dma_semaphore, #tpu.memory_space<semaphore_mem>>
          %dma_start3A_91 = arith.constant 0 : i32
          %dma_start3A_92 = tpu.memref_slice %arg9[%mul3A_63, %dma_start3A_91] : memref<40x128xi32, #tpu.memory_space<vmem>> -> memref<1x128xi32, #tpu.memory_space<vmem>>
          %dma_start3A_93 = tpu.memref_squeeze %dma_start3A_92 : memref<1x128xi32, #tpu.memory_space<vmem>> -> memref<128xi32, #tpu.memory_space<vmem>>
          %dma_start3A_94 = arith.constant 0 : i32
          %dma_start3A_95 = arith.constant 0 : i32
          %dma_start3A_96 = tpu.memref_slice %arg12[%dma_start3A_94, %dma_start3A_95] : memref<10240x128xf32, #tpu.memory_space<vmem_shared>> -> memref<10240x128xf32, #tpu.memory_space<vmem_shared>>
          tpu.enqueue_indirect_dma source(%arg10 : memref<128x128xf32, #tpu.memory_space<vmem>>) target(%dma_start3A_96 : memref<10240x128xf32, #tpu.memory_space<vmem_shared>>) offsets(%dma_start3A_93 : memref<128xi32, #tpu.memory_space<vmem>>) semaphore(%run_scoped3A : memref<!tpu.dma_semaphore, #tpu.memory_space<semaphore_mem>>) {add = true}
          %dma_wait3A_97 = arith.constant 0 : i32
          %dma_wait3A_98 = tpu.memref_slice %arg9[%mul3A_63, %dma_wait3A_97] : memref<40x128xi32, #tpu.memory_space<vmem>> -> memref<1x128xi32, #tpu.memory_space<vmem>>
          %dma_wait3A_99 = tpu.memref_squeeze %dma_wait3A_98 : memref<1x128xi32, #tpu.memory_space<vmem>> -> memref<128xi32, #tpu.memory_space<vmem>>
          %dma_wait3A_100 = arith.constant 0 : i32
          %dma_wait3A_101 = arith.constant 0 : i32
          %dma_wait3A_102 = tpu.memref_slice %arg12[%dma_wait3A_100, %dma_wait3A_101] : memref<10240x128xf32, #tpu.memory_space<vmem_shared>> -> memref<10240x128xf32, #tpu.memory_space<vmem_shared>>
          tpu.wait_indirect_dma semaphore(%run_scoped3A : memref<!tpu.dma_semaphore, #tpu.memory_space<semaphore_mem>>) src(%arg10 : memref<128x128xf32, #tpu.memory_space<vmem>>) dst(%dma_wait3A_102 : memref<10240x128xf32, #tpu.memory_space<vmem_shared>>)
          tpu.yield
        }) : () -> ()
        %add3A_77 = arith.constant 1 : i32
        %add3A_78 = arith.addi %mul3A_63, %add3A_77 : i32
        %dma_wait3A_79 = arith.constant 0 : i32
        %dma_wait3A_80 = tpu.memref_slice %arg8[%add3A_78, %dma_wait3A_79] : memref<40x128xi32, #tpu.memory_space<vmem>> -> memref<1x128xi32, #tpu.memory_space<vmem>>
        %dma_wait3A_81 = tpu.memref_squeeze %dma_wait3A_80 : memref<1x128xi32, #tpu.memory_space<vmem>> -> memref<128xi32, #tpu.memory_space<vmem>>
        %dma_wait3A_82 = arith.constant 0 : i32
        %dma_wait3A_83 = arith.constant 0 : i32
        %dma_wait3A_84 = tpu.memref_slice %arg3[%dma_wait3A_82, %dma_wait3A_83] : memref<10000x128xf32, #tpu.memory_space<hbm>> -> memref<10000x128xf32, #tpu.memory_space<hbm>>
        tpu.wait_indirect_dma semaphore(%arg14 : memref<!tpu.dma_semaphore, #tpu.memory_space<semaphore_mem>>) src(%dma_wait3A_84 : memref<10000x128xf32, #tpu.memory_space<hbm>>) dst(%arg11 : memref<128x128xf32, #tpu.memory_space<vmem>>)
        %lt3A = arith.constant 19 : i32
        %lt3A_85 = arith.cmpi slt, %scan3A_61, %lt3A : i32
        %convert_element_type3A_86 = arith.extui %lt3A_85 : i1 to i32
        %cond3A_87 = arith.constant 0 : i32
        %cond3A_88 = arith.cmpi ne, %convert_element_type3A_86, %cond3A_87 : i32
        scf.if %cond3A_88 {
          %add3A_91 = arith.constant 2 : i32
          %add3A_92 = arith.addi %mul3A_63, %add3A_91 : i32
          %dma_start3A_93 = arith.constant 0 : i32
          %dma_start3A_94 = tpu.memref_slice %arg8[%add3A_92, %dma_start3A_93] : memref<40x128xi32, #tpu.memory_space<vmem>> -> memref<1x128xi32, #tpu.memory_space<vmem>>
          %dma_start3A_95 = tpu.memref_squeeze %dma_start3A_94 : memref<1x128xi32, #tpu.memory_space<vmem>> -> memref<128xi32, #tpu.memory_space<vmem>>
          %dma_start3A_96 = arith.constant 0 : i32
          %dma_start3A_97 = arith.constant 0 : i32
          %dma_start3A_98 = tpu.memref_slice %arg3[%dma_start3A_96, %dma_start3A_97] : memref<10000x128xf32, #tpu.memory_space<hbm>> -> memref<10000x128xf32, #tpu.memory_space<hbm>>
          tpu.enqueue_indirect_dma source(%dma_start3A_98 : memref<10000x128xf32, #tpu.memory_space<hbm>>) target(%arg10 : memref<128x128xf32, #tpu.memory_space<vmem>>) offsets(%dma_start3A_95 : memref<128xi32, #tpu.memory_space<vmem>>) semaphore(%arg13 : memref<!tpu.dma_semaphore, #tpu.memory_space<semaphore_mem>>)
        } else {
        }
        %add3A_89 = arith.constant 1 : i32
        %add3A_90 = arith.addi %mul3A_63, %add3A_89 : i32
        "tpu.region"() ({
          %run_scoped3A = tpu.sem_alloc : memref<!tpu.dma_semaphore, #tpu.memory_space<semaphore_mem>>
          %dma_start3A_91 = arith.constant 0 : i32
          %dma_start3A_92 = tpu.memref_slice %arg9[%add3A_90, %dma_start3A_91] : memref<40x128xi32, #tpu.memory_space<vmem>> -> memref<1x128xi32, #tpu.memory_space<vmem>>
          %dma_start3A_93 = tpu.memref_squeeze %dma_start3A_92 : memref<1x128xi32, #tpu.memory_space<vmem>> -> memref<128xi32, #tpu.memory_space<vmem>>
          %dma_start3A_94 = arith.constant 0 : i32
          %dma_start3A_95 = arith.constant 0 : i32
          %dma_start3A_96 = tpu.memref_slice %arg12[%dma_start3A_94, %dma_start3A_95] : memref<10240x128xf32, #tpu.memory_space<vmem_shared>> -> memref<10240x128xf32, #tpu.memory_space<vmem_shared>>
          tpu.enqueue_indirect_dma source(%arg11 : memref<128x128xf32, #tpu.memory_space<vmem>>) target(%dma_start3A_96 : memref<10240x128xf32, #tpu.memory_space<vmem_shared>>) offsets(%dma_start3A_93 : memref<128xi32, #tpu.memory_space<vmem>>) semaphore(%run_scoped3A : memref<!tpu.dma_semaphore, #tpu.memory_space<semaphore_mem>>) {add = true}
          %dma_wait3A_97 = arith.constant 0 : i32
          %dma_wait3A_98 = tpu.memref_slice %arg9[%add3A_90, %dma_wait3A_97] : memref<40x128xi32, #tpu.memory_space<vmem>> -> memref<1x128xi32, #tpu.memory_space<vmem>>
          %dma_wait3A_99 = tpu.memref_squeeze %dma_wait3A_98 : memref<1x128xi32, #tpu.memory_space<vmem>> -> memref<128xi32, #tpu.memory_space<vmem>>
          %dma_wait3A_100 = arith.constant 0 : i32
          %dma_wait3A_101 = arith.constant 0 : i32
          %dma_wait3A_102 = tpu.memref_slice %arg12[%dma_wait3A_100, %dma_wait3A_101] : memref<10240x128xf32, #tpu.memory_space<vmem_shared>> -> memref<10240x128xf32, #tpu.memory_space<vmem_shared>>
          tpu.wait_indirect_dma semaphore(%run_scoped3A : memref<!tpu.dma_semaphore, #tpu.memory_space<semaphore_mem>>) src(%arg11 : memref<128x128xf32, #tpu.memory_space<vmem>>) dst(%dma_wait3A_102 : memref<10240x128xf32, #tpu.memory_space<vmem_shared>>)
          tpu.yield
        }) : () -> ()
      }
      %scan3A_39 = arith.constant 20 : i32
      %mul3A_40 = arith.constant 80 : i32
      %mul3A_41 = arith.muli %arg1, %mul3A_40 : i32
      %add3A_42 = arith.constant 40 : i32
      %add3A_43 = arith.addi %mul3A_41, %add3A_42 : i32
      "tpu.region"() ({
        %run_scoped3A = tpu.sem_alloc : memref<!tpu.dma_semaphore, #tpu.memory_space<semaphore_mem>>
        %dma_start3A_61 = arith.constant 0 : i32
        %dma_start3A_62 = tpu.memref_slice %arg4[%add3A_43, %dma_start3A_61] : memref<1280x128xi32, #tpu.memory_space<hbm>> -> memref<40x128xi32, #tpu.memory_space<hbm>>
        %dma_start3A_63 = arith.constant 0 : i32
        %dma_start3A_64 = tpu.memref_slice %arg4[%add3A_43, %dma_start3A_63] : memref<1280x128xi32, #tpu.memory_space<hbm>> -> memref<40x128xi32, #tpu.memory_space<hbm>>
        tpu.enqueue_dma source(%dma_start3A_64 : memref<40x128xi32, #tpu.memory_space<hbm>>) target(%arg8 : memref<40x128xi32, #tpu.memory_space<vmem>>) target_semaphore(%run_scoped3A : memref<!tpu.dma_semaphore, #tpu.memory_space<semaphore_mem>>)
        %dma_wait3A = arith.constant 0 : i32
        %dma_wait3A_65 = tpu.memref_slice %arg4[%add3A_43, %dma_wait3A] : memref<1280x128xi32, #tpu.memory_space<hbm>> -> memref<40x128xi32, #tpu.memory_space<hbm>>
        %dma_wait3A_66 = arith.constant 0 : i32
        %dma_wait3A_67 = tpu.memref_slice %arg4[%add3A_43, %dma_wait3A_66] : memref<1280x128xi32, #tpu.memory_space<hbm>> -> memref<40x128xi32, #tpu.memory_space<hbm>>
        tpu.wait_dma2 semaphore(%run_scoped3A : memref<!tpu.dma_semaphore, #tpu.memory_space<semaphore_mem>>) src(%dma_wait3A_67 : memref<40x128xi32, #tpu.memory_space<hbm>>) dst(%arg8 : memref<40x128xi32, #tpu.memory_space<vmem>>)
        tpu.yield
      }) : () -> ()
      %mul3A_44 = arith.constant 80 : i32
      %mul3A_45 = arith.muli %arg1, %mul3A_44 : i32
      %add3A_46 = arith.constant 40 : i32
      %add3A_47 = arith.addi %mul3A_45, %add3A_46 : i32
      "tpu.region"() ({
        %run_scoped3A = tpu.sem_alloc : memref<!tpu.dma_semaphore, #tpu.memory_space<semaphore_mem>>
        %dma_start3A_61 = arith.constant 0 : i32
        %dma_start3A_62 = tpu.memref_slice %arg5[%add3A_47, %dma_start3A_61] : memref<1280x128xi32, #tpu.memory_space<hbm>> -> memref<40x128xi32, #tpu.memory_space<hbm>>
        %dma_start3A_63 = arith.constant 0 : i32
        %dma_start3A_64 = tpu.memref_slice %arg5[%add3A_47, %dma_start3A_63] : memref<1280x128xi32, #tpu.memory_space<hbm>> -> memref<40x128xi32, #tpu.memory_space<hbm>>
        tpu.enqueue_dma source(%dma_start3A_64 : memref<40x128xi32, #tpu.memory_space<hbm>>) target(%arg9 : memref<40x128xi32, #tpu.memory_space<vmem>>) target_semaphore(%run_scoped3A : memref<!tpu.dma_semaphore, #tpu.memory_space<semaphore_mem>>)
        %dma_wait3A = arith.constant 0 : i32
        %dma_wait3A_65 = tpu.memref_slice %arg5[%add3A_47, %dma_wait3A] : memref<1280x128xi32, #tpu.memory_space<hbm>> -> memref<40x128xi32, #tpu.memory_space<hbm>>
        %dma_wait3A_66 = arith.constant 0 : i32
        %dma_wait3A_67 = tpu.memref_slice %arg5[%add3A_47, %dma_wait3A_66] : memref<1280x128xi32, #tpu.memory_space<hbm>> -> memref<40x128xi32, #tpu.memory_space<hbm>>
        tpu.wait_dma2 semaphore(%run_scoped3A : memref<!tpu.dma_semaphore, #tpu.memory_space<semaphore_mem>>) src(%dma_wait3A_67 : memref<40x128xi32, #tpu.memory_space<hbm>>) dst(%arg9 : memref<40x128xi32, #tpu.memory_space<vmem>>)
        tpu.yield
      }) : () -> ()
      %dma_start3A_48 = arith.constant 0 : i32
      %dma_start3A_49 = arith.constant 0 : i32
      %dma_start3A_50 = tpu.memref_slice %arg8[%dma_start3A_48, %dma_start3A_49] : memref<40x128xi32, #tpu.memory_space<vmem>> -> memref<1x128xi32, #tpu.memory_space<vmem>>
      %dma_start3A_51 = tpu.memref_squeeze %dma_start3A_50 : memref<1x128xi32, #tpu.memory_space<vmem>> -> memref<128xi32, #tpu.memory_space<vmem>>
      %dma_start3A_52 = arith.constant 0 : i32
      %dma_start3A_53 = arith.constant 0 : i32
      %dma_start3A_54 = tpu.memref_slice %arg3[%dma_start3A_52, %dma_start3A_53] : memref<10000x128xf32, #tpu.memory_space<hbm>> -> memref<10000x128xf32, #tpu.memory_space<hbm>>
      tpu.enqueue_indirect_dma source(%dma_start3A_54 : memref<10000x128xf32, #tpu.memory_space<hbm>>) target(%arg10 : memref<128x128xf32, #tpu.memory_space<vmem>>) offsets(%dma_start3A_51 : memref<128xi32, #tpu.memory_space<vmem>>) semaphore(%arg13 : memref<!tpu.dma_semaphore, #tpu.memory_space<semaphore_mem>>)
      %scan3A_55 = arith.constant 0 : i32
      %scan3A_56 = arith.constant 20 : i32
      %scan3A_57 = arith.addi %scan3A_55, %scan3A_56 : i32
      %scan3A_58 = arith.constant 1 : i32
      scf.for %scan3A_61 = %scan3A_55 to %scan3A_57 step %scan3A_58  : i32 {
        %mul3A_62 = arith.constant 2 : i32
        %mul3A_63 = arith.muli %mul3A_62, %scan3A_61 : i32
        %dma_wait3A = arith.constant 0 : i32
        %dma_wait3A_64 = tpu.memref_slice %arg8[%mul3A_63, %dma_wait3A] : memref<40x128xi32, #tpu.memory_space<vmem>> -> memref<1x128xi32, #tpu.memory_space<vmem>>
        %dma_wait3A_65 = tpu.memref_squeeze %dma_wait3A_64 : memref<1x128xi32, #tpu.memory_space<vmem>> -> memref<128xi32, #tpu.memory_space<vmem>>
        %dma_wait3A_66 = arith.constant 0 : i32
        %dma_wait3A_67 = arith.constant 0 : i32
        %dma_wait3A_68 = tpu.memref_slice %arg3[%dma_wait3A_66, %dma_wait3A_67] : memref<10000x128xf32, #tpu.memory_space<hbm>> -> memref<10000x128xf32, #tpu.memory_space<hbm>>
        tpu.wait_indirect_dma semaphore(%arg13 : memref<!tpu.dma_semaphore, #tpu.memory_space<semaphore_mem>>) src(%dma_wait3A_68 : memref<10000x128xf32, #tpu.memory_space<hbm>>) dst(%arg10 : memref<128x128xf32, #tpu.memory_space<vmem>>)
        %add3A_69 = arith.constant 1 : i32
        %add3A_70 = arith.addi %mul3A_63, %add3A_69 : i32
        %dma_start3A_71 = arith.constant 0 : i32
        %dma_start3A_72 = tpu.memref_slice %arg8[%add3A_70, %dma_start3A_71] : memref<40x128xi32, #tpu.memory_space<vmem>> -> memref<1x128xi32, #tpu.memory_space<vmem>>
        %dma_start3A_73 = tpu.memref_squeeze %dma_start3A_72 : memref<1x128xi32, #tpu.memory_space<vmem>> -> memref<128xi32, #tpu.memory_space<vmem>>
        %dma_start3A_74 = arith.constant 0 : i32
        %dma_start3A_75 = arith.constant 0 : i32
        %dma_start3A_76 = tpu.memref_slice %arg3[%dma_start3A_74, %dma_start3A_75] : memref<10000x128xf32, #tpu.memory_space<hbm>> -> memref<10000x128xf32, #tpu.memory_space<hbm>>
        tpu.enqueue_indirect_dma source(%dma_start3A_76 : memref<10000x128xf32, #tpu.memory_space<hbm>>) target(%arg11 : memref<128x128xf32, #tpu.memory_space<vmem>>) offsets(%dma_start3A_73 : memref<128xi32, #tpu.memory_space<vmem>>) semaphore(%arg14 : memref<!tpu.dma_semaphore, #tpu.memory_space<semaphore_mem>>)
        "tpu.region"() ({
          %run_scoped3A = tpu.sem_alloc : memref<!tpu.dma_semaphore, #tpu.memory_space<semaphore_mem>>
          %dma_start3A_91 = arith.constant 0 : i32
          %dma_start3A_92 = tpu.memref_slice %arg9[%mul3A_63, %dma_start3A_91] : memref<40x128xi32, #tpu.memory_space<vmem>> -> memref<1x128xi32, #tpu.memory_space<vmem>>
          %dma_start3A_93 = tpu.memref_squeeze %dma_start3A_92 : memref<1x128xi32, #tpu.memory_space<vmem>> -> memref<128xi32, #tpu.memory_space<vmem>>
          %dma_start3A_94 = arith.constant 0 : i32
          %dma_start3A_95 = arith.constant 0 : i32
          %dma_start3A_96 = tpu.memref_slice %arg12[%dma_start3A_94, %dma_start3A_95] : memref<10240x128xf32, #tpu.memory_space<vmem_shared>> -> memref<10240x128xf32, #tpu.memory_space<vmem_shared>>
          tpu.enqueue_indirect_dma source(%arg10 : memref<128x128xf32, #tpu.memory_space<vmem>>) target(%dma_start3A_96 : memref<10240x128xf32, #tpu.memory_space<vmem_shared>>) offsets(%dma_start3A_93 : memref<128xi32, #tpu.memory_space<vmem>>) semaphore(%run_scoped3A : memref<!tpu.dma_semaphore, #tpu.memory_space<semaphore_mem>>) {add = true}
          %dma_wait3A_97 = arith.constant 0 : i32
          %dma_wait3A_98 = tpu.memref_slice %arg9[%mul3A_63, %dma_wait3A_97] : memref<40x128xi32, #tpu.memory_space<vmem>> -> memref<1x128xi32, #tpu.memory_space<vmem>>
          %dma_wait3A_99 = tpu.memref_squeeze %dma_wait3A_98 : memref<1x128xi32, #tpu.memory_space<vmem>> -> memref<128xi32, #tpu.memory_space<vmem>>
          %dma_wait3A_100 = arith.constant 0 : i32
          %dma_wait3A_101 = arith.constant 0 : i32
          %dma_wait3A_102 = tpu.memref_slice %arg12[%dma_wait3A_100, %dma_wait3A_101] : memref<10240x128xf32, #tpu.memory_space<vmem_shared>> -> memref<10240x128xf32, #tpu.memory_space<vmem_shared>>
          tpu.wait_indirect_dma semaphore(%run_scoped3A : memref<!tpu.dma_semaphore, #tpu.memory_space<semaphore_mem>>) src(%arg10 : memref<128x128xf32, #tpu.memory_space<vmem>>) dst(%dma_wait3A_102 : memref<10240x128xf32, #tpu.memory_space<vmem_shared>>)
          tpu.yield
        }) : () -> ()
        %add3A_77 = arith.constant 1 : i32
        %add3A_78 = arith.addi %mul3A_63, %add3A_77 : i32
        %dma_wait3A_79 = arith.constant 0 : i32
        %dma_wait3A_80 = tpu.memref_slice %arg8[%add3A_78, %dma_wait3A_79] : memref<40x128xi32, #tpu.memory_space<vmem>> -> memref<1x128xi32, #tpu.memory_space<vmem>>
        %dma_wait3A_81 = tpu.memref_squeeze %dma_wait3A_80 : memref<1x128xi32, #tpu.memory_space<vmem>> -> memref<128xi32, #tpu.memory_space<vmem>>
        %dma_wait3A_82 = arith.constant 0 : i32
        %dma_wait3A_83 = arith.constant 0 : i32
        %dma_wait3A_84 = tpu.memref_slice %arg3[%dma_wait3A_82, %dma_wait3A_83] : memref<10000x128xf32, #tpu.memory_space<hbm>> -> memref<10000x128xf32, #tpu.memory_space<hbm>>
        tpu.wait_indirect_dma semaphore(%arg14 : memref<!tpu.dma_semaphore, #tpu.memory_space<semaphore_mem>>) src(%dma_wait3A_84 : memref<10000x128xf32, #tpu.memory_space<hbm>>) dst(%arg11 : memref<128x128xf32, #tpu.memory_space<vmem>>)
        %lt3A = arith.constant 19 : i32
        %lt3A_85 = arith.cmpi slt, %scan3A_61, %lt3A : i32
        %convert_element_type3A_86 = arith.extui %lt3A_85 : i1 to i32
        %cond3A_87 = arith.constant 0 : i32
        %cond3A_88 = arith.cmpi ne, %convert_element_type3A_86, %cond3A_87 : i32
        scf.if %cond3A_88 {
          %add3A_91 = arith.constant 2 : i32
          %add3A_92 = arith.addi %mul3A_63, %add3A_91 : i32
          %dma_start3A_93 = arith.constant 0 : i32
          %dma_start3A_94 = tpu.memref_slice %arg8[%add3A_92, %dma_start3A_93] : memref<40x128xi32, #tpu.memory_space<vmem>> -> memref<1x128xi32, #tpu.memory_space<vmem>>
          %dma_start3A_95 = tpu.memref_squeeze %dma_start3A_94 : memref<1x128xi32, #tpu.memory_space<vmem>> -> memref<128xi32, #tpu.memory_space<vmem>>
          %dma_start3A_96 = arith.constant 0 : i32
          %dma_start3A_97 = arith.constant 0 : i32
          %dma_start3A_98 = tpu.memref_slice %arg3[%dma_start3A_96, %dma_start3A_97] : memref<10000x128xf32, #tpu.memory_space<hbm>> -> memref<10000x128xf32, #tpu.memory_space<hbm>>
          tpu.enqueue_indirect_dma source(%dma_start3A_98 : memref<10000x128xf32, #tpu.memory_space<hbm>>) target(%arg10 : memref<128x128xf32, #tpu.memory_space<vmem>>) offsets(%dma_start3A_95 : memref<128xi32, #tpu.memory_space<vmem>>) semaphore(%arg13 : memref<!tpu.dma_semaphore, #tpu.memory_space<semaphore_mem>>)
        } else {
        }
        %add3A_89 = arith.constant 1 : i32
        %add3A_90 = arith.addi %mul3A_63, %add3A_89 : i32
        "tpu.region"() ({
          %run_scoped3A = tpu.sem_alloc : memref<!tpu.dma_semaphore, #tpu.memory_space<semaphore_mem>>
          %dma_start3A_91 = arith.constant 0 : i32
          %dma_start3A_92 = tpu.memref_slice %arg9[%add3A_90, %dma_start3A_91] : memref<40x128xi32, #tpu.memory_space<vmem>> -> memref<1x128xi32, #tpu.memory_space<vmem>>
          %dma_start3A_93 = tpu.memref_squeeze %dma_start3A_92 : memref<1x128xi32, #tpu.memory_space<vmem>> -> memref<128xi32, #tpu.memory_space<vmem>>
          %dma_start3A_94 = arith.constant 0 : i32
          %dma_start3A_95 = arith.constant 0 : i32
          %dma_start3A_96 = tpu.memref_slice %arg12[%dma_start3A_94, %dma_start3A_95] : memref<10240x128xf32, #tpu.memory_space<vmem_shared>> -> memref<10240x128xf32, #tpu.memory_space<vmem_shared>>
          tpu.enqueue_indirect_dma source(%arg11 : memref<128x128xf32, #tpu.memory_space<vmem>>) target(%dma_start3A_96 : memref<10240x128xf32, #tpu.memory_space<vmem_shared>>) offsets(%dma_start3A_93 : memref<128xi32, #tpu.memory_space<vmem>>) semaphore(%run_scoped3A : memref<!tpu.dma_semaphore, #tpu.memory_space<semaphore_mem>>) {add = true}
          %dma_wait3A_97 = arith.constant 0 : i32
          %dma_wait3A_98 = tpu.memref_slice %arg9[%add3A_90, %dma_wait3A_97] : memref<40x128xi32, #tpu.memory_space<vmem>> -> memref<1x128xi32, #tpu.memory_space<vmem>>
          %dma_wait3A_99 = tpu.memref_squeeze %dma_wait3A_98 : memref<1x128xi32, #tpu.memory_space<vmem>> -> memref<128xi32, #tpu.memory_space<vmem>>
          %dma_wait3A_100 = arith.constant 0 : i32
          %dma_wait3A_101 = arith.constant 0 : i32
          %dma_wait3A_102 = tpu.memref_slice %arg12[%dma_wait3A_100, %dma_wait3A_101] : memref<10240x128xf32, #tpu.memory_space<vmem_shared>> -> memref<10240x128xf32, #tpu.memory_space<vmem_shared>>
          tpu.wait_indirect_dma semaphore(%run_scoped3A : memref<!tpu.dma_semaphore, #tpu.memory_space<semaphore_mem>>) src(%arg11 : memref<128x128xf32, #tpu.memory_space<vmem>>) dst(%dma_wait3A_102 : memref<10240x128xf32, #tpu.memory_space<vmem_shared>>)
          tpu.yield
        }) : () -> ()
      }
      %scan3A_59 = arith.constant 20 : i32
      %barrier3A_60 = arith.constant 0 : index
      tpu.barrier barrier_id(%barrier3A_60)
      "tpu.region"() ({
        %run_scoped3A = tpu.sem_alloc : memref<!tpu.dma_semaphore, #tpu.memory_space<semaphore_mem>>
        %dma_start3A_61 = arith.constant 0 : i32
        %dma_start3A_62 = tpu.memref_slice %arg7[%mul3A_11, %dma_start3A_61] : memref<10240x128xf32, #tpu.memory_space<hbm>> -> memref<640x128xf32, #tpu.memory_space<hbm>>
        %dma_start3A_63 = arith.constant 0 : i32
        %dma_start3A_64 = tpu.memref_slice %arg12[%mul3A_11, %dma_start3A_63] : memref<10240x128xf32, #tpu.memory_space<vmem_shared>> -> memref<640x128xf32, #tpu.memory_space<vmem_shared>>
        tpu.enqueue_dma source(%dma_start3A_64 : memref<640x128xf32, #tpu.memory_space<vmem_shared>>) target(%dma_start3A_62 : memref<640x128xf32, #tpu.memory_space<hbm>>) target_semaphore(%run_scoped3A : memref<!tpu.dma_semaphore, #tpu.memory_space<semaphore_mem>>)
        %dma_wait3A = arith.constant 0 : i32
        %dma_wait3A_65 = tpu.memref_slice %arg7[%mul3A_11, %dma_wait3A] : memref<10240x128xf32, #tpu.memory_space<hbm>> -> memref<640x128xf32, #tpu.memory_space<hbm>>
        %dma_wait3A_66 = arith.constant 0 : i32
        %dma_wait3A_67 = tpu.memref_slice %arg12[%mul3A_11, %dma_wait3A_66] : memref<10240x128xf32, #tpu.memory_space<vmem_shared>> -> memref<640x128xf32, #tpu.memory_space<vmem_shared>>
        tpu.wait_dma2 semaphore(%run_scoped3A : memref<!tpu.dma_semaphore, #tpu.memory_space<semaphore_mem>>) src(%dma_wait3A_67 : memref<640x128xf32, #tpu.memory_space<vmem_shared>>) dst(%dma_wait3A_65 : memref<640x128xf32, #tpu.memory_space<hbm>>)
        tpu.yield
      }) : () -> ()
    } else {
    }
    return
  }
}

module attributes {stable_mosaic.version = 14 : i64} {
  func.func @_l1_body(%arg0: i32, %arg1: memref<1000x256xf32, #tpu.memory_space<vmem>>, %arg2: memref<256x256xf32, #tpu.memory_space<vmem>>, %arg3: memref<1000x1xf32, #tpu.memory_space<vmem>>, %arg4: memref<1000x128xf32, #tpu.memory_space<vmem>>, %arg5: memref<1000x128xf32, #tpu.memory_space<vmem>>) attributes {dimension_semantics = [#tpu.dimension_semantics<arbitrary>], iteration_bounds = array<i64: 10>, scalar_prefetch = 0 : i64, scratch_operands = 0 : i64, tpu.core_type = #tpu.core_type<tc>, window_params = [{transform_indices = @transform_0, window_bounds = array<i64: 1000, 256>}, {pipeline_mode = #tpu.pipeline_mode<synchronous>, transform_indices = @transform_1, window_bounds = array<i64: 256, 256>}, {transform_indices = @transform_2, window_bounds = array<i64: 1000, 1>}, {transform_indices = @transform_3, window_bounds = array<i64: 1000, 128>}, {transform_indices = @transform_4, window_bounds = array<i64: 1000, 128>}]} {
    %get3A = arith.constant 0 : index
    %get3A_0 = arith.constant 0 : index
    %get3A_1 = vector.load %arg3[%get3A, %get3A_0] : memref<1000x1xf32, #tpu.memory_space<vmem>>, vector<1000x1xf32>
    %add3A = arith.constant 1.000000e+00 : f32
    %add3A_2 = vector.broadcast %add3A : f32 to vector<1000x1xf32>
    %add3A_3 = arith.addf %get3A_1, %add3A_2 : vector<1000x1xf32>
    %rsqrt3A = math.rsqrt %add3A_3 : vector<1000x1xf32>
    %get3A_4 = arith.constant 0 : index
    %get3A_5 = arith.constant 0 : index
    %get3A_6 = vector.load %arg1[%get3A_4, %get3A_5] : memref<1000x256xf32, #tpu.memory_space<vmem>>, vector<1000x256xf32>
    %get3A_7 = arith.constant 0 : index
    %get3A_8 = arith.constant 0 : index
    %get3A_9 = vector.load %arg2[%get3A_7, %get3A_8] : memref<256x256xf32, #tpu.memory_space<vmem>>, vector<256x256xf32>
    %dot_general3A = arith.constant dense<0.000000e+00> : vector<1000x256xf32>
    %dot_general3A_10 = tpu.matmul %get3A_6, %get3A_9, %dot_general3A {dimension_numbers = #tpu.dot_dimension_numbers<[1], [0], [0], [1], [0, 0, 1, 1], [], []>, transpose_lhs_hint = false} : vector<1000x256xf32>, vector<256x256xf32>, vector<1000x256xf32> -> vector<1000x256xf32>
    %mul3A = vector.broadcast %rsqrt3A : vector<1000x1xf32> to vector<1000x256xf32>
    %mul3A_11 = arith.mulf %dot_general3A_10, %mul3A : vector<1000x256xf32>
    %slice3A = vector.extract_strided_slice %mul3A_11 {offsets = [0, 0], sizes = [1000, 128], strides = [1, 1]} : vector<1000x256xf32> to vector<1000x128xf32>
    %swap3A = arith.constant 0 : index
    %swap3A_12 = arith.constant 0 : index
    %swap3A_13 = vector.load %arg4[%swap3A, %swap3A_12] : memref<1000x128xf32, #tpu.memory_space<vmem>>, vector<1000x128xf32>
    tpu.vector_store %arg4[%swap3A, %swap3A_12], %slice3A {strides = array<i32>} : memref<1000x128xf32, #tpu.memory_space<vmem>>, vector<1000x128xf32>,
    %slice3A_14 = vector.extract_strided_slice %mul3A_11 {offsets = [0, 128], sizes = [1000, 128], strides = [1, 1]} : vector<1000x256xf32> to vector<1000x128xf32>
    %swap3A_15 = arith.constant 0 : index
    %swap3A_16 = arith.constant 0 : index
    %swap3A_17 = vector.load %arg5[%swap3A_15, %swap3A_16] : memref<1000x128xf32, #tpu.memory_space<vmem>>, vector<1000x128xf32>
    tpu.vector_store %arg5[%swap3A_15, %swap3A_16], %slice3A_14 {strides = array<i32>} : memref<1000x128xf32, #tpu.memory_space<vmem>>, vector<1000x128xf32>,
    return
  }
  func.func @transform_0(%arg0: i32) -> (i32, i32) {
    %c0_i32 = arith.constant 0 : i32
    %c0_i32_0 = arith.constant 0 : i32
    return %arg0, %c0_i32 : i32, i32
  }
  func.func @transform_1(%arg0: i32) -> (i32, i32) {
    %c0_i32 = arith.constant 0 : i32
    %c0_i32_0 = arith.constant 0 : i32
    %c0_i32_1 = arith.constant 0 : i32
    return %c0_i32, %c0_i32_0 : i32, i32
  }
  func.func @transform_2(%arg0: i32) -> (i32, i32) {
    %c0_i32 = arith.constant 0 : i32
    %c0_i32_0 = arith.constant 0 : i32
    return %arg0, %c0_i32 : i32, i32
  }
  func.func @transform_3(%arg0: i32) -> (i32, i32) {
    %c0_i32 = arith.constant 0 : i32
    %c0_i32_0 = arith.constant 0 : i32
    return %arg0, %c0_i32 : i32, i32
  }
  func.func @transform_4(%arg0: i32) -> (i32, i32) {
    %c0_i32 = arith.constant 0 : i32
    %c0_i32_0 = arith.constant 0 : i32
    return %arg0, %c0_i32 : i32, i32
  }
}

module attributes {stable_mosaic.version = 14 : i64} {
  func.func @_mid_body(%arg0: i32, %arg1: memref<1000x128xf32, #tpu.memory_space<vmem>>, %arg2: memref<1000x128xf32, #tpu.memory_space<vmem>>, %arg3: memref<1000x128xf32, #tpu.memory_space<vmem>>, %arg4: memref<1000x128xf32, #tpu.memory_space<vmem>>, %arg5: memref<1000x1xf32, #tpu.memory_space<vmem>>, %arg6: memref<1x256xf32, #tpu.memory_space<vmem>>, %arg7: memref<256x256xf32, #tpu.memory_space<vmem>>, %arg8: memref<1000x128xf32, #tpu.memory_space<vmem>>, %arg9: memref<1000x128xf32, #tpu.memory_space<vmem>>) attributes {dimension_semantics = [#tpu.dimension_semantics<arbitrary>], iteration_bounds = array<i64: 10>, scalar_prefetch = 0 : i64, scratch_operands = 0 : i64, tpu.core_type = #tpu.core_type<tc>, window_params = [{transform_indices = @transform_0, window_bounds = array<i64: 1000, 128>}, {transform_indices = @transform_1, window_bounds = array<i64: 1000, 128>}, {transform_indices = @transform_2, window_bounds = array<i64: 1000, 128>}, {transform_indices = @transform_3, window_bounds = array<i64: 1000, 128>}, {transform_indices = @transform_4, window_bounds = array<i64: 1000, 1>}, {pipeline_mode = #tpu.pipeline_mode<synchronous>, transform_indices = @transform_5, window_bounds = array<i64: 1, 256>}, {pipeline_mode = #tpu.pipeline_mode<synchronous>, transform_indices = @transform_6, window_bounds = array<i64: 256, 256>}, {transform_indices = @transform_7, window_bounds = array<i64: 1000, 128>}, {transform_indices = @transform_8, window_bounds = array<i64: 1000, 128>}]} {
    %get3A = arith.constant 0 : index
    %get3A_0 = arith.constant 0 : index
    %get3A_1 = vector.load %arg5[%get3A, %get3A_0] : memref<1000x1xf32, #tpu.memory_space<vmem>>, vector<1000x1xf32>
    %add3A = arith.constant 1.000000e+00 : f32
    %add3A_2 = vector.broadcast %add3A : f32 to vector<1000x1xf32>
    %add3A_3 = arith.addf %get3A_1, %add3A_2 : vector<1000x1xf32>
    %rsqrt3A = math.rsqrt %add3A_3 : vector<1000x1xf32>
    %get3A_4 = arith.constant 0 : index
    %get3A_5 = arith.constant 0 : index
    %get3A_6 = vector.load %arg6[%get3A_4, %get3A_5] : memref<1x256xf32, #tpu.memory_space<vmem>>, vector<1x256xf32>
    %get3A_7 = arith.constant 0 : index
    %get3A_8 = arith.constant 0 : index
    %get3A_9 = vector.load %arg1[%get3A_7, %get3A_8] : memref<1000x128xf32, #tpu.memory_space<vmem>>, vector<1000x128xf32>
    %get3A_10 = arith.constant 0 : index
    %get3A_11 = arith.constant 0 : index
    %get3A_12 = vector.load %arg3[%get3A_10, %get3A_11] : memref<1000x128xf32, #tpu.memory_space<vmem>>, vector<1000x128xf32>
    %add3A_13 = arith.addf %get3A_9, %get3A_12 : vector<1000x128xf32>
    %mul3A = vector.broadcast %rsqrt3A : vector<1000x1xf32> to vector<1000x128xf32>
    %mul3A_14 = arith.mulf %mul3A, %add3A_13 : vector<1000x128xf32>
    %slice3A = vector.extract_strided_slice %get3A_6 {offsets = [0, 0], sizes = [1, 128], strides = [1, 1]} : vector<1x256xf32> to vector<1x128xf32>
    %add3A_15 = vector.broadcast %slice3A : vector<1x128xf32> to vector<1000x128xf32>
    %add3A_16 = arith.addf %mul3A_14, %add3A_15 : vector<1000x128xf32>
    %mul3A_17 = arith.constant 3.000000e-02 : f32
    %mul3A_18 = vector.broadcast %mul3A_17 : f32 to vector<1000x128xf32>
    %mul3A_19 = arith.mulf %mul3A_18, %add3A_16 : vector<1000x128xf32>
    %max3A = arith.maximumf %add3A_16, %mul3A_19 : vector<1000x128xf32>
    %get3A_20 = arith.constant 0 : index
    %get3A_21 = arith.constant 0 : index
    %get3A_22 = vector.load %arg2[%get3A_20, %get3A_21] : memref<1000x128xf32, #tpu.memory_space<vmem>>, vector<1000x128xf32>
    %get3A_23 = arith.constant 0 : index
    %get3A_24 = arith.constant 0 : index
    %get3A_25 = vector.load %arg4[%get3A_23, %get3A_24] : memref<1000x128xf32, #tpu.memory_space<vmem>>, vector<1000x128xf32>
    %add3A_26 = arith.addf %get3A_22, %get3A_25 : vector<1000x128xf32>
    %mul3A_27 = vector.broadcast %rsqrt3A : vector<1000x1xf32> to vector<1000x128xf32>
    %mul3A_28 = arith.mulf %mul3A_27, %add3A_26 : vector<1000x128xf32>
    %slice3A_29 = vector.extract_strided_slice %get3A_6 {offsets = [0, 128], sizes = [1, 128], strides = [1, 1]} : vector<1x256xf32> to vector<1x128xf32>
    %add3A_30 = vector.broadcast %slice3A_29 : vector<1x128xf32> to vector<1000x128xf32>
    %add3A_31 = arith.addf %mul3A_28, %add3A_30 : vector<1000x128xf32>
    %mul3A_32 = arith.constant 3.000000e-02 : f32
    %mul3A_33 = vector.broadcast %mul3A_32 : f32 to vector<1000x128xf32>
    %mul3A_34 = arith.mulf %mul3A_33, %add3A_31 : vector<1000x128xf32>
    %max3A_35 = arith.maximumf %add3A_31, %mul3A_34 : vector<1000x128xf32>
    %concatenate3A = tpu.concatenate %max3A, %max3A_35 in 1 : vector<1000x128xf32>, vector<1000x128xf32> -> vector<1000x256xf32>
    %get3A_36 = arith.constant 0 : index
    %get3A_37 = arith.constant 0 : index
    %get3A_38 = vector.load %arg7[%get3A_36, %get3A_37] : memref<256x256xf32, #tpu.memory_space<vmem>>, vector<256x256xf32>
    %dot_general3A = arith.constant dense<0.000000e+00> : vector<1000x256xf32>
    %dot_general3A_39 = tpu.matmul %concatenate3A, %get3A_38, %dot_general3A {dimension_numbers = #tpu.dot_dimension_numbers<[1], [0], [0], [1], [0, 0, 1, 1], [], []>, transpose_lhs_hint = false} : vector<1000x256xf32>, vector<256x256xf32>, vector<1000x256xf32> -> vector<1000x256xf32>
    %mul3A_40 = vector.broadcast %rsqrt3A : vector<1000x1xf32> to vector<1000x256xf32>
    %mul3A_41 = arith.mulf %dot_general3A_39, %mul3A_40 : vector<1000x256xf32>
    %slice3A_42 = vector.extract_strided_slice %mul3A_41 {offsets = [0, 0], sizes = [1000, 128], strides = [1, 1]} : vector<1000x256xf32> to vector<1000x128xf32>
    %swap3A = arith.constant 0 : index
    %swap3A_43 = arith.constant 0 : index
    %swap3A_44 = vector.load %arg8[%swap3A, %swap3A_43] : memref<1000x128xf32, #tpu.memory_space<vmem>>, vector<1000x128xf32>
    tpu.vector_store %arg8[%swap3A, %swap3A_43], %slice3A_42 {strides = array<i32>} : memref<1000x128xf32, #tpu.memory_space<vmem>>, vector<1000x128xf32>,
    %slice3A_45 = vector.extract_strided_slice %mul3A_41 {offsets = [0, 128], sizes = [1000, 128], strides = [1, 1]} : vector<1000x256xf32> to vector<1000x128xf32>
    %swap3A_46 = arith.constant 0 : index
    %swap3A_47 = arith.constant 0 : index
    %swap3A_48 = vector.load %arg9[%swap3A_46, %swap3A_47] : memref<1000x128xf32, #tpu.memory_space<vmem>>, vector<1000x128xf32>
    tpu.vector_store %arg9[%swap3A_46, %swap3A_47], %slice3A_45 {strides = array<i32>} : memref<1000x128xf32, #tpu.memory_space<vmem>>, vector<1000x128xf32>,
    return
  }
  func.func @transform_0(%arg0: i32) -> (i32, i32) {
    %c0_i32 = arith.constant 0 : i32
    %c0_i32_0 = arith.constant 0 : i32
    return %arg0, %c0_i32 : i32, i32
  }
  func.func @transform_1(%arg0: i32) -> (i32, i32) {
    %c0_i32 = arith.constant 0 : i32
    %c0_i32_0 = arith.constant 0 : i32
    return %arg0, %c0_i32 : i32, i32
  }
  func.func @transform_2(%arg0: i32) -> (i32, i32) {
    %c0_i32 = arith.constant 0 : i32
    %c0_i32_0 = arith.constant 0 : i32
    return %arg0, %c0_i32 : i32, i32
  }
  func.func @transform_3(%arg0: i32) -> (i32, i32) {
    %c0_i32 = arith.constant 0 : i32
    %c0_i32_0 = arith.constant 0 : i32
    return %arg0, %c0_i32 : i32, i32
  }
  func.func @transform_4(%arg0: i32) -> (i32, i32) {
    %c0_i32 = arith.constant 0 : i32
    %c0_i32_0 = arith.constant 0 : i32
    return %arg0, %c0_i32 : i32, i32
  }
  func.func @transform_5(%arg0: i32) -> (i32, i32) {
    %c0_i32 = arith.constant 0 : i32
    %c0_i32_0 = arith.constant 0 : i32
    %c0_i32_1 = arith.constant 0 : i32
    return %c0_i32, %c0_i32_0 : i32, i32
  }
  func.func @transform_6(%arg0: i32) -> (i32, i32) {
    %c0_i32 = arith.constant 0 : i32
    %c0_i32_0 = arith.constant 0 : i32
    %c0_i32_1 = arith.constant 0 : i32
    return %c0_i32, %c0_i32_0 : i32, i32
  }
  func.func @transform_7(%arg0: i32) -> (i32, i32) {
    %c0_i32 = arith.constant 0 : i32
    %c0_i32_0 = arith.constant 0 : i32
    return %arg0, %c0_i32 : i32, i32
  }
  func.func @transform_8(%arg0: i32) -> (i32, i32) {
    %c0_i32 = arith.constant 0 : i32
    %c0_i32_0 = arith.constant 0 : i32
    return %arg0, %c0_i32 : i32, i32
  }
}

module attributes {stable_mosaic.version = 14 : i64} {
  func.func @_fin_body(%arg0: i32, %arg1: memref<1000x128xf32, #tpu.memory_space<vmem>>, %arg2: memref<1000x128xf32, #tpu.memory_space<vmem>>, %arg3: memref<1000x128xf32, #tpu.memory_space<vmem>>, %arg4: memref<1000x128xf32, #tpu.memory_space<vmem>>, %arg5: memref<1000x1xf32, #tpu.memory_space<vmem>>, %arg6: memref<1x256xf32, #tpu.memory_space<vmem>>, %arg7: memref<1000x256xf32, #tpu.memory_space<vmem>>) attributes {dimension_semantics = [#tpu.dimension_semantics<arbitrary>], iteration_bounds = array<i64: 10>, scalar_prefetch = 0 : i64, scratch_operands = 0 : i64, tpu.core_type = #tpu.core_type<tc>, window_params = [{transform_indices = @transform_0, window_bounds = array<i64: 1000, 128>}, {transform_indices = @transform_1, window_bounds = array<i64: 1000, 128>}, {transform_indices = @transform_2, window_bounds = array<i64: 1000, 128>}, {transform_indices = @transform_3, window_bounds = array<i64: 1000, 128>}, {transform_indices = @transform_4, window_bounds = array<i64: 1000, 1>}, {pipeline_mode = #tpu.pipeline_mode<synchronous>, transform_indices = @transform_5, window_bounds = array<i64: 1, 256>}, {transform_indices = @transform_6, window_bounds = array<i64: 1000, 256>}]} {
    %get3A = arith.constant 0 : index
    %get3A_0 = arith.constant 0 : index
    %get3A_1 = vector.load %arg5[%get3A, %get3A_0] : memref<1000x1xf32, #tpu.memory_space<vmem>>, vector<1000x1xf32>
    %add3A = arith.constant 1.000000e+00 : f32
    %add3A_2 = vector.broadcast %add3A : f32 to vector<1000x1xf32>
    %add3A_3 = arith.addf %get3A_1, %add3A_2 : vector<1000x1xf32>
    %rsqrt3A = math.rsqrt %add3A_3 : vector<1000x1xf32>
    %get3A_4 = arith.constant 0 : index
    %get3A_5 = arith.constant 0 : index
    %get3A_6 = vector.load %arg6[%get3A_4, %get3A_5] : memref<1x256xf32, #tpu.memory_space<vmem>>, vector<1x256xf32>
    %get3A_7 = arith.constant 0 : index
    %get3A_8 = arith.constant 0 : index
    %get3A_9 = vector.load %arg1[%get3A_7, %get3A_8] : memref<1000x128xf32, #tpu.memory_space<vmem>>, vector<1000x128xf32>
    %get3A_10 = arith.constant 0 : index
    %get3A_11 = arith.constant 0 : index
    %get3A_12 = vector.load %arg3[%get3A_10, %get3A_11] : memref<1000x128xf32, #tpu.memory_space<vmem>>, vector<1000x128xf32>
    %add3A_13 = arith.addf %get3A_9, %get3A_12 : vector<1000x128xf32>
    %mul3A = vector.broadcast %rsqrt3A : vector<1000x1xf32> to vector<1000x128xf32>
    %mul3A_14 = arith.mulf %mul3A, %add3A_13 : vector<1000x128xf32>
    %slice3A = vector.extract_strided_slice %get3A_6 {offsets = [0, 0], sizes = [1, 128], strides = [1, 1]} : vector<1x256xf32> to vector<1x128xf32>
    %add3A_15 = vector.broadcast %slice3A : vector<1x128xf32> to vector<1000x128xf32>
    %add3A_16 = arith.addf %mul3A_14, %add3A_15 : vector<1000x128xf32>
    %mul3A_17 = arith.constant 3.000000e-02 : f32
    %mul3A_18 = vector.broadcast %mul3A_17 : f32 to vector<1000x128xf32>
    %mul3A_19 = arith.mulf %mul3A_18, %add3A_16 : vector<1000x128xf32>
    %max3A = arith.maximumf %add3A_16, %mul3A_19 : vector<1000x128xf32>
    %get3A_20 = arith.constant 0 : index
    %get3A_21 = arith.constant 0 : index
    %get3A_22 = vector.load %arg2[%get3A_20, %get3A_21] : memref<1000x128xf32, #tpu.memory_space<vmem>>, vector<1000x128xf32>
    %get3A_23 = arith.constant 0 : index
    %get3A_24 = arith.constant 0 : index
    %get3A_25 = vector.load %arg4[%get3A_23, %get3A_24] : memref<1000x128xf32, #tpu.memory_space<vmem>>, vector<1000x128xf32>
    %add3A_26 = arith.addf %get3A_22, %get3A_25 : vector<1000x128xf32>
    %mul3A_27 = vector.broadcast %rsqrt3A : vector<1000x1xf32> to vector<1000x128xf32>
    %mul3A_28 = arith.mulf %mul3A_27, %add3A_26 : vector<1000x128xf32>
    %slice3A_29 = vector.extract_strided_slice %get3A_6 {offsets = [0, 128], sizes = [1, 128], strides = [1, 1]} : vector<1x256xf32> to vector<1x128xf32>
    %add3A_30 = vector.broadcast %slice3A_29 : vector<1x128xf32> to vector<1000x128xf32>
    %add3A_31 = arith.addf %mul3A_28, %add3A_30 : vector<1000x128xf32>
    %mul3A_32 = arith.constant 3.000000e-02 : f32
    %mul3A_33 = vector.broadcast %mul3A_32 : f32 to vector<1000x128xf32>
    %mul3A_34 = arith.mulf %mul3A_33, %add3A_31 : vector<1000x128xf32>
    %max3A_35 = arith.maximumf %add3A_31, %mul3A_34 : vector<1000x128xf32>
    %concatenate3A = tpu.concatenate %max3A, %max3A_35 in 1 : vector<1000x128xf32>, vector<1000x128xf32> -> vector<1000x256xf32>
    %swap3A = arith.constant 0 : index
    %swap3A_36 = arith.constant 0 : index
    %swap3A_37 = vector.load %arg7[%swap3A, %swap3A_36] : memref<1000x256xf32, #tpu.memory_space<vmem>>, vector<1000x256xf32>
    tpu.vector_store %arg7[%swap3A, %swap3A_36], %concatenate3A {strides = array<i32>} : memref<1000x256xf32, #tpu.memory_space<vmem>>, vector<1000x256xf32>,
    return
  }
  func.func @transform_0(%arg0: i32) -> (i32, i32) {
    %c0_i32 = arith.constant 0 : i32
    %c0_i32_0 = arith.constant 0 : i32
    return %arg0, %c0_i32 : i32, i32
  }
  func.func @transform_1(%arg0: i32) -> (i32, i32) {
    %c0_i32 = arith.constant 0 : i32
    %c0_i32_0 = arith.constant 0 : i32
    return %arg0, %c0_i32 : i32, i32
  }
  func.func @transform_2(%arg0: i32) -> (i32, i32) {
    %c0_i32 = arith.constant 0 : i32
    %c0_i32_0 = arith.constant 0 : i32
    return %arg0, %c0_i32 : i32, i32
  }
  func.func @transform_3(%arg0: i32) -> (i32, i32) {
    %c0_i32 = arith.constant 0 : i32
    %c0_i32_0 = arith.constant 0 : i32
    return %arg0, %c0_i32 : i32, i32
  }
  func.func @transform_4(%arg0: i32) -> (i32, i32) {
    %c0_i32 = arith.constant 0 : i32
    %c0_i32_0 = arith.constant 0 : i32
    return %arg0, %c0_i32 : i32, i32
  }
  func.func @transform_5(%arg0: i32) -> (i32, i32) {
    %c0_i32 = arith.constant 0 : i32
    %c0_i32_0 = arith.constant 0 : i32
    %c0_i32_1 = arith.constant 0 : i32
    return %c0_i32, %c0_i32_0 : i32, i32
  }
  func.func @transform_6(%arg0: i32) -> (i32, i32) {
    %c0_i32 = arith.constant 0 : i32
    %c0_i32_0 = arith.constant 0 : i32
    return %arg0, %c0_i32 : i32, i32
  }
}

</mosaic_0001>

<sc_bundles>
// kernel: kernel.11.cloned.1.call-start
scs
__scs_entry_jumppad:
0x0: {  	(pc) =	sbr.rel $0x88, $3  }
0x1: {  	(tag) =	ssettag $0x0;
	lr =	simm.s32 $0x1  }
0x2: {  	[smem:$0x3F9B] =	sst lr;
	_ =	strace $0xD0000000  }
0x3: {  	_ = 	snop  }
0x4: {  	_ = 	snop  }
0x5: {  	_ = 	snop  }
0x6: {  	_ = 	snop  }
0x7: {  	_ = 	snop  }
__scs_overlays_trampoline_lowered:
0x8: {  	[smem:$0x3FAA] =	sst s0  }
0x9: {  	[smem:$0x3FAB] =	sst s1  }
0xa: {  	[smem:$0x3FAC] =	sst s2  }
0xb: {  	[smem:$0x3FAD] =	sst s3  }
0xc: {  	[smem:$0x3FAE] =	sst s4  }
0xd: {  	[smem:$0x3FAF] =	sst s5  }
0xe: {  	[smem:$0x3FB0] =	sst s6  }
0xf: {  	[smem:$0x3FB1] =	sst s7  }
0x10: {  	[smem:$0x3FB2] =	sst s8  }
0x11: {  	[smem:$0x3FB3] =	sst s9;
	s0 =	simm.s32 @!p0 $0x0  }
0x12: {  	s1 =	sld [smem:$0x3F99];
	s0 =	simm.s32 @p0 $0x1  }
0x13: {  	[smem:$0x3FB4] =	sst s0;
	s0 =	simm.s32 @!p1 $0x0  }
0x14: {  	s2 =	sld [smem:$0x3F98];
	s0 =	simm.s32 @p1 $0x1  }
0x15: {  	[smem:$0x3FB5] =	sst s0;
	s0 =	simm.s32 @!p2 $0x0  }
0x16: {  	s3 =	sld [smem:$0x3FDB];
	s0 =	simm.s32 @p2 $0x1  }
0x17: {  	s4 =	simm.s32 $0x1BF5;
	[smem:$0x3FB7] =	sst s0  }
0x18: {  	s0 =	sld [smem:$0x3F9A];
	_ =	swait.ge [sflag:s4], $0x0  }
0x19: {  	s7 =	sld [smem:$0x3F9B]  }
0x1a: {  	s8 =	sadd.s32 $0xFFFFE003, lr  }
0x1b: {  	s9 =	sadd.s32 $0xFFFFFEF7, lr;
	s5 =	simm.s32 $0xFFFFFFFF;
	p2 =	slt.u32 s8, $0xFFFFF086  }
0x1c: {  	p1 =	slt.u32 s9, $0xF7A;
	s5 =	simm.s32 @!p2 $0x0  }
0x1d: {  	s5 =	simm.s32 @p1 $0x1;
	p0 =	seq.s32 s7, s2  }
0x1e: {  	s7 =	smul.u32 @!p0 $0xF7A, s2;
	p2 =	seq.s32 @!p0 s5, $0x0  }
0x1f: {  	s9 =	smul.u32 $0xF7A, s1;
	s8 =	simm.s32 @!p0 $0x1BF5;
	p2 =	por !p2, p0  }
0x20: {  	[sflag:s8] =	ssyncset.s32 @!p0 $0xFFFFF086;
	s6 =	sadd.s32 @!p0 s3, s7;
	s7 =	simm.s32 @!p0 $0x108  }
0x21: {  	s3 =	sadd.s32 s3, s9;
	s6 =	sadd.s32 @!p0 $0x88, s6;
	s7 =	simm.s32 @p2 $0x1082  }
0x22: {  	[simem:s7], [sflag:s8] =	dma.local @!p0 [hbm:s6], $0xF7A  }
0x23: {  	s9 =	sor.u32 $0xD0000000, s2;
	s6 =	simm.s32 $0x108;
	_ =	swait.ge @!p0 [sflag:s8], $0x0  }
0x24: {  	s3 =	sadd.s32 $0x88, s3;
	s6 =	simm.s32 @!p1 $0x1082;
	[sflag:s4] =	ssyncset.s32 $0xFFFFF086  }
0x25: {  	[simem:s6], [sflag:s4] =	dma.local [hbm:s3], $0xF7A  }
0x26: {  	[smem:$0x3F9B] =	sst s1;
	(tag) =	ssettag s2;
	_ =	strace s9  }
0x27: {  	s1 =	sld [smem:$0x3FAB]  }
0x28: {  	s2 =	sld [smem:$0x3FAC]  }
0x29: {  	s4 =	sld [smem:$0x3FAE]  }
0x2a: {  	p0 =	seq.s32 s5, $0x0;
	s5 =	sld [smem:$0x3FAF]  }
0x2b: {  	s6 =	sld [smem:$0x3FB0]  }
0x2c: {  	s7 =	sld [smem:$0x3FB1]  }
0x2d: {  	s3 =	simm.s32 $0x108;
	s8 =	sld [smem:$0x3FB2]  }
0x2e: {  	s3 =	simm.s32 @!p0 $0x1082;
	s9 =	sld [smem:$0x3FB3]  }
0x2f: {  	lr =	sadd.s32 s0, s3;
	s0 =	sld [smem:$0x3FAA]  }
0x30: {  	s3 =	sld [smem:$0x3FAD]  }
0x31: {  	[smem:$0x3FB6] =	sst s10  }
0x32: {  	s10 =	sld [smem:$0x3FB4];
	_ =	sdelay $0x3  }
0x33: {  	p0 =	seq.s32 s10, $0x1;
	s10 =	sld [smem:$0x3FB6];
	_ =	sdelay $0x3  }
0x34: {  	[smem:$0x3FB6] =	sst s10  }
0x35: {  	s10 =	sld [smem:$0x3FB5];
	_ =	sdelay $0x3  }
0x36: {  	p1 =	seq.s32 s10, $0x1;
	s10 =	sld [smem:$0x3FB6];
	_ =	sdelay $0x3  }
0x37: {  	[smem:$0x3FB6] =	sst s10  }
0x38: {  	s10 =	sld [smem:$0x3FB7]  }
0x39: {  	_ = 	snop;
	(pc) =	sbr.ind lr, $3  }
0x3a: {  	_ = 	snop  }
0x3b: {  	_ = 	snop  }
0x3c: {  	p2 =	seq.s32 s10, $0x1;
	s10 =	sld [smem:$0x3FB6]  }
0x3d: {  	_ =	shalt  }
0x3e: {  	_ =	shalt  }
0x3f: {  	_ =	shalt  }
0x40: {  	_ =	shalt  }
0x41: {  	_ =	shalt  }
0x42: {  	_ =	shalt  }
0x43: {  	_ =	shalt  }
0x44: {  	_ =	shalt  }
0x45: {  	_ =	shalt  }
0x46: {  	_ =	shalt  }
0x47: {  	_ =	shalt  }
0x48: {  	_ =	shalt  }
0x49: {  	_ =	shalt  }
0x4a: {  	_ =	shalt  }
0x4b: {  	_ =	shalt  }
0x4c: {  	_ =	shalt  }
0x4d: {  	_ =	shalt  }
0x4e: {  	_ =	shalt  }
0x4f: {  	_ =	shalt  }
0x50: {  	_ =	shalt  }
0x51: {  	_ =	shalt  }
0x52: {  	_ =	shalt  }
0x53: {  	_ =	shalt  }
0x54: {  	_ =	shalt  }
0x55: {  	_ =	shalt  }
0x56: {  	_ =	shalt  }
0x57: {  	_ =	shalt  }
0x58: {  	_ =	shalt  }
0x59: {  	_ =	shalt  }
0x5a: {  	_ =	shalt  }
0x5b: {  	_ =	shalt  }
0x5c: {  	_ =	shalt  }
0x5d: {  	_ =	shalt  }
0x5e: {  	_ =	shalt  }
0x5f: {  	_ =	shalt  }
0x60: {  	_ =	shalt  }
0x61: {  	_ =	shalt  }
0x62: {  	_ =	shalt  }
0x63: {  	_ =	shalt  }
0x64: {  	_ =	shalt  }
0x65: {  	_ =	shalt  }
0x66: {  	_ =	shalt  }
0x67: {  	_ =	shalt  }
0x68: {  	_ =	shalt  }
0x69: {  	_ =	shalt  }
0x6a: {  	_ =	shalt  }
0x6b: {  	_ =	shalt  }
0x6c: {  	_ =	shalt  }
0x6d: {  	_ =	shalt  }
0x6e: {  	_ =	shalt  }
0x6f: {  	_ =	shalt  }
0x70: {  	_ =	shalt  }
0x71: {  	_ =	shalt  }
0x72: {  	_ =	shalt  }
0x73: {  	_ =	shalt  }
0x74: {  	_ =	shalt  }
0x75: {  	_ =	shalt  }
0x76: {  	_ =	shalt  }
0x77: {  	_ =	shalt  }
0x78: {  	_ =	shalt  }
0x79: {  	_ =	shalt  }
0x7a: {  	_ =	shalt  }
0x7b: {  	_ =	shalt  }
0x7c: {  	_ =	shalt  }
0x7d: {  	_ =	shalt  }
0x7e: {  	_ =	shalt  }
0x7f: {  	_ =	shalt  }
0x80: {  	_ =	shalt  }
0x81: {  	_ =	shalt  }
0x82: {  	_ =	shalt  }
0x83: {  	_ =	shalt  }
0x84: {  	_ =	shalt  }
0x85: {  	_ =	shalt  }
0x86: {  	_ =	shalt  }
0x87: {  	_ =	shalt  }
.Lfunc_end0:
.L_simem_size_0:
called_computation.1_lowered:
.L_overlay_start_0:
0x88: {  	s2 =	sld [smem:$0x3FD9]  }
0x89: {  	s3 =	sld [smem:$0x3FFE];
	_ =	sdelay $0x1  }
0x8a: {  	s1 =	srdreg.scid  }
0x8b: {  	s0 =	sand.u32 $0x1, s1  }
0x8c: {  	s17 =	sshll.u32 s0, $0xA;
	s2 =	sadd.s32 s3, s2  }
0x8d: {  	s2 =	sadd.s32 s2, s17  }
0x8e: {  	[smem:$0x3FC2] =	sst s2  }
0x8f: {  	_ = 	snop  }
0x90: {  	s2 =	sld [smem:$0x3FD0];
	(tm) =	ssettm $0x1  }
0x91: {  	s18 =	sld [smem:$0x3FFB];
	_ =	sdelay $0x3  }
0x92: {  	_ =	strace s18  }
0x93: {  	s3 =	sld [smem:$0x3FFC];
	_ =	sdelay $0x3  }
0x94: {  	_ =	strace s3  }
0x95: {  	s3 =	sld [smem:$0x3FFD];
	_ =	sdelay $0x3  }
0x96: {  	_ =	strace s3  }
0x97: {  	_ =	strace $0x8FFFFFFF  }
0x98: {  	s19 =	sld [smem:$0x3FDB];
	_ =	sdelay $0x1  }
0x99: {  	s4 =	simm.s32 $_scs_section_size  }
0x9a: {  	s5 =	simm.s32 $_size__tile_overlayer_lowered;
	s6 =	simm.s32 $_tile_overlayer_lowered  }
0x9b: {  	s22 =	simm.s32 $0x1BFF;
	s21 =	sshll.u32 s6, $0x1;
	s3 =	sadd.s32 s4, s19  }
0x9c: {  	s7 =	simm.s32 $0x0;
	s20 =	sshll.u32 s5, $0x1;
	s5 =	sadd.s32 s21, s3  }
0x9d: {  	[timem:s7], [sflag:s22] =	dma.local [hbm:s5], s20  }
0x9e: {  	_ =	swait.ge [sflag:s22], s20  }
0x9f: {  	s4 =	ssub.s32 $0x0, s20;
	[sflag:s22] =	ssyncset.done $0x0  }
0xa0: {  	[sflag:s22] =	ssyncadd.s32 s4;
	_ =	sdelay $0x1  }
0xa1: {  	s23 =	simm.s32 $0x1B8B  }
0xa2: {  	_ =	swait.ge [sflag:s23], $0x1  }
0xa3: {  	[sflag:s23] =	ssyncset.done $0x0  }
0xa4: {  	s25 =	simm.s32 $0x1B8E;
	s24 =	sld [smem:$0x3FFE];
	[sflag:s23] =	ssyncadd.s32 $0xFFFFFFFF  }
0xa5: {  	s26 =	simm.s32 $execute0_lowered;
	[smem:$0x3FD2] =	sst s25  }
0xa6: {  	s5 =	sshll.u32 s26, $0x1;
	_ =	strace $0x80000049;
	[dreg:$0x1] =	wrdreg $0xFFFFFFFF  }
0xa7: {  	s28 =	simm.s32 $_size_execute0_lowered;
	s3 =	sadd.s32 s3, s5;
	[dreg:$0x0] =	wrdreg $0x0  }
0xa8: {  	s5 =	sshll.u32 s28, $0x1;
	[dreg:$0x2] =	wrdreg s3  }
0xa9: {  	[dreg:$0x3] =	wrdreg s5  }
0xaa: {  	[dreg:$0x4] =	wrdreg $0xC0  }
0xab: {  	_ =	task [dreg:s7], $0x5FFFF  }
0xac: {  	[dreg:$0x1] =	wrdreg $0xFFFFFFFF  }
0xad: {  	[dreg:$0x0] =	wrdreg $0x60  }
0xae: {  	[dreg:$0x2] =	wrdreg s24  }
0xaf: {  	[dreg:$0x3] =	wrdreg s2  }
0xb0: {  	[dreg:$0x4] =	wrdreg $0xA8000  }
0xb1: {  	[dreg:$0x5] =	wrdreg $0x9  }
0xb2: {  	_ =	task.clear_ibuf [dreg:s7], $0x6FFFF;
	_ =	strace $0x90000049  }
0xb3: {  	s29 =	simm.s32 $0x9;
	_ =	strace $0x8000004B  }
0xb4: {  	_ =	swait.ge [sflag:s29], $0x1  }
0xb5: {  	[sflag:s29] =	ssyncadd.s32 $0xFFFFFFFF  }
0xb6: {  	_ =	strace $0x9000004B  }
0xb7: {  	_ =	sfence  }
0xb8: {  	s30 =	sld [smem:$0x0];
	_ =	sdelay $0x2  }
0xb9: {  	s31 =	sshll.u32 s1, $0xD;
	s1 =	sshrl.u32 s1, $0x2  }
0xba: {  	s3 =	sand.u32 $0x4000, s31;
	s1 =	sadd.s32 s1, s30  }
0xbb: {  	s0 =	sor.u32 s3, s0;
	s1 =	sshll.u32 s1, $0x11  }
0xbc: {  	s0 =	sor.u32 s1, s0  }
0xbd: {  	s0 =	sadd.s32 $0x8F2B, s0  }
0xbe: {  	[sflag:s0] =	ssyncadd.remote.s32 $0x1  }
0xbf: {  	_ =	sfence.sel $0xFFFF  }
0xc0: {  	[dreg:$0x0] =	wrdreg $0xFFFFFFFF;
	(pc) =	sbr.abs _section_cstart, $3  }
0xc1: {  	[dreg:$0x1] =	wrdreg $0xFFFFFFFF  }
0xc2: {  	_ =	task.clear_ibuf [dreg:s7], $0x2FFFF;
	_ =	strace $0x9FFFFFFF  }
0xc3: {  	(tm) =	ssettm $0x7FFFFFFF  }
tec
execute0_lowered:
.L_overlay_start_1:
0x0: {  	(tag) =	ssettag $0x1  }
0x1: {  	s0 =	rddreg [dreg:$0x0]  }
0x2: {  	s2 =	rddreg [dreg:$0x2];
	s3 =	simm.s32 $0x0  }
0x3: {  	s7 =	srdreg.scid;
	s4 =	stileid.u32;
	s19 =	simm.s32 $0x2800  }
0x4: {  	s20 =	simm.s32 $0x3;
	s21 =	simm.s32 $0x1400;
	s22 =	simm.s32 $0x80  }
0x5: {  	s23 =	simm.s32 $0x1;
	s24 =	simm.s32 $0x6800;
	s25 =	simm.s32 $0x2  }
0x6: {  	s26 =	simm.s32 $0x1380;
	s28 =	simm.s32 $0x2700;
	s29 =	simm.s32 $0x2780  }
0x7: {  	s30 =	simm.s32 $0x0;
	[smem:$0x7FF] =	sst s3;
	s5 =	sadd.s32 $0x34E00, s0  }
0x8: {  	s6 =	sadd.s32 $0x5C000, s0;
	s10 =	sand.u32 $0x1, s7;
	s8 =	smul.u32 $0x50000, s4  }
0x9: {  	s16 =	sadd.s32 $0x8C00, s0;
	s17 =	sadd.s32 $0x3C00, s0;
	s9 =	ssub.s32 $0x2, s10  }
0xa: {  	s7 =	sadd.s32 $0x83200, s0;
	s15 =	smul.u32 $0x500, s4;
	s31 =	sshrl.u32 s9, $0x1  }
0xb: {  	_ =	strace $0x8000004A;
	s0 =	ssub.s32 s9, s31;
	s9 =	smul.u32 $0x2800, s4  }
.Ltmp0:
0xc: {  	p0 =	seq.s32 s10, $0x1;
	s8 =	sshrl.u32 s8, $0x2;
	(pc) =	sbr.rel .LBB2_1-.Ltmp0, $4  }
0xd: {  	s14 =	sadd.s32 s16, s15;
	s15 =	sadd.s32 s17, s15;
	s8 =	sadd.s32 s8, s2  }
0xe: {  	s10 =	sadd.s32 $0x4000, s8;
	s11 =	sadd.s32 $0x8000, s8;
	s18 =	sshrl.u32 s9, $0x3  }
0xf: {  	s12 =	sadd.s32 $0xC000, s8;
	s13 =	sadd.s32 $0x10000, s8;
	s18 =	sadd.s32 $0x280, s18  }
0x10: {  	v0 =	vimm.f32 $0.0e+00;
	s16 =	sadd.s32 s16, s18;
	s17 =	sadd.s32 s17, s18;
	s18 =	smax.u32 s0, $0x1  }
.LBB2_13:
0x11: {  	[sflag:s20] =	ssyncadd.s32 $0xFFFFC000  }
0x12: {  	_ =	swait.ge [sflag:s23], $0x4000  }
0x13: {  	[sflag:s23] =	ssyncset.done $0x0  }
0x14: {  	[sflag:s23] =	ssyncadd.s32 $0xFFFFC000  }
0x15: {  	[tilespmem:s24], [sflag:$0x2] =	stream.indirect.gather [hbm4b:s6+s22], $0x80, s26, s22, $0xb8;
	[tilespmem:$0x1E800] =	vst v63  }
0x16: {  	_ = 	snop  }
0x17: {  	[spmem:s2] =	stream.indirect.scatter.add.f32 [tilespmem:s19], [sflag:$0x3], $0x80, s28, s22, $0xb8;
	[tilespmem:$0x1E800] =	vst v63  }
0x18: {  	_ =	swait.ge [sflag:s20], $0x4000  }
0x19: {  	[sflag:s20] =	ssyncset.done $0x0  }
0x1a: {  	[sflag:s20] =	ssyncadd.s32 $0xFFFFC000  }
0x1b: {  	_ =	swait.ge [sflag:s25], $0x4000  }
0x1c: {  	[sflag:s25] =	ssyncset.done $0x0  }
0x1d: {  	s0 =	smov.u32 s7;
	[sflag:s25] =	ssyncadd.s32 $0xFFFFC000  }
0x1e: {  	[spmem:s2] =	stream.indirect.scatter.add.f32 [tilespmem:s24], [sflag:$0x3], $0x80, s29, s22, $0xb8;
	[tilespmem:$0x1E800] =	vst v63  }
.LBB2_14:
0x1f: {  	_ =	swait.ge [sflag:s20], $0x4000;
	s0 =	sadd.s32 s0, s9  }
0x20: {  	s1 =	sshll.u32 s4, $0x6;
	s30 =	sadd.s32 $0x1, s30;
	[sflag:s20] =	ssyncset.done $0x0  }
0x21: {  	s31 =	sshrl.u32 s8, $0x3;
	p1 =	sne.s32 s30, s18;
	[sflag:s20] =	ssyncadd.s32 $0xFFFFC000  }
.Ltmp1:
0x22: {  	s1 =	sor.u32 $0x1C03, s1;
	[bflag:$0x0] =	sbarrier.arrive $0xFFFF;
	(pc) =	sbr.rel @!p1 .LBB2_15-.Ltmp1, $4  }
0x23: {  	[hbm:s0], [sflag:s1] =	dma.local [spmem:s31], $0x2800  }
0x24: {  	_ =	swait.ge [sflag:s20], $0x2800  }
0x25: {  	[sflag:s20] =	ssyncset.done $0x0  }
0x26: {  	[sflag:s20] =	ssyncadd.s32 $0xFFFFD800  }
.LBB2_1:
.Ltmp2:
0x27: {  	(pc) =	sbr.rel @!p0 .LBB2_2-.Ltmp2, $2  }
0x28: {  	_ =	sdelay $0x2  }
0x29: {  	s31 =	simm.s32 $0x10;
	s0 =	sand.u32 $0x3FF0, s3  }
.LBB2_8:
0x2a: {  	p1 =	sne.s32 s31, $0x3FF0;
	[tilespmem:s0+$0x2800] =	vst v0;
	s0 =	smov.u32 s31;
	s31 =	sadd.s32 $0x10, s31  }
.Ltmp3:
0x2b: {  	(pc) =	sbr.rel @p1 .LBB2_8-.Ltmp3, $2  }
0x2c: {  	_ =	sdelay $0x2  }
0x2d: {  	s0 =	sand.u32 $0x3FF0, s0  }
0x2e: {  	[tilespmem:s0+$0x2800] =	vst v0  }
0x2f: {  	[spmem:s8] =	stream.linear.scatter [tilespmem:s19], [sflag:$0x3], $0x4000, $0x38;
	[tilespmem:$0x1E800] =	vst v63  }
0x30: {  	_ =	swait.ge [sflag:s20], $0x4000  }
0x31: {  	[sflag:s20] =	ssyncset.done $0x0  }
0x32: {  	[sflag:s20] =	ssyncadd.s32 $0xFFFFC000  }
0x33: {  	[spmem:s10] =	stream.linear.scatter [tilespmem:s19], [sflag:$0x3], $0x4000, $0x38;
	[tilespmem:$0x1E800] =	vst v63  }
0x34: {  	_ =	swait.ge [sflag:s20], $0x4000  }
0x35: {  	[sflag:s20] =	ssyncset.done $0x0  }
0x36: {  	[sflag:s20] =	ssyncadd.s32 $0xFFFFC000  }
0x37: {  	[spmem:s11] =	stream.linear.scatter [tilespmem:s19], [sflag:$0x3], $0x4000, $0x38;
	[tilespmem:$0x1E800] =	vst v63  }
0x38: {  	_ =	swait.ge [sflag:s20], $0x4000  }
0x39: {  	[sflag:s20] =	ssyncset.done $0x0  }
0x3a: {  	[sflag:s20] =	ssyncadd.s32 $0xFFFFC000  }
0x3b: {  	[spmem:s12] =	stream.linear.scatter [tilespmem:s19], [sflag:$0x3], $0x4000, $0x38;
	[tilespmem:$0x1E800] =	vst v63  }
0x3c: {  	_ =	swait.ge [sflag:s20], $0x4000  }
0x3d: {  	[sflag:s20] =	ssyncset.done $0x0  }
0x3e: {  	[sflag:s20] =	ssyncadd.s32 $0xFFFFC000  }
0x3f: {  	[spmem:s13] =	stream.linear.scatter [tilespmem:s19], [sflag:$0x3], $0x4000, $0x38;
	[tilespmem:$0x1E800] =	vst v63  }
0x40: {  	_ =	swait.ge [sflag:s20], $0x4000  }
0x41: {  	[sflag:s20] =	ssyncset.done $0x0  }
0x42: {  	[sflag:s20] =	ssyncadd.s32 $0xFFFFC000  }
0x43: {  	s1 =	simm.s32 $0x0;
	[bflag:$0x0] =	sbarrier.arrive $0xFFFF  }
0x44: {  	[tilespmem:s1], [sflag:$0x3] =	stream.linear.gather [hbm4b:s14+s1], $0x1400, $0x38;
	[tilespmem:$0x1E800] =	vst v63  }
0x45: {  	_ =	swait.ge [sflag:s20], $0x1400  }
0x46: {  	[sflag:s20] =	ssyncset.done $0x0  }
0x47: {  	[sflag:s20] =	ssyncadd.s32 $0xFFFFEC00  }
0x48: {  	[tilespmem:s21], [sflag:$0x3] =	stream.linear.gather [hbm4b:s15+s1], $0x1400, $0x38;
	[tilespmem:$0x1E800] =	vst v63  }
0x49: {  	_ =	swait.ge [sflag:s20], $0x1400  }
0x4a: {  	[sflag:s20] =	ssyncset.done $0x0  }
0x4b: {  	[sflag:s20] =	ssyncadd.s32 $0xFFFFEC00  }
0x4c: {  	[tilespmem:s19], [sflag:$0x1] =	stream.indirect.gather [hbm4b:s6+s22], $0x80, s1, s22, $0xb8;
	[tilespmem:$0x1E800] =	vst v63  }
0x4d: {  	_ =	swait.ge [sflag:s23], $0x4000  }
0x4e: {  	[sflag:s23] =	ssyncset.done $0x0  }
0x4f: {  	s1 =	simm.s32 $0x80;
	[sflag:s23] =	ssyncadd.s32 $0xFFFFC000  }
0x50: {  	[tilespmem:s24], [sflag:$0x2] =	stream.indirect.gather [hbm4b:s6+s22], $0x80, s1, s22, $0xb8;
	[tilespmem:$0x1E800] =	vst v63  }
0x51: {  	s1 =	simm.s32 $0x1400  }
0x52: {  	[spmem:s2] =	stream.indirect.scatter.add.f32 [tilespmem:s19], [sflag:$0x3], $0x80, s1, s22, $0xb8;
	[tilespmem:$0x1E800] =	vst v63  }
0x53: {  	_ =	swait.ge [sflag:s20], $0x4000  }
0x54: {  	[sflag:s20] =	ssyncset.done $0x0  }
0x55: {  	[sflag:s20] =	ssyncadd.s32 $0xFFFFC000  }
0x56: {  	_ =	swait.ge [sflag:s25], $0x4000  }
0x57: {  	[sflag:s25] =	ssyncset.done $0x0  }
0x58: {  	s1 =	simm.s32 $0x100;
	[sflag:s25] =	ssyncadd.s32 $0xFFFFC000  }
0x59: {  	[tilespmem:s19], [sflag:$0x1] =	stream.indirect.gather [hbm4b:s6+s22], $0x80, s1, s22, $0xb8;
	[tilespmem:$0x1E800] =	vst v63  }
0x5a: {  	s1 =	simm.s32 $0x1480  }
0x5b: {  	[spmem:s2] =	stream.indirect.scatter.add.f32 [tilespmem:s24], [sflag:$0x3], $0x80, s1, s22, $0xb8;
	[tilespmem:$0x1E800] =	vst v63  }
0x5c: {  	_ =	swait.ge [sflag:s20], $0x4000  }
0x5d: {  	s31 =	simm.s32 $0x400;
	[sflag:s20] =	ssyncset.done $0x0  }
.LBB2_10:
0x5e: {  	p1 =	sne.s32 s31, $0x4800  }
0x5f: {  	[sflag:s20] =	ssyncadd.s32 $0xFFFFC000;
	s0 =	smov.u32 s31;
	s31 =	sadd.s32 $0x400, s31  }
0x60: {  	_ = 	snop  }
0x61: {  	_ =	swait.ge [sflag:s23], $0x4000  }
0x62: {  	s0 =	sshra.s32 s0, $0x2;
	[sflag:s23] =	ssyncset.done $0x0  }
0x63: {  	s1 =	sadd.s32 $0x80, s0;
	[sflag:s23] =	ssyncadd.s32 $0xFFFFC000  }
0x64: {  	[tilespmem:s24], [sflag:$0x2] =	stream.indirect.gather [hbm4b:s6+s22], $0x80, s1, s22, $0xb8;
	[tilespmem:$0x1E800] =	vst v63  }
0x65: {  	s1 =	sadd.s32 $0x1400, s0  }
0x66: {  	[spmem:s2] =	stream.indirect.scatter.add.f32 [tilespmem:s19], [sflag:$0x3], $0x80, s1, s22, $0xb8;
	[tilespmem:$0x1E800] =	vst v63  }
0x67: {  	_ =	swait.ge [sflag:s20], $0x4000  }
0x68: {  	[sflag:s20] =	ssyncset.done $0x0  }
0x69: {  	[sflag:s20] =	ssyncadd.s32 $0xFFFFC000  }
0x6a: {  	_ =	swait.ge [sflag:s25], $0x4000  }
0x6b: {  	[sflag:s25] =	ssyncset.done $0x0  }
0x6c: {  	s1 =	sadd.s32 $0x100, s0;
	[sflag:s25] =	ssyncadd.s32 $0xFFFFC000  }
0x6d: {  	[tilespmem:s19], [sflag:$0x1] =	stream.indirect.gather [hbm4b:s6+s22], $0x80, s1, s22, $0xb8;
	[tilespmem:$0x1E800] =	vst v63  }
.Ltmp4:
0x6e: {  	_ = 	snop;
	(pc) =	sbr.rel @p1 .LBB2_10-.Ltmp4, $4  }
0x6f: {  	s0 =	sadd.s32 $0x1480, s0  }
0x70: {  	[spmem:s2] =	stream.indirect.scatter.add.f32 [tilespmem:s24], [sflag:$0x3], $0x80, s0, s22, $0xb8;
	[tilespmem:$0x1E800] =	vst v63  }
0x71: {  	_ =	swait.ge [sflag:s20], $0x4000  }
0x72: {  	[sflag:s20] =	ssyncset.done $0x0  }
0x73: {  	[sflag:s20] =	ssyncadd.s32 $0xFFFFC000  }
0x74: {  	_ =	swait.ge [sflag:s23], $0x4000  }
0x75: {  	[sflag:s23] =	ssyncset.done $0x0  }
0x76: {  	[sflag:s23] =	ssyncadd.s32 $0xFFFFC000  }
0x77: {  	[tilespmem:s24], [sflag:$0x2] =	stream.indirect.gather [hbm4b:s6+s22], $0x80, s26, s22, $0xb8;
	[tilespmem:$0x1E800] =	vst v63  }
0x78: {  	_ = 	snop  }
0x79: {  	[spmem:s2] =	stream.indirect.scatter.add.f32 [tilespmem:s19], [sflag:$0x3], $0x80, s28, s22, $0xb8;
	[tilespmem:$0x1E800] =	vst v63  }
0x7a: {  	_ =	swait.ge [sflag:s20], $0x4000  }
0x7b: {  	[sflag:s20] =	ssyncset.done $0x0  }
0x7c: {  	[sflag:s20] =	ssyncadd.s32 $0xFFFFC000  }
0x7d: {  	_ =	swait.ge [sflag:s25], $0x4000  }
0x7e: {  	[sflag:s25] =	ssyncset.done $0x0  }
0x7f: {  	[sflag:s25] =	ssyncadd.s32 $0xFFFFC000  }
0x80: {  	[spmem:s2] =	stream.indirect.scatter.add.f32 [tilespmem:s24], [sflag:$0x3], $0x80, s29, s22, $0xb8;
	[tilespmem:$0x1E800] =	vst v63  }
0x81: {  	_ =	swait.ge [sflag:s20], $0x4000  }
0x82: {  	[sflag:s20] =	ssyncset.done $0x0  }
0x83: {  	s0 =	simm.s32 $0x0;
	[sflag:s20] =	ssyncadd.s32 $0xFFFFC000  }
0x84: {  	[tilespmem:s0], [sflag:$0x3] =	stream.linear.gather [hbm4b:s16+s0], $0x1400, $0x38;
	[tilespmem:$0x1E800] =	vst v63  }
0x85: {  	_ =	swait.ge [sflag:s20], $0x1400  }
0x86: {  	[sflag:s20] =	ssyncset.done $0x0  }
0x87: {  	[sflag:s20] =	ssyncadd.s32 $0xFFFFEC00  }
0x88: {  	[tilespmem:s21], [sflag:$0x3] =	stream.linear.gather [hbm4b:s17+s0], $0x1400, $0x38;
	[tilespmem:$0x1E800] =	vst v63  }
0x89: {  	_ =	swait.ge [sflag:s20], $0x1400  }
0x8a: {  	[sflag:s20] =	ssyncset.done $0x0  }
0x8b: {  	[sflag:s20] =	ssyncadd.s32 $0xFFFFEC00  }
0x8c: {  	[tilespmem:s19], [sflag:$0x1] =	stream.indirect.gather [hbm4b:s6+s22], $0x80, s0, s22, $0xb8;
	[tilespmem:$0x1E800] =	vst v63  }
0x8d: {  	_ =	swait.ge [sflag:s23], $0x4000  }
0x8e: {  	[sflag:s23] =	ssyncset.done $0x0  }
0x8f: {  	s1 =	simm.s32 $0x80;
	[sflag:s23] =	ssyncadd.s32 $0xFFFFC000  }
0x90: {  	[tilespmem:s24], [sflag:$0x2] =	stream.indirect.gather [hbm4b:s6+s22], $0x80, s1, s22, $0xb8;
	[tilespmem:$0x1E800] =	vst v63  }
0x91: {  	s1 =	simm.s32 $0x1400  }
0x92: {  	[spmem:s2] =	stream.indirect.scatter.add.f32 [tilespmem:s19], [sflag:$0x3], $0x80, s1, s22, $0xb8;
	[tilespmem:$0x1E800] =	vst v63  }
0x93: {  	_ =	swait.ge [sflag:s20], $0x4000  }
0x94: {  	[sflag:s20] =	ssyncset.done $0x0  }
0x95: {  	[sflag:s20] =	ssyncadd.s32 $0xFFFFC000  }
0x96: {  	_ =	swait.ge [sflag:s25], $0x4000  }
0x97: {  	[sflag:s25] =	ssyncset.done $0x0  }
0x98: {  	s1 =	simm.s32 $0x100;
	[sflag:s25] =	ssyncadd.s32 $0xFFFFC000  }
0x99: {  	[tilespmem:s19], [sflag:$0x1] =	stream.indirect.gather [hbm4b:s6+s22], $0x80, s1, s22, $0xb8;
	[tilespmem:$0x1E800] =	vst v63  }
0x9a: {  	s1 =	simm.s32 $0x1480  }
0x9b: {  	[spmem:s2] =	stream.indirect.scatter.add.f32 [tilespmem:s24], [sflag:$0x3], $0x80, s1, s22, $0xb8;
	[tilespmem:$0x1E800] =	vst v63  }
0x9c: {  	_ =	swait.ge [sflag:s20], $0x4000  }
0x9d: {  	s31 =	simm.s32 $0x400;
	[sflag:s20] =	ssyncset.done $0x0  }
.LBB2_12:
0x9e: {  	p1 =	sne.s32 s31, $0x4800  }
0x9f: {  	[sflag:s20] =	ssyncadd.s32 $0xFFFFC000;
	s0 =	smov.u32 s31;
	s31 =	sadd.s32 $0x400, s31  }
0xa0: {  	_ = 	snop  }
0xa1: {  	_ =	swait.ge [sflag:s23], $0x4000  }
0xa2: {  	s0 =	sshra.s32 s0, $0x2;
	[sflag:s23] =	ssyncset.done $0x0  }
0xa3: {  	s1 =	sadd.s32 $0x80, s0;
	[sflag:s23] =	ssyncadd.s32 $0xFFFFC000  }
0xa4: {  	[tilespmem:s24], [sflag:$0x2] =	stream.indirect.gather [hbm4b:s6+s22], $0x80, s1, s22, $0xb8;
	[tilespmem:$0x1E800] =	vst v63  }
0xa5: {  	s1 =	sadd.s32 $0x1400, s0  }
0xa6: {  	[spmem:s2] =	stream.indirect.scatter.add.f32 [tilespmem:s19], [sflag:$0x3], $0x80, s1, s22, $0xb8;
	[tilespmem:$0x1E800] =	vst v63  }
0xa7: {  	_ =	swait.ge [sflag:s20], $0x4000  }
0xa8: {  	[sflag:s20] =	ssyncset.done $0x0  }
0xa9: {  	[sflag:s20] =	ssyncadd.s32 $0xFFFFC000  }
0xaa: {  	_ =	swait.ge [sflag:s25], $0x4000  }
0xab: {  	[sflag:s25] =	ssyncset.done $0x0  }
0xac: {  	s1 =	sadd.s32 $0x100, s0;
	[sflag:s25] =	ssyncadd.s32 $0xFFFFC000  }
0xad: {  	[tilespmem:s19], [sflag:$0x1] =	stream.indirect.gather [hbm4b:s6+s22], $0x80, s1, s22, $0xb8;
	[tilespmem:$0x1E800] =	vst v63  }
.Ltmp5:
0xae: {  	_ = 	snop;
	(pc) =	sbr.rel @p1 .LBB2_12-.Ltmp5, $4  }
0xaf: {  	s0 =	sadd.s32 $0x1480, s0  }
0xb0: {  	[spmem:s2] =	stream.indirect.scatter.add.f32 [tilespmem:s24], [sflag:$0x3], $0x80, s0, s22, $0xb8;
	[tilespmem:$0x1E800] =	vst v63  }
0xb1: {  	_ =	swait.ge [sflag:s20], $0x4000  }
0xb2: {  	[sflag:s20] =	ssyncset.done $0x0  }
.Ltmp6:
0xb3: {  	_ = 	snop;
	(pc) =	sbr.rel .LBB2_13-.Ltmp6, $1  }
0xb4: {  	_ =	sdelay $0x3  }
.LBB2_2:
0xb5: {  	p1 =	sne.s32 s31, $0x3FF0;
	[tilespmem:s0+$0x2800] =	vst v0;
	s0 =	smov.u32 s31;
	s31 =	sadd.s32 $0x10, s31  }
.Ltmp7:
0xb6: {  	(pc) =	sbr.rel @p1 .LBB2_2-.Ltmp7, $2  }
0xb7: {  	_ =	sdelay $0x2  }
0xb8: {  	s0 =	sand.u32 $0x3FF0, s0  }
0xb9: {  	[tilespmem:s0+$0x2800] =	vst v0  }
0xba: {  	[spmem:s8] =	stream.linear.scatter [tilespmem:s19], [sflag:$0x3], $0x4000, $0x38;
	[tilespmem:$0x1E800] =	vst v63  }
0xbb: {  	_ =	swait.ge [sflag:s20], $0x4000  }
0xbc: {  	[sflag:s20] =	ssyncset.done $0x0  }
0xbd: {  	[sflag:s20] =	ssyncadd.s32 $0xFFFFC000  }
0xbe: {  	[spmem:s10] =	stream.linear.scatter [tilespmem:s19], [sflag:$0x3], $0x4000, $0x38;
	[tilespmem:$0x1E800] =	vst v63  }
0xbf: {  	_ =	swait.ge [sflag:s20], $0x4000  }
0xc0: {  	[sflag:s20] =	ssyncset.done $0x0  }
0xc1: {  	[sflag:s20] =	ssyncadd.s32 $0xFFFFC000  }
0xc2: {  	[spmem:s11] =	stream.linear.scatter [tilespmem:s19], [sflag:$0x3], $0x4000, $0x38;
	[tilespmem:$0x1E800] =	vst v63  }
0xc3: {  	_ =	swait.ge [sflag:s20], $0x4000  }
0xc4: {  	[sflag:s20] =	ssyncset.done $0x0  }
0xc5: {  	[sflag:s20] =	ssyncadd.s32 $0xFFFFC000  }
0xc6: {  	[spmem:s12] =	stream.linear.scatter [tilespmem:s19], [sflag:$0x3], $0x4000, $0x38;
	[tilespmem:$0x1E800] =	vst v63  }
0xc7: {  	_ =	swait.ge [sflag:s20], $0x4000  }
0xc8: {  	[sflag:s20] =	ssyncset.done $0x0  }
0xc9: {  	[sflag:s20] =	ssyncadd.s32 $0xFFFFC000  }
0xca: {  	[spmem:s13] =	stream.linear.scatter [tilespmem:s19], [sflag:$0x3], $0x4000, $0x38;
	[tilespmem:$0x1E800] =	vst v63  }
0xcb: {  	_ =	swait.ge [sflag:s20], $0x4000  }
0xcc: {  	[sflag:s20] =	ssyncset.done $0x0  }
0xcd: {  	[sflag:s20] =	ssyncadd.s32 $0xFFFFC000  }
0xce: {  	s1 =	simm.s32 $0x0;
	[bflag:$0x0] =	sbarrier.arrive $0xFFFF  }
0xcf: {  	[tilespmem:s1], [sflag:$0x3] =	stream.linear.gather [hbm4b:s14+s1], $0x1400, $0x38;
	[tilespmem:$0x1E800] =	vst v63  }
0xd0: {  	_ =	swait.ge [sflag:s20], $0x1400  }
0xd1: {  	[sflag:s20] =	ssyncset.done $0x0  }
0xd2: {  	[sflag:s20] =	ssyncadd.s32 $0xFFFFEC00  }
0xd3: {  	[tilespmem:s21], [sflag:$0x3] =	stream.linear.gather [hbm4b:s15+s1], $0x1400, $0x38;
	[tilespmem:$0x1E800] =	vst v63  }
0xd4: {  	_ =	swait.ge [sflag:s20], $0x1400  }
0xd5: {  	[sflag:s20] =	ssyncset.done $0x0  }
0xd6: {  	[sflag:s20] =	ssyncadd.s32 $0xFFFFEC00  }
0xd7: {  	[tilespmem:s19], [sflag:$0x1] =	stream.indirect.gather [hbm4b:s5+s22], $0x80, s1, s22, $0xb8;
	[tilespmem:$0x1E800] =	vst v63  }
0xd8: {  	_ =	swait.ge [sflag:s23], $0x4000  }
0xd9: {  	[sflag:s23] =	ssyncset.done $0x0  }
0xda: {  	s1 =	simm.s32 $0x80;
	[sflag:s23] =	ssyncadd.s32 $0xFFFFC000  }
0xdb: {  	[tilespmem:s24], [sflag:$0x2] =	stream.indirect.gather [hbm4b:s5+s22], $0x80, s1, s22, $0xb8;
	[tilespmem:$0x1E800] =	vst v63  }
0xdc: {  	s1 =	simm.s32 $0x1400  }
0xdd: {  	[spmem:s2] =	stream.indirect.scatter.add.f32 [tilespmem:s19], [sflag:$0x3], $0x80, s1, s22, $0xb8;
	[tilespmem:$0x1E800] =	vst v63  }
0xde: {  	_ =	swait.ge [sflag:s20], $0x4000  }
0xdf: {  	[sflag:s20] =	ssyncset.done $0x0  }
0xe0: {  	[sflag:s20] =	ssyncadd.s32 $0xFFFFC000  }
0xe1: {  	_ =	swait.ge [sflag:s25], $0x4000  }
0xe2: {  	[sflag:s25] =	ssyncset.done $0x0  }
0xe3: {  	s1 =	simm.s32 $0x100;
	[sflag:s25] =	ssyncadd.s32 $0xFFFFC000  }
0xe4: {  	[tilespmem:s19], [sflag:$0x1] =	stream.indirect.gather [hbm4b:s5+s22], $0x80, s1, s22, $0xb8;
	[tilespmem:$0x1E800] =	vst v63  }
0xe5: {  	s1 =	simm.s32 $0x1480  }
0xe6: {  	[spmem:s2] =	stream.indirect.scatter.add.f32 [tilespmem:s24], [sflag:$0x3], $0x80, s1, s22, $0xb8;
	[tilespmem:$0x1E800] =	vst v63  }
0xe7: {  	_ =	swait.ge [sflag:s20], $0x4000  }
0xe8: {  	s31 =	simm.s32 $0x400;
	[sflag:s20] =	ssyncset.done $0x0  }
.LBB2_4:
0xe9: {  	p1 =	sne.s32 s31, $0x4800  }
0xea: {  	[sflag:s20] =	ssyncadd.s32 $0xFFFFC000;
	s0 =	smov.u32 s31;
	s31 =	sadd.s32 $0x400, s31  }
0xeb: {  	_ = 	snop  }
0xec: {  	_ =	swait.ge [sflag:s23], $0x4000  }
0xed: {  	s0 =	sshra.s32 s0, $0x2;
	[sflag:s23] =	ssyncset.done $0x0  }
0xee: {  	s1 =	sadd.s32 $0x80, s0;
	[sflag:s23] =	ssyncadd.s32 $0xFFFFC000  }
0xef: {  	[tilespmem:s24], [sflag:$0x2] =	stream.indirect.gather [hbm4b:s5+s22], $0x80, s1, s22, $0xb8;
	[tilespmem:$0x1E800] =	vst v63  }
0xf0: {  	s1 =	sadd.s32 $0x1400, s0  }
0xf1: {  	[spmem:s2] =	stream.indirect.scatter.add.f32 [tilespmem:s19], [sflag:$0x3], $0x80, s1, s22, $0xb8;
	[tilespmem:$0x1E800] =	vst v63  }
0xf2: {  	_ =	swait.ge [sflag:s20], $0x4000  }
0xf3: {  	[sflag:s20] =	ssyncset.done $0x0  }
0xf4: {  	[sflag:s20] =	ssyncadd.s32 $0xFFFFC000  }
0xf5: {  	_ =	swait.ge [sflag:s25], $0x4000  }
0xf6: {  	[sflag:s25] =	ssyncset.done $0x0  }
0xf7: {  	s1 =	sadd.s32 $0x100, s0;
	[sflag:s25] =	ssyncadd.s32 $0xFFFFC000  }
0xf8: {  	[tilespmem:s19], [sflag:$0x1] =	stream.indirect.gather [hbm4b:s5+s22], $0x80, s1, s22, $0xb8;
	[tilespmem:$0x1E800] =	vst v63  }
.Ltmp8:
0xf9: {  	_ = 	snop;
	(pc) =	sbr.rel @p1 .LBB2_4-.Ltmp8, $4  }
0xfa: {  	s0 =	sadd.s32 $0x1480, s0  }
0xfb: {  	[spmem:s2] =	stream.indirect.scatter.add.f32 [tilespmem:s24], [sflag:$0x3], $0x80, s0, s22, $0xb8;
	[tilespmem:$0x1E800] =	vst v63  }
0xfc: {  	_ =	swait.ge [sflag:s20], $0x4000  }
0xfd: {  	[sflag:s20] =	ssyncset.done $0x0  }
0xfe: {  	[sflag:s20] =	ssyncadd.s32 $0xFFFFC000  }
0xff: {  	_ =	swait.ge [sflag:s23], $0x4000  }
0x100: {  	[sflag:s23] =	ssyncset.done $0x0  }
0x101: {  	[sflag:s23] =	ssyncadd.s32 $0xFFFFC000  }
0x102: {  	[tilespmem:s24], [sflag:$0x2] =	stream.indirect.gather [hbm4b:s5+s22], $0x80, s26, s22, $0xb8;
	[tilespmem:$0x1E800] =	vst v63  }
0x103: {  	_ = 	snop  }
0x104: {  	[spmem:s2] =	stream.indirect.scatter.add.f32 [tilespmem:s19], [sflag:$0x3], $0x80, s28, s22, $0xb8;
	[tilespmem:$0x1E800] =	vst v63  }
0x105: {  	_ =	swait.ge [sflag:s20], $0x4000  }
0x106: {  	[sflag:s20] =	ssyncset.done $0x0  }
0x107: {  	[sflag:s20] =	ssyncadd.s32 $0xFFFFC000  }
0x108: {  	_ =	swait.ge [sflag:s25], $0x4000  }
0x109: {  	[sflag:s25] =	ssyncset.done $0x0  }
0x10a: {  	[sflag:s25] =	ssyncadd.s32 $0xFFFFC000  }
0x10b: {  	[spmem:s2] =	stream.indirect.scatter.add.f32 [tilespmem:s24], [sflag:$0x3], $0x80, s29, s22, $0xb8;
	[tilespmem:$0x1E800] =	vst v63  }
0x10c: {  	_ =	swait.ge [sflag:s20], $0x4000  }
0x10d: {  	[sflag:s20] =	ssyncset.done $0x0  }
0x10e: {  	s0 =	simm.s32 $0x0;
	[sflag:s20] =	ssyncadd.s32 $0xFFFFC000  }
0x10f: {  	[tilespmem:s0], [sflag:$0x3] =	stream.linear.gather [hbm4b:s16+s0], $0x1400, $0x38;
	[tilespmem:$0x1E800] =	vst v63  }
0x110: {  	_ =	swait.ge [sflag:s20], $0x1400  }
0x111: {  	[sflag:s20] =	ssyncset.done $0x0  }
0x112: {  	[sflag:s20] =	ssyncadd.s32 $0xFFFFEC00  }
0x113: {  	[tilespmem:s21], [sflag:$0x3] =	stream.linear.gather [hbm4b:s17+s0], $0x1400, $0x38;
	[tilespmem:$0x1E800] =	vst v63  }
0x114: {  	_ =	swait.ge [sflag:s20], $0x1400  }
0x115: {  	[sflag:s20] =	ssyncset.done $0x0  }
0x116: {  	[sflag:s20] =	ssyncadd.s32 $0xFFFFEC00  }
0x117: {  	[tilespmem:s19], [sflag:$0x1] =	stream.indirect.gather [hbm4b:s5+s22], $0x80, s0, s22, $0xb8;
	[tilespmem:$0x1E800] =	vst v63  }
0x118: {  	_ =	swait.ge [sflag:s23], $0x4000  }
0x119: {  	[sflag:s23] =	ssyncset.done $0x0  }
0x11a: {  	s1 =	simm.s32 $0x80;
	[sflag:s23] =	ssyncadd.s32 $0xFFFFC000  }
0x11b: {  	[tilespmem:s24], [sflag:$0x2] =	stream.indirect.gather [hbm4b:s5+s22], $0x80, s1, s22, $0xb8;
	[tilespmem:$0x1E800] =	vst v63  }
0x11c: {  	s1 =	simm.s32 $0x1400  }
0x11d: {  	[spmem:s2] =	stream.indirect.scatter.add.f32 [tilespmem:s19], [sflag:$0x3], $0x80, s1, s22, $0xb8;
	[tilespmem:$0x1E800] =	vst v63  }
0x11e: {  	_ =	swait.ge [sflag:s20], $0x4000  }
0x11f: {  	[sflag:s20] =	ssyncset.done $0x0  }
0x120: {  	[sflag:s20] =	ssyncadd.s32 $0xFFFFC000  }
0x121: {  	_ =	swait.ge [sflag:s25], $0x4000  }
0x122: {  	[sflag:s25] =	ssyncset.done $0x0  }
0x123: {  	s1 =	simm.s32 $0x100;
	[sflag:s25] =	ssyncadd.s32 $0xFFFFC000  }
0x124: {  	[tilespmem:s19], [sflag:$0x1] =	stream.indirect.gather [hbm4b:s5+s22], $0x80, s1, s22, $0xb8;
	[tilespmem:$0x1E800] =	vst v63  }
0x125: {  	s1 =	simm.s32 $0x1480  }
0x126: {  	[spmem:s2] =	stream.indirect.scatter.add.f32 [tilespmem:s24], [sflag:$0x3], $0x80, s1, s22, $0xb8;
	[tilespmem:$0x1E800] =	vst v63  }
0x127: {  	_ =	swait.ge [sflag:s20], $0x4000  }
0x128: {  	s31 =	simm.s32 $0x400;
	[sflag:s20] =	ssyncset.done $0x0  }
.LBB2_6:
0x129: {  	p1 =	sne.s32 s31, $0x4800  }
0x12a: {  	[sflag:s20] =	ssyncadd.s32 $0xFFFFC000;
	s0 =	smov.u32 s31;
	s31 =	sadd.s32 $0x400, s31  }
0x12b: {  	_ = 	snop  }
0x12c: {  	_ =	swait.ge [sflag:s23], $0x4000  }
0x12d: {  	s0 =	sshra.s32 s0, $0x2;
	[sflag:s23] =	ssyncset.done $0x0  }
0x12e: {  	s1 =	sadd.s32 $0x80, s0;
	[sflag:s23] =	ssyncadd.s32 $0xFFFFC000  }
0x12f: {  	[tilespmem:s24], [sflag:$0x2] =	stream.indirect.gather [hbm4b:s5+s22], $0x80, s1, s22, $0xb8;
	[tilespmem:$0x1E800] =	vst v63  }
0x130: {  	s1 =	sadd.s32 $0x1400, s0  }
0x131: {  	[spmem:s2] =	stream.indirect.scatter.add.f32 [tilespmem:s19], [sflag:$0x3], $0x80, s1, s22, $0xb8;
	[tilespmem:$0x1E800] =	vst v63  }
0x132: {  	_ =	swait.ge [sflag:s20], $0x4000  }
0x133: {  	[sflag:s20] =	ssyncset.done $0x0  }
0x134: {  	[sflag:s20] =	ssyncadd.s32 $0xFFFFC000  }
0x135: {  	_ =	swait.ge [sflag:s25], $0x4000  }
0x136: {  	[sflag:s25] =	ssyncset.done $0x0  }
0x137: {  	s1 =	sadd.s32 $0x100, s0;
	[sflag:s25] =	ssyncadd.s32 $0xFFFFC000  }
0x138: {  	[tilespmem:s19], [sflag:$0x1] =	stream.indirect.gather [hbm4b:s5+s22], $0x80, s1, s22, $0xb8;
	[tilespmem:$0x1E800] =	vst v63  }
.Ltmp9:
0x139: {  	_ = 	snop;
	(pc) =	sbr.rel @p1 .LBB2_6-.Ltmp9, $4  }
0x13a: {  	s0 =	sadd.s32 $0x1480, s0  }
0x13b: {  	[spmem:s2] =	stream.indirect.scatter.add.f32 [tilespmem:s24], [sflag:$0x3], $0x80, s0, s22, $0xb8;
	[tilespmem:$0x1E800] =	vst v63  }
0x13c: {  	_ =	swait.ge [sflag:s20], $0x4000  }
0x13d: {  	[sflag:s20] =	ssyncset.done $0x0  }
0x13e: {  	[sflag:s20] =	ssyncadd.s32 $0xFFFFC000  }
0x13f: {  	_ =	swait.ge [sflag:s23], $0x4000  }
0x140: {  	[sflag:s23] =	ssyncset.done $0x0  }
0x141: {  	[sflag:s23] =	ssyncadd.s32 $0xFFFFC000  }
0x142: {  	[tilespmem:s24], [sflag:$0x2] =	stream.indirect.gather [hbm4b:s5+s22], $0x80, s26, s22, $0xb8;
	[tilespmem:$0x1E800] =	vst v63  }
0x143: {  	_ = 	snop  }
0x144: {  	[spmem:s2] =	stream.indirect.scatter.add.f32 [tilespmem:s19], [sflag:$0x3], $0x80, s28, s22, $0xb8;
	[tilespmem:$0x1E800] =	vst v63  }
0x145: {  	_ =	swait.ge [sflag:s20], $0x4000  }
0x146: {  	[sflag:s20] =	ssyncset.done $0x0  }
0x147: {  	[sflag:s20] =	ssyncadd.s32 $0xFFFFC000  }
.Ltmp10:
0x148: {  	_ =	swait.ge [sflag:s25], $0x4000;
	(pc) =	sbr.rel .LBB2_14-.Ltmp10, $4  }
0x149: {  	[sflag:s25] =	ssyncset.done $0x0  }
0x14a: {  	[sflag:s25] =	ssyncadd.s32 $0xFFFFC000  }
0x14b: {  	[spmem:s2] =	stream.indirect.scatter.add.f32 [tilespmem:s24], [sflag:$0x3], $0x80, s29, s22, $0xb8;
	[tilespmem:$0x1E800] =	vst v63  }
0x14c: {  	s0 =	rddreg [dreg:$0x1]  }
.LBB2_15:
0x14d: {  	_ =	sfence.sel $0x180000  }
0x14e: {  	[bflag:$0x0] =	sbarrier.arrive $0xFFFF  }
0x14f: {  	_ =	strace $0x9000004A  }
0x150: {  	[bflag:$0x2] =	sbarrier.arrive $0xFFFF  }
0x151: {  	p0 =	sne.s32 s4, $0x0;
	s0 =	rddreg [dreg:$0x3]  }
0x152: {  	s0 =	sadd.s32 @!p0 $0x100000, s0  }
0x153: {  	[sflag:s0] =	ssyncadd.tile.s32 @!p0 $0x1;
	_ =	shalt  }
.Lfunc_end2:
_tile_overlayer_lowered:
.L_overlay_start_2:
0x154: {  	(tag) =	ssettag $0x2  }
0x155: {  	s0 =	rddreg [dreg:$0x0];
	s2 =	stileid.u32  }
0x156: {  	s1 =	rddreg [dreg:$0x1];
	p0 =	sne.s32 s2, $0x0  }
0x157: {  	s3 =	rddreg [dreg:$0x2];
	[bflag:$0x3] =	sbarrier.arrive $0xFFFF;
	s2 =	simm.s32 @!p0 $0x1C03  }
0x158: {  	[timem:s3], [sflag:s2] =	dma.local @!p0 [hbm:s0], s1  }
0x159: {  	s0 =	simm.s32 @!p0 $0x3  }
0x15a: {  	_ =	swait.ge @!p0 [sflag:s0], s1  }
0x15b: {  	s1 =	ssub.s32 @!p0 $0x0, s1;
	[sflag:s0] =	ssyncset.done @!p0 $0x0  }
0x15c: {  	[sflag:s0] =	ssyncadd.s32 @!p0 s1  }
0x15d: {  	[bflag:$0x3] =	sbarrier.arrive $0xFFFF  }
0x15e: {  	_ =	shalt  }

// kernel: kernel.14.cloned.1.call-start
scs
__scs_entry_jumppad:
0x0: {  	(pc) =	sbr.rel $0x88, $3  }
0x1: {  	(tag) =	ssettag $0x0;
	lr =	simm.s32 $0x1  }
0x2: {  	[smem:$0x3F9B] =	sst lr;
	_ =	strace $0xD0000000  }
0x3: {  	_ = 	snop  }
0x4: {  	_ = 	snop  }
0x5: {  	_ = 	snop  }
0x6: {  	_ = 	snop  }
0x7: {  	_ = 	snop  }
__scs_overlays_trampoline_lowered:
0x8: {  	[smem:$0x3FAA] =	sst s0  }
0x9: {  	[smem:$0x3FAB] =	sst s1  }
0xa: {  	[smem:$0x3FAC] =	sst s2  }
0xb: {  	[smem:$0x3FAD] =	sst s3  }
0xc: {  	[smem:$0x3FAE] =	sst s4  }
0xd: {  	[smem:$0x3FAF] =	sst s5  }
0xe: {  	[smem:$0x3FB0] =	sst s6  }
0xf: {  	[smem:$0x3FB1] =	sst s7  }
0x10: {  	[smem:$0x3FB2] =	sst s8  }
0x11: {  	[smem:$0x3FB3] =	sst s9;
	s0 =	simm.s32 @!p0 $0x0  }
0x12: {  	s1 =	sld [smem:$0x3F99];
	s0 =	simm.s32 @p0 $0x1  }
0x13: {  	[smem:$0x3FB4] =	sst s0;
	s0 =	simm.s32 @!p1 $0x0  }
0x14: {  	s2 =	sld [smem:$0x3F98];
	s0 =	simm.s32 @p1 $0x1  }
0x15: {  	[smem:$0x3FB5] =	sst s0;
	s0 =	simm.s32 @!p2 $0x0  }
0x16: {  	s3 =	sld [smem:$0x3FDB];
	s0 =	simm.s32 @p2 $0x1  }
0x17: {  	s4 =	simm.s32 $0x1BF5;
	[smem:$0x3FB7] =	sst s0  }
0x18: {  	s0 =	sld [smem:$0x3F9A];
	_ =	swait.ge [sflag:s4], $0x0  }
0x19: {  	s7 =	sld [smem:$0x3F9B]  }
0x1a: {  	s8 =	sadd.s32 $0xFFFFE003, lr  }
0x1b: {  	s9 =	sadd.s32 $0xFFFFFEF7, lr;
	s5 =	simm.s32 $0xFFFFFFFF;
	p2 =	slt.u32 s8, $0xFFFFF086  }
0x1c: {  	p1 =	slt.u32 s9, $0xF7A;
	s5 =	simm.s32 @!p2 $0x0  }
0x1d: {  	s5 =	simm.s32 @p1 $0x1;
	p0 =	seq.s32 s7, s2  }
0x1e: {  	s7 =	smul.u32 @!p0 $0xF7A, s2;
	p2 =	seq.s32 @!p0 s5, $0x0  }
0x1f: {  	s9 =	smul.u32 $0xF7A, s1;
	s8 =	simm.s32 @!p0 $0x1BF5;
	p2 =	por !p2, p0  }
0x20: {  	[sflag:s8] =	ssyncset.s32 @!p0 $0xFFFFF086;
	s6 =	sadd.s32 @!p0 s3, s7;
	s7 =	simm.s32 @!p0 $0x108  }
0x21: {  	s3 =	sadd.s32 s3, s9;
	s6 =	sadd.s32 @!p0 $0x88, s6;
	s7 =	simm.s32 @p2 $0x1082  }
0x22: {  	[simem:s7], [sflag:s8] =	dma.local @!p0 [hbm:s6], $0xF7A  }
0x23: {  	s9 =	sor.u32 $0xD0000000, s2;
	s6 =	simm.s32 $0x108;
	_ =	swait.ge @!p0 [sflag:s8], $0x0  }
0x24: {  	s3 =	sadd.s32 $0x88, s3;
	s6 =	simm.s32 @!p1 $0x1082;
	[sflag:s4] =	ssyncset.s32 $0xFFFFF086  }
0x25: {  	[simem:s6], [sflag:s4] =	dma.local [hbm:s3], $0xF7A  }
0x26: {  	[smem:$0x3F9B] =	sst s1;
	(tag) =	ssettag s2;
	_ =	strace s9  }
0x27: {  	s1 =	sld [smem:$0x3FAB]  }
0x28: {  	s2 =	sld [smem:$0x3FAC]  }
0x29: {  	s4 =	sld [smem:$0x3FAE]  }
0x2a: {  	p0 =	seq.s32 s5, $0x0;
	s5 =	sld [smem:$0x3FAF]  }
0x2b: {  	s6 =	sld [smem:$0x3FB0]  }
0x2c: {  	s7 =	sld [smem:$0x3FB1]  }
0x2d: {  	s3 =	simm.s32 $0x108;
	s8 =	sld [smem:$0x3FB2]  }
0x2e: {  	s3 =	simm.s32 @!p0 $0x1082;
	s9 =	sld [smem:$0x3FB3]  }
0x2f: {  	lr =	sadd.s32 s0, s3;
	s0 =	sld [smem:$0x3FAA]  }
0x30: {  	s3 =	sld [smem:$0x3FAD]  }
0x31: {  	[smem:$0x3FB6] =	sst s10  }
0x32: {  	s10 =	sld [smem:$0x3FB4];
	_ =	sdelay $0x3  }
0x33: {  	p0 =	seq.s32 s10, $0x1;
	s10 =	sld [smem:$0x3FB6];
	_ =	sdelay $0x3  }
0x34: {  	[smem:$0x3FB6] =	sst s10  }
0x35: {  	s10 =	sld [smem:$0x3FB5];
	_ =	sdelay $0x3  }
0x36: {  	p1 =	seq.s32 s10, $0x1;
	s10 =	sld [smem:$0x3FB6];
	_ =	sdelay $0x3  }
0x37: {  	[smem:$0x3FB6] =	sst s10  }
0x38: {  	s10 =	sld [smem:$0x3FB7]  }
0x39: {  	_ = 	snop;
	(pc) =	sbr.ind lr, $3  }
0x3a: {  	_ = 	snop  }
0x3b: {  	_ = 	snop  }
0x3c: {  	p2 =	seq.s32 s10, $0x1;
	s10 =	sld [smem:$0x3FB6]  }
0x3d: {  	_ =	shalt  }
0x3e: {  	_ =	shalt  }
0x3f: {  	_ =	shalt  }
0x40: {  	_ =	shalt  }
0x41: {  	_ =	shalt  }
0x42: {  	_ =	shalt  }
0x43: {  	_ =	shalt  }
0x44: {  	_ =	shalt  }
0x45: {  	_ =	shalt  }
0x46: {  	_ =	shalt  }
0x47: {  	_ =	shalt  }
0x48: {  	_ =	shalt  }
0x49: {  	_ =	shalt  }
0x4a: {  	_ =	shalt  }
0x4b: {  	_ =	shalt  }
0x4c: {  	_ =	shalt  }
0x4d: {  	_ =	shalt  }
0x4e: {  	_ =	shalt  }
0x4f: {  	_ =	shalt  }
0x50: {  	_ =	shalt  }
0x51: {  	_ =	shalt  }
0x52: {  	_ =	shalt  }
0x53: {  	_ =	shalt  }
0x54: {  	_ =	shalt  }
0x55: {  	_ =	shalt  }
0x56: {  	_ =	shalt  }
0x57: {  	_ =	shalt  }
0x58: {  	_ =	shalt  }
0x59: {  	_ =	shalt  }
0x5a: {  	_ =	shalt  }
0x5b: {  	_ =	shalt  }
0x5c: {  	_ =	shalt  }
0x5d: {  	_ =	shalt  }
0x5e: {  	_ =	shalt  }
0x5f: {  	_ =	shalt  }
0x60: {  	_ =	shalt  }
0x61: {  	_ =	shalt  }
0x62: {  	_ =	shalt  }
0x63: {  	_ =	shalt  }
0x64: {  	_ =	shalt  }
0x65: {  	_ =	shalt  }
0x66: {  	_ =	shalt  }
0x67: {  	_ =	shalt  }
0x68: {  	_ =	shalt  }
0x69: {  	_ =	shalt  }
0x6a: {  	_ =	shalt  }
0x6b: {  	_ =	shalt  }
0x6c: {  	_ =	shalt  }
0x6d: {  	_ =	shalt  }
0x6e: {  	_ =	shalt  }
0x6f: {  	_ =	shalt  }
0x70: {  	_ =	shalt  }
0x71: {  	_ =	shalt  }
0x72: {  	_ =	shalt  }
0x73: {  	_ =	shalt  }
0x74: {  	_ =	shalt  }
0x75: {  	_ =	shalt  }
0x76: {  	_ =	shalt  }
0x77: {  	_ =	shalt  }
0x78: {  	_ =	shalt  }
0x79: {  	_ =	shalt  }
0x7a: {  	_ =	shalt  }
0x7b: {  	_ =	shalt  }
0x7c: {  	_ =	shalt  }
0x7d: {  	_ =	shalt  }
0x7e: {  	_ =	shalt  }
0x7f: {  	_ =	shalt  }
0x80: {  	_ =	shalt  }
0x81: {  	_ =	shalt  }
0x82: {  	_ =	shalt  }
0x83: {  	_ =	shalt  }
0x84: {  	_ =	shalt  }
0x85: {  	_ =	shalt  }
0x86: {  	_ =	shalt  }
0x87: {  	_ =	shalt  }
.Lfunc_end0:
.L_simem_size_0:
called_computation.2_lowered:
.L_overlay_start_0:
0x88: {  	s2 =	sld [smem:$0x3FD9]  }
0x89: {  	s3 =	sld [smem:$0x3FFE];
	_ =	sdelay $0x1  }
0x8a: {  	s1 =	srdreg.scid  }
0x8b: {  	s0 =	sand.u32 $0x1, s1  }
0x8c: {  	s17 =	sshll.u32 s0, $0xA;
	s2 =	sadd.s32 s3, s2  }
0x8d: {  	s2 =	sadd.s32 s2, s17  }
0x8e: {  	[smem:$0x3FC2] =	sst s2  }
0x8f: {  	_ = 	snop  }
0x90: {  	s2 =	sld [smem:$0x3FD0];
	(tm) =	ssettm $0x1  }
0x91: {  	s18 =	sld [smem:$0x3FFB];
	_ =	sdelay $0x3  }
0x92: {  	_ =	strace s18  }
0x93: {  	s3 =	sld [smem:$0x3FFC];
	_ =	sdelay $0x3  }
0x94: {  	_ =	strace s3  }
0x95: {  	s3 =	sld [smem:$0x3FFD];
	_ =	sdelay $0x3  }
0x96: {  	_ =	strace s3  }
0x97: {  	_ =	strace $0x8FFFFFFF  }
0x98: {  	s19 =	sld [smem:$0x3FDB];
	_ =	sdelay $0x1  }
0x99: {  	s4 =	simm.s32 $_scs_section_size  }
0x9a: {  	s5 =	simm.s32 $_size__tile_overlayer_lowered;
	s6 =	simm.s32 $_tile_overlayer_lowered  }
0x9b: {  	s22 =	simm.s32 $0x1BFF;
	s21 =	sshll.u32 s6, $0x1;
	s3 =	sadd.s32 s4, s19  }
0x9c: {  	s7 =	simm.s32 $0x0;
	s20 =	sshll.u32 s5, $0x1;
	s5 =	sadd.s32 s21, s3  }
0x9d: {  	[timem:s7], [sflag:s22] =	dma.local [hbm:s5], s20  }
0x9e: {  	_ =	swait.ge [sflag:s22], s20  }
0x9f: {  	s4 =	ssub.s32 $0x0, s20;
	[sflag:s22] =	ssyncset.done $0x0  }
0xa0: {  	[sflag:s22] =	ssyncadd.s32 s4;
	_ =	sdelay $0x1  }
0xa1: {  	s23 =	simm.s32 $0x1B8B  }
0xa2: {  	_ =	swait.ge [sflag:s23], $0x1  }
0xa3: {  	[sflag:s23] =	ssyncset.done $0x0  }
0xa4: {  	s25 =	simm.s32 $0x1B8E;
	s24 =	sld [smem:$0x3FFE];
	[sflag:s23] =	ssyncadd.s32 $0xFFFFFFFF  }
0xa5: {  	s26 =	simm.s32 $execute0_lowered;
	[smem:$0x3FD2] =	sst s25  }
0xa6: {  	s5 =	sshll.u32 s26, $0x1;
	_ =	strace $0x8000004C;
	[dreg:$0x1] =	wrdreg $0xFFFFFFFF  }
0xa7: {  	s28 =	simm.s32 $_size_execute0_lowered;
	s3 =	sadd.s32 s3, s5;
	[dreg:$0x0] =	wrdreg $0x0  }
0xa8: {  	s5 =	sshll.u32 s28, $0x1;
	[dreg:$0x2] =	wrdreg s3  }
0xa9: {  	[dreg:$0x3] =	wrdreg s5  }
0xaa: {  	[dreg:$0x4] =	wrdreg $0xC0  }
0xab: {  	_ =	task [dreg:s7], $0x5FFFF  }
0xac: {  	[dreg:$0x1] =	wrdreg $0xFFFFFFFF  }
0xad: {  	[dreg:$0x0] =	wrdreg $0x60  }
0xae: {  	[dreg:$0x2] =	wrdreg s24  }
0xaf: {  	[dreg:$0x3] =	wrdreg s2  }
0xb0: {  	[dreg:$0x4] =	wrdreg $0xA8000  }
0xb1: {  	[dreg:$0x5] =	wrdreg $0x9  }
0xb2: {  	_ =	task.clear_ibuf [dreg:s7], $0x6FFFF;
	_ =	strace $0x9000004C  }
0xb3: {  	s29 =	simm.s32 $0x9;
	_ =	strace $0x8000004E  }
0xb4: {  	_ =	swait.ge [sflag:s29], $0x1  }
0xb5: {  	[sflag:s29] =	ssyncadd.s32 $0xFFFFFFFF  }
0xb6: {  	_ =	strace $0x9000004E  }
0xb7: {  	_ =	sfence  }
0xb8: {  	s30 =	sld [smem:$0x0];
	_ =	sdelay $0x2  }
0xb9: {  	s31 =	sshll.u32 s1, $0xD;
	s1 =	sshrl.u32 s1, $0x2  }
0xba: {  	s3 =	sand.u32 $0x4000, s31;
	s1 =	sadd.s32 s1, s30  }
0xbb: {  	s0 =	sor.u32 s3, s0;
	s1 =	sshll.u32 s1, $0x11  }
0xbc: {  	s0 =	sor.u32 s1, s0  }
0xbd: {  	s0 =	sadd.s32 $0x8F2B, s0  }
0xbe: {  	[sflag:s0] =	ssyncadd.remote.s32 $0x1  }
0xbf: {  	_ =	sfence.sel $0xFFFF  }
0xc0: {  	[dreg:$0x0] =	wrdreg $0xFFFFFFFF;
	(pc) =	sbr.abs _section_cstart, $3  }
0xc1: {  	[dreg:$0x1] =	wrdreg $0xFFFFFFFF  }
0xc2: {  	_ =	task.clear_ibuf [dreg:s7], $0x2FFFF;
	_ =	strace $0x9FFFFFFF  }
0xc3: {  	(tm) =	ssettm $0x7FFFFFFF  }
tec
execute0_lowered:
.L_overlay_start_1:
0x0: {  	(tag) =	ssettag $0x1  }
0x1: {  	s0 =	rddreg [dreg:$0x0]  }
0x2: {  	s2 =	rddreg [dreg:$0x2];
	s3 =	simm.s32 $0x0  }
0x3: {  	s7 =	srdreg.scid;
	s4 =	stileid.u32;
	s19 =	simm.s32 $0x2800  }
0x4: {  	s20 =	simm.s32 $0x3;
	s21 =	simm.s32 $0x1400;
	s22 =	simm.s32 $0x80  }
0x5: {  	s23 =	simm.s32 $0x1;
	s24 =	simm.s32 $0x6800;
	s25 =	simm.s32 $0x2  }
0x6: {  	s26 =	simm.s32 $0x1380;
	s28 =	simm.s32 $0x2700;
	s29 =	simm.s32 $0x2780  }
0x7: {  	s30 =	simm.s32 $0x0;
	[smem:$0x7FF] =	sst s3;
	s5 =	sadd.s32 $0x34E00, s0  }
0x8: {  	s6 =	sadd.s32 $0x5C000, s0;
	s10 =	sand.u32 $0x1, s7;
	s8 =	smul.u32 $0x50000, s4  }
0x9: {  	s16 =	sadd.s32 $0x8C00, s0;
	s17 =	sadd.s32 $0x3C00, s0;
	s9 =	ssub.s32 $0x2, s10  }
0xa: {  	s7 =	sadd.s32 $0x83200, s0;
	s15 =	smul.u32 $0x500, s4;
	s31 =	sshrl.u32 s9, $0x1  }
0xb: {  	_ =	strace $0x8000004D;
	s0 =	ssub.s32 s9, s31;
	s9 =	smul.u32 $0x2800, s4  }
.Ltmp0:
0xc: {  	p0 =	seq.s32 s10, $0x1;
	s8 =	sshrl.u32 s8, $0x2;
	(pc) =	sbr.rel .LBB2_1-.Ltmp0, $4  }
0xd: {  	s14 =	sadd.s32 s16, s15;
	s15 =	sadd.s32 s17, s15;
	s8 =	sadd.s32 s8, s2  }
0xe: {  	s10 =	sadd.s32 $0x4000, s8;
	s11 =	sadd.s32 $0x8000, s8;
	s18 =	sshrl.u32 s9, $0x3  }
0xf: {  	s12 =	sadd.s32 $0xC000, s8;
	s13 =	sadd.s32 $0x10000, s8;
	s18 =	sadd.s32 $0x280, s18  }
0x10: {  	v0 =	vimm.f32 $0.0e+00;
	s16 =	sadd.s32 s16, s18;
	s17 =	sadd.s32 s17, s18;
	s18 =	smax.u32 s0, $0x1  }
.LBB2_13:
0x11: {  	[sflag:s20] =	ssyncadd.s32 $0xFFFFC000  }
0x12: {  	_ =	swait.ge [sflag:s23], $0x4000  }
0x13: {  	[sflag:s23] =	ssyncset.done $0x0  }
0x14: {  	[sflag:s23] =	ssyncadd.s32 $0xFFFFC000  }
0x15: {  	[tilespmem:s24], [sflag:$0x2] =	stream.indirect.gather [hbm4b:s6+s22], $0x80, s26, s22, $0xb8;
	[tilespmem:$0x1E800] =	vst v63  }
0x16: {  	_ = 	snop  }
0x17: {  	[spmem:s2] =	stream.indirect.scatter.add.f32 [tilespmem:s19], [sflag:$0x3], $0x80, s28, s22, $0xb8;
	[tilespmem:$0x1E800] =	vst v63  }
0x18: {  	_ =	swait.ge [sflag:s20], $0x4000  }
0x19: {  	[sflag:s20] =	ssyncset.done $0x0  }
0x1a: {  	[sflag:s20] =	ssyncadd.s32 $0xFFFFC000  }
0x1b: {  	_ =	swait.ge [sflag:s25], $0x4000  }
0x1c: {  	[sflag:s25] =	ssyncset.done $0x0  }
0x1d: {  	s0 =	smov.u32 s7;
	[sflag:s25] =	ssyncadd.s32 $0xFFFFC000  }
0x1e: {  	[spmem:s2] =	stream.indirect.scatter.add.f32 [tilespmem:s24], [sflag:$0x3], $0x80, s29, s22, $0xb8;
	[tilespmem:$0x1E800] =	vst v63  }
.LBB2_14:
0x1f: {  	_ =	swait.ge [sflag:s20], $0x4000;
	s0 =	sadd.s32 s0, s9  }
0x20: {  	s1 =	sshll.u32 s4, $0x6;
	s30 =	sadd.s32 $0x1, s30;
	[sflag:s20] =	ssyncset.done $0x0  }
0x21: {  	s31 =	sshrl.u32 s8, $0x3;
	p1 =	sne.s32 s30, s18;
	[sflag:s20] =	ssyncadd.s32 $0xFFFFC000  }
.Ltmp1:
0x22: {  	s1 =	sor.u32 $0x1C03, s1;
	[bflag:$0x0] =	sbarrier.arrive $0xFFFF;
	(pc) =	sbr.rel @!p1 .LBB2_15-.Ltmp1, $4  }
0x23: {  	[hbm:s0], [sflag:s1] =	dma.local [spmem:s31], $0x2800  }
0x24: {  	_ =	swait.ge [sflag:s20], $0x2800  }
0x25: {  	[sflag:s20] =	ssyncset.done $0x0  }
0x26: {  	[sflag:s20] =	ssyncadd.s32 $0xFFFFD800  }
.LBB2_1:
.Ltmp2:
0x27: {  	(pc) =	sbr.rel @!p0 .LBB2_2-.Ltmp2, $2  }
0x28: {  	_ =	sdelay $0x2  }
0x29: {  	s31 =	simm.s32 $0x10;
	s0 =	sand.u32 $0x3FF0, s3  }
.LBB2_8:
0x2a: {  	p1 =	sne.s32 s31, $0x3FF0;
	[tilespmem:s0+$0x2800] =	vst v0;
	s0 =	smov.u32 s31;
	s31 =	sadd.s32 $0x10, s31  }
.Ltmp3:
0x2b: {  	(pc) =	sbr.rel @p1 .LBB2_8-.Ltmp3, $2  }
0x2c: {  	_ =	sdelay $0x2  }
0x2d: {  	s0 =	sand.u32 $0x3FF0, s0  }
0x2e: {  	[tilespmem:s0+$0x2800] =	vst v0  }
0x2f: {  	[spmem:s8] =	stream.linear.scatter [tilespmem:s19], [sflag:$0x3], $0x4000, $0x38;
	[tilespmem:$0x1E800] =	vst v63  }
0x30: {  	_ =	swait.ge [sflag:s20], $0x4000  }
0x31: {  	[sflag:s20] =	ssyncset.done $0x0  }
0x32: {  	[sflag:s20] =	ssyncadd.s32 $0xFFFFC000  }
0x33: {  	[spmem:s10] =	stream.linear.scatter [tilespmem:s19], [sflag:$0x3], $0x4000, $0x38;
	[tilespmem:$0x1E800] =	vst v63  }
0x34: {  	_ =	swait.ge [sflag:s20], $0x4000  }
0x35: {  	[sflag:s20] =	ssyncset.done $0x0  }
0x36: {  	[sflag:s20] =	ssyncadd.s32 $0xFFFFC000  }
0x37: {  	[spmem:s11] =	stream.linear.scatter [tilespmem:s19], [sflag:$0x3], $0x4000, $0x38;
	[tilespmem:$0x1E800] =	vst v63  }
0x38: {  	_ =	swait.ge [sflag:s20], $0x4000  }
0x39: {  	[sflag:s20] =	ssyncset.done $0x0  }
0x3a: {  	[sflag:s20] =	ssyncadd.s32 $0xFFFFC000  }
0x3b: {  	[spmem:s12] =	stream.linear.scatter [tilespmem:s19], [sflag:$0x3], $0x4000, $0x38;
	[tilespmem:$0x1E800] =	vst v63  }
0x3c: {  	_ =	swait.ge [sflag:s20], $0x4000  }
0x3d: {  	[sflag:s20] =	ssyncset.done $0x0  }
0x3e: {  	[sflag:s20] =	ssyncadd.s32 $0xFFFFC000  }
0x3f: {  	[spmem:s13] =	stream.linear.scatter [tilespmem:s19], [sflag:$0x3], $0x4000, $0x38;
	[tilespmem:$0x1E800] =	vst v63  }
0x40: {  	_ =	swait.ge [sflag:s20], $0x4000  }
0x41: {  	[sflag:s20] =	ssyncset.done $0x0  }
0x42: {  	[sflag:s20] =	ssyncadd.s32 $0xFFFFC000  }
0x43: {  	s1 =	simm.s32 $0x0;
	[bflag:$0x0] =	sbarrier.arrive $0xFFFF  }
0x44: {  	[tilespmem:s1], [sflag:$0x3] =	stream.linear.gather [hbm4b:s14+s1], $0x1400, $0x38;
	[tilespmem:$0x1E800] =	vst v63  }
0x45: {  	_ =	swait.ge [sflag:s20], $0x1400  }
0x46: {  	[sflag:s20] =	ssyncset.done $0x0  }
0x47: {  	[sflag:s20] =	ssyncadd.s32 $0xFFFFEC00  }
0x48: {  	[tilespmem:s21], [sflag:$0x3] =	stream.linear.gather [hbm4b:s15+s1], $0x1400, $0x38;
	[tilespmem:$0x1E800] =	vst v63  }
0x49: {  	_ =	swait.ge [sflag:s20], $0x1400  }
0x4a: {  	[sflag:s20] =	ssyncset.done $0x0  }
0x4b: {  	[sflag:s20] =	ssyncadd.s32 $0xFFFFEC00  }
0x4c: {  	[tilespmem:s19], [sflag:$0x1] =	stream.indirect.gather [hbm4b:s6+s22], $0x80, s1, s22, $0xb8;
	[tilespmem:$0x1E800] =	vst v63  }
0x4d: {  	_ =	swait.ge [sflag:s23], $0x4000  }
0x4e: {  	[sflag:s23] =	ssyncset.done $0x0  }
0x4f: {  	s1 =	simm.s32 $0x80;
	[sflag:s23] =	ssyncadd.s32 $0xFFFFC000  }
0x50: {  	[tilespmem:s24], [sflag:$0x2] =	stream.indirect.gather [hbm4b:s6+s22], $0x80, s1, s22, $0xb8;
	[tilespmem:$0x1E800] =	vst v63  }
0x51: {  	s1 =	simm.s32 $0x1400  }
0x52: {  	[spmem:s2] =	stream.indirect.scatter.add.f32 [tilespmem:s19], [sflag:$0x3], $0x80, s1, s22, $0xb8;
	[tilespmem:$0x1E800] =	vst v63  }
0x53: {  	_ =	swait.ge [sflag:s20], $0x4000  }
0x54: {  	[sflag:s20] =	ssyncset.done $0x0  }
0x55: {  	[sflag:s20] =	ssyncadd.s32 $0xFFFFC000  }
0x56: {  	_ =	swait.ge [sflag:s25], $0x4000  }
0x57: {  	[sflag:s25] =	ssyncset.done $0x0  }
0x58: {  	s1 =	simm.s32 $0x100;
	[sflag:s25] =	ssyncadd.s32 $0xFFFFC000  }
0x59: {  	[tilespmem:s19], [sflag:$0x1] =	stream.indirect.gather [hbm4b:s6+s22], $0x80, s1, s22, $0xb8;
	[tilespmem:$0x1E800] =	vst v63  }
0x5a: {  	s1 =	simm.s32 $0x1480  }
0x5b: {  	[spmem:s2] =	stream.indirect.scatter.add.f32 [tilespmem:s24], [sflag:$0x3], $0x80, s1, s22, $0xb8;
	[tilespmem:$0x1E800] =	vst v63  }
0x5c: {  	_ =	swait.ge [sflag:s20], $0x4000  }
0x5d: {  	s31 =	simm.s32 $0x400;
	[sflag:s20] =	ssyncset.done $0x0  }
.LBB2_10:
0x5e: {  	p1 =	sne.s32 s31, $0x4800  }
0x5f: {  	[sflag:s20] =	ssyncadd.s32 $0xFFFFC000;
	s0 =	smov.u32 s31;
	s31 =	sadd.s32 $0x400, s31  }
0x60: {  	_ = 	snop  }
0x61: {  	_ =	swait.ge [sflag:s23], $0x4000  }
0x62: {  	s0 =	sshra.s32 s0, $0x2;
	[sflag:s23] =	ssyncset.done $0x0  }
0x63: {  	s1 =	sadd.s32 $0x80, s0;
	[sflag:s23] =	ssyncadd.s32 $0xFFFFC000  }
0x64: {  	[tilespmem:s24], [sflag:$0x2] =	stream.indirect.gather [hbm4b:s6+s22], $0x80, s1, s22, $0xb8;
	[tilespmem:$0x1E800] =	vst v63  }
0x65: {  	s1 =	sadd.s32 $0x1400, s0  }
0x66: {  	[spmem:s2] =	stream.indirect.scatter.add.f32 [tilespmem:s19], [sflag:$0x3], $0x80, s1, s22, $0xb8;
	[tilespmem:$0x1E800] =	vst v63  }
0x67: {  	_ =	swait.ge [sflag:s20], $0x4000  }
0x68: {  	[sflag:s20] =	ssyncset.done $0x0  }
0x69: {  	[sflag:s20] =	ssyncadd.s32 $0xFFFFC000  }
0x6a: {  	_ =	swait.ge [sflag:s25], $0x4000  }
0x6b: {  	[sflag:s25] =	ssyncset.done $0x0  }
0x6c: {  	s1 =	sadd.s32 $0x100, s0;
	[sflag:s25] =	ssyncadd.s32 $0xFFFFC000  }
0x6d: {  	[tilespmem:s19], [sflag:$0x1] =	stream.indirect.gather [hbm4b:s6+s22], $0x80, s1, s22, $0xb8;
	[tilespmem:$0x1E800] =	vst v63  }
.Ltmp4:
0x6e: {  	_ = 	snop;
	(pc) =	sbr.rel @p1 .LBB2_10-.Ltmp4, $4  }
0x6f: {  	s0 =	sadd.s32 $0x1480, s0  }
0x70: {  	[spmem:s2] =	stream.indirect.scatter.add.f32 [tilespmem:s24], [sflag:$0x3], $0x80, s0, s22, $0xb8;
	[tilespmem:$0x1E800] =	vst v63  }
0x71: {  	_ =	swait.ge [sflag:s20], $0x4000  }
0x72: {  	[sflag:s20] =	ssyncset.done $0x0  }
0x73: {  	[sflag:s20] =	ssyncadd.s32 $0xFFFFC000  }
0x74: {  	_ =	swait.ge [sflag:s23], $0x4000  }
0x75: {  	[sflag:s23] =	ssyncset.done $0x0  }
0x76: {  	[sflag:s23] =	ssyncadd.s32 $0xFFFFC000  }
0x77: {  	[tilespmem:s24], [sflag:$0x2] =	stream.indirect.gather [hbm4b:s6+s22], $0x80, s26, s22, $0xb8;
	[tilespmem:$0x1E800] =	vst v63  }
0x78: {  	_ = 	snop  }
0x79: {  	[spmem:s2] =	stream.indirect.scatter.add.f32 [tilespmem:s19], [sflag:$0x3], $0x80, s28, s22, $0xb8;
	[tilespmem:$0x1E800] =	vst v63  }
0x7a: {  	_ =	swait.ge [sflag:s20], $0x4000  }
0x7b: {  	[sflag:s20] =	ssyncset.done $0x0  }
0x7c: {  	[sflag:s20] =	ssyncadd.s32 $0xFFFFC000  }
0x7d: {  	_ =	swait.ge [sflag:s25], $0x4000  }
0x7e: {  	[sflag:s25] =	ssyncset.done $0x0  }
0x7f: {  	[sflag:s25] =	ssyncadd.s32 $0xFFFFC000  }
0x80: {  	[spmem:s2] =	stream.indirect.scatter.add.f32 [tilespmem:s24], [sflag:$0x3], $0x80, s29, s22, $0xb8;
	[tilespmem:$0x1E800] =	vst v63  }
0x81: {  	_ =	swait.ge [sflag:s20], $0x4000  }
0x82: {  	[sflag:s20] =	ssyncset.done $0x0  }
0x83: {  	s0 =	simm.s32 $0x0;
	[sflag:s20] =	ssyncadd.s32 $0xFFFFC000  }
0x84: {  	[tilespmem:s0], [sflag:$0x3] =	stream.linear.gather [hbm4b:s16+s0], $0x1400, $0x38;
	[tilespmem:$0x1E800] =	vst v63  }
0x85: {  	_ =	swait.ge [sflag:s20], $0x1400  }
0x86: {  	[sflag:s20] =	ssyncset.done $0x0  }
0x87: {  	[sflag:s20] =	ssyncadd.s32 $0xFFFFEC00  }
0x88: {  	[tilespmem:s21], [sflag:$0x3] =	stream.linear.gather [hbm4b:s17+s0], $0x1400, $0x38;
	[tilespmem:$0x1E800] =	vst v63  }
0x89: {  	_ =	swait.ge [sflag:s20], $0x1400  }
0x8a: {  	[sflag:s20] =	ssyncset.done $0x0  }
0x8b: {  	[sflag:s20] =	ssyncadd.s32 $0xFFFFEC00  }
0x8c: {  	[tilespmem:s19], [sflag:$0x1] =	stream.indirect.gather [hbm4b:s6+s22], $0x80, s0, s22, $0xb8;
	[tilespmem:$0x1E800] =	vst v63  }
0x8d: {  	_ =	swait.ge [sflag:s23], $0x4000  }
0x8e: {  	[sflag:s23] =	ssyncset.done $0x0  }
0x8f: {  	s1 =	simm.s32 $0x80;
	[sflag:s23] =	ssyncadd.s32 $0xFFFFC000  }
0x90: {  	[tilespmem:s24], [sflag:$0x2] =	stream.indirect.gather [hbm4b:s6+s22], $0x80, s1, s22, $0xb8;
	[tilespmem:$0x1E800] =	vst v63  }
0x91: {  	s1 =	simm.s32 $0x1400  }
0x92: {  	[spmem:s2] =	stream.indirect.scatter.add.f32 [tilespmem:s19], [sflag:$0x3], $0x80, s1, s22, $0xb8;
	[tilespmem:$0x1E800] =	vst v63  }
0x93: {  	_ =	swait.ge [sflag:s20], $0x4000  }
0x94: {  	[sflag:s20] =	ssyncset.done $0x0  }
0x95: {  	[sflag:s20] =	ssyncadd.s32 $0xFFFFC000  }
0x96: {  	_ =	swait.ge [sflag:s25], $0x4000  }
0x97: {  	[sflag:s25] =	ssyncset.done $0x0  }
0x98: {  	s1 =	simm.s32 $0x100;
	[sflag:s25] =	ssyncadd.s32 $0xFFFFC000  }
0x99: {  	[tilespmem:s19], [sflag:$0x1] =	stream.indirect.gather [hbm4b:s6+s22], $0x80, s1, s22, $0xb8;
	[tilespmem:$0x1E800] =	vst v63  }
0x9a: {  	s1 =	simm.s32 $0x1480  }
0x9b: {  	[spmem:s2] =	stream.indirect.scatter.add.f32 [tilespmem:s24], [sflag:$0x3], $0x80, s1, s22, $0xb8;
	[tilespmem:$0x1E800] =	vst v63  }
0x9c: {  	_ =	swait.ge [sflag:s20], $0x4000  }
0x9d: {  	s31 =	simm.s32 $0x400;
	[sflag:s20] =	ssyncset.done $0x0  }
.LBB2_12:
0x9e: {  	p1 =	sne.s32 s31, $0x4800  }
0x9f: {  	[sflag:s20] =	ssyncadd.s32 $0xFFFFC000;
	s0 =	smov.u32 s31;
	s31 =	sadd.s32 $0x400, s31  }
0xa0: {  	_ = 	snop  }
0xa1: {  	_ =	swait.ge [sflag:s23], $0x4000  }
0xa2: {  	s0 =	sshra.s32 s0, $0x2;
	[sflag:s23] =	ssyncset.done $0x0  }
0xa3: {  	s1 =	sadd.s32 $0x80, s0;
	[sflag:s23] =	ssyncadd.s32 $0xFFFFC000  }
0xa4: {  	[tilespmem:s24], [sflag:$0x2] =	stream.indirect.gather [hbm4b:s6+s22], $0x80, s1, s22, $0xb8;
	[tilespmem:$0x1E800] =	vst v63  }
0xa5: {  	s1 =	sadd.s32 $0x1400, s0  }
0xa6: {  	[spmem:s2] =	stream.indirect.scatter.add.f32 [tilespmem:s19], [sflag:$0x3], $0x80, s1, s22, $0xb8;
	[tilespmem:$0x1E800] =	vst v63  }
0xa7: {  	_ =	swait.ge [sflag:s20], $0x4000  }
0xa8: {  	[sflag:s20] =	ssyncset.done $0x0  }
0xa9: {  	[sflag:s20] =	ssyncadd.s32 $0xFFFFC000  }
0xaa: {  	_ =	swait.ge [sflag:s25], $0x4000  }
0xab: {  	[sflag:s25] =	ssyncset.done $0x0  }
0xac: {  	s1 =	sadd.s32 $0x100, s0;
	[sflag:s25] =	ssyncadd.s32 $0xFFFFC000  }
0xad: {  	[tilespmem:s19], [sflag:$0x1] =	stream.indirect.gather [hbm4b:s6+s22], $0x80, s1, s22, $0xb8;
	[tilespmem:$0x1E800] =	vst v63  }
.Ltmp5:
0xae: {  	_ = 	snop;
	(pc) =	sbr.rel @p1 .LBB2_12-.Ltmp5, $4  }
0xaf: {  	s0 =	sadd.s32 $0x1480, s0  }
0xb0: {  	[spmem:s2] =	stream.indirect.scatter.add.f32 [tilespmem:s24], [sflag:$0x3], $0x80, s0, s22, $0xb8;
	[tilespmem:$0x1E800] =	vst v63  }
0xb1: {  	_ =	swait.ge [sflag:s20], $0x4000  }
0xb2: {  	[sflag:s20] =	ssyncset.done $0x0  }
.Ltmp6:
0xb3: {  	_ = 	snop;
	(pc) =	sbr.rel .LBB2_13-.Ltmp6, $1  }
0xb4: {  	_ =	sdelay $0x3  }
.LBB2_2:
0xb5: {  	p1 =	sne.s32 s31, $0x3FF0;
	[tilespmem:s0+$0x2800] =	vst v0;
	s0 =	smov.u32 s31;
	s31 =	sadd.s32 $0x10, s31  }
.Ltmp7:
0xb6: {  	(pc) =	sbr.rel @p1 .LBB2_2-.Ltmp7, $2  }
0xb7: {  	_ =	sdelay $0x2  }
0xb8: {  	s0 =	sand.u32 $0x3FF0, s0  }
0xb9: {  	[tilespmem:s0+$0x2800] =	vst v0  }
0xba: {  	[spmem:s8] =	stream.linear.scatter [tilespmem:s19], [sflag:$0x3], $0x4000, $0x38;
	[tilespmem:$0x1E800] =	vst v63  }
0xbb: {  	_ =	swait.ge [sflag:s20], $0x4000  }
0xbc: {  	[sflag:s20] =	ssyncset.done $0x0  }
0xbd: {  	[sflag:s20] =	ssyncadd.s32 $0xFFFFC000  }
0xbe: {  	[spmem:s10] =	stream.linear.scatter [tilespmem:s19], [sflag:$0x3], $0x4000, $0x38;
	[tilespmem:$0x1E800] =	vst v63  }
0xbf: {  	_ =	swait.ge [sflag:s20], $0x4000  }
0xc0: {  	[sflag:s20] =	ssyncset.done $0x0  }
0xc1: {  	[sflag:s20] =	ssyncadd.s32 $0xFFFFC000  }
0xc2: {  	[spmem:s11] =	stream.linear.scatter [tilespmem:s19], [sflag:$0x3], $0x4000, $0x38;
	[tilespmem:$0x1E800] =	vst v63  }
0xc3: {  	_ =	swait.ge [sflag:s20], $0x4000  }
0xc4: {  	[sflag:s20] =	ssyncset.done $0x0  }
0xc5: {  	[sflag:s20] =	ssyncadd.s32 $0xFFFFC000  }
0xc6: {  	[spmem:s12] =	stream.linear.scatter [tilespmem:s19], [sflag:$0x3], $0x4000, $0x38;
	[tilespmem:$0x1E800] =	vst v63  }
0xc7: {  	_ =	swait.ge [sflag:s20], $0x4000  }
0xc8: {  	[sflag:s20] =	ssyncset.done $0x0  }
0xc9: {  	[sflag:s20] =	ssyncadd.s32 $0xFFFFC000  }
0xca: {  	[spmem:s13] =	stream.linear.scatter [tilespmem:s19], [sflag:$0x3], $0x4000, $0x38;
	[tilespmem:$0x1E800] =	vst v63  }
0xcb: {  	_ =	swait.ge [sflag:s20], $0x4000  }
0xcc: {  	[sflag:s20] =	ssyncset.done $0x0  }
0xcd: {  	[sflag:s20] =	ssyncadd.s32 $0xFFFFC000  }
0xce: {  	s1 =	simm.s32 $0x0;
	[bflag:$0x0] =	sbarrier.arrive $0xFFFF  }
0xcf: {  	[tilespmem:s1], [sflag:$0x3] =	stream.linear.gather [hbm4b:s14+s1], $0x1400, $0x38;
	[tilespmem:$0x1E800] =	vst v63  }
0xd0: {  	_ =	swait.ge [sflag:s20], $0x1400  }
0xd1: {  	[sflag:s20] =	ssyncset.done $0x0  }
0xd2: {  	[sflag:s20] =	ssyncadd.s32 $0xFFFFEC00  }
0xd3: {  	[tilespmem:s21], [sflag:$0x3] =	stream.linear.gather [hbm4b:s15+s1], $0x1400, $0x38;
	[tilespmem:$0x1E800] =	vst v63  }
0xd4: {  	_ =	swait.ge [sflag:s20], $0x1400  }
0xd5: {  	[sflag:s20] =	ssyncset.done $0x0  }
0xd6: {  	[sflag:s20] =	ssyncadd.s32 $0xFFFFEC00  }
0xd7: {  	[tilespmem:s19], [sflag:$0x1] =	stream.indirect.gather [hbm4b:s5+s22], $0x80, s1, s22, $0xb8;
	[tilespmem:$0x1E800] =	vst v63  }
0xd8: {  	_ =	swait.ge [sflag:s23], $0x4000  }
0xd9: {  	[sflag:s23] =	ssyncset.done $0x0  }
0xda: {  	s1 =	simm.s32 $0x80;
	[sflag:s23] =	ssyncadd.s32 $0xFFFFC000  }
0xdb: {  	[tilespmem:s24], [sflag:$0x2] =	stream.indirect.gather [hbm4b:s5+s22], $0x80, s1, s22, $0xb8;
	[tilespmem:$0x1E800] =	vst v63  }
0xdc: {  	s1 =	simm.s32 $0x1400  }
0xdd: {  	[spmem:s2] =	stream.indirect.scatter.add.f32 [tilespmem:s19], [sflag:$0x3], $0x80, s1, s22, $0xb8;
	[tilespmem:$0x1E800] =	vst v63  }
0xde: {  	_ =	swait.ge [sflag:s20], $0x4000  }
0xdf: {  	[sflag:s20] =	ssyncset.done $0x0  }
0xe0: {  	[sflag:s20] =	ssyncadd.s32 $0xFFFFC000  }
0xe1: {  	_ =	swait.ge [sflag:s25], $0x4000  }
0xe2: {  	[sflag:s25] =	ssyncset.done $0x0  }
0xe3: {  	s1 =	simm.s32 $0x100;
	[sflag:s25] =	ssyncadd.s32 $0xFFFFC000  }
0xe4: {  	[tilespmem:s19], [sflag:$0x1] =	stream.indirect.gather [hbm4b:s5+s22], $0x80, s1, s22, $0xb8;
	[tilespmem:$0x1E800] =	vst v63  }
0xe5: {  	s1 =	simm.s32 $0x1480  }
0xe6: {  	[spmem:s2] =	stream.indirect.scatter.add.f32 [tilespmem:s24], [sflag:$0x3], $0x80, s1, s22, $0xb8;
	[tilespmem:$0x1E800] =	vst v63  }
0xe7: {  	_ =	swait.ge [sflag:s20], $0x4000  }
0xe8: {  	s31 =	simm.s32 $0x400;
	[sflag:s20] =	ssyncset.done $0x0  }
.LBB2_4:
0xe9: {  	p1 =	sne.s32 s31, $0x4800  }
0xea: {  	[sflag:s20] =	ssyncadd.s32 $0xFFFFC000;
	s0 =	smov.u32 s31;
	s31 =	sadd.s32 $0x400, s31  }
0xeb: {  	_ = 	snop  }
0xec: {  	_ =	swait.ge [sflag:s23], $0x4000  }
0xed: {  	s0 =	sshra.s32 s0, $0x2;
	[sflag:s23] =	ssyncset.done $0x0  }
0xee: {  	s1 =	sadd.s32 $0x80, s0;
	[sflag:s23] =	ssyncadd.s32 $0xFFFFC000  }
0xef: {  	[tilespmem:s24], [sflag:$0x2] =	stream.indirect.gather [hbm4b:s5+s22], $0x80, s1, s22, $0xb8;
	[tilespmem:$0x1E800] =	vst v63  }
0xf0: {  	s1 =	sadd.s32 $0x1400, s0  }
0xf1: {  	[spmem:s2] =	stream.indirect.scatter.add.f32 [tilespmem:s19], [sflag:$0x3], $0x80, s1, s22, $0xb8;
	[tilespmem:$0x1E800] =	vst v63  }
0xf2: {  	_ =	swait.ge [sflag:s20], $0x4000  }
0xf3: {  	[sflag:s20] =	ssyncset.done $0x0  }
0xf4: {  	[sflag:s20] =	ssyncadd.s32 $0xFFFFC000  }
0xf5: {  	_ =	swait.ge [sflag:s25], $0x4000  }
0xf6: {  	[sflag:s25] =	ssyncset.done $0x0  }
0xf7: {  	s1 =	sadd.s32 $0x100, s0;
	[sflag:s25] =	ssyncadd.s32 $0xFFFFC000  }
0xf8: {  	[tilespmem:s19], [sflag:$0x1] =	stream.indirect.gather [hbm4b:s5+s22], $0x80, s1, s22, $0xb8;
	[tilespmem:$0x1E800] =	vst v63  }
.Ltmp8:
0xf9: {  	_ = 	snop;
	(pc) =	sbr.rel @p1 .LBB2_4-.Ltmp8, $4  }
0xfa: {  	s0 =	sadd.s32 $0x1480, s0  }
0xfb: {  	[spmem:s2] =	stream.indirect.scatter.add.f32 [tilespmem:s24], [sflag:$0x3], $0x80, s0, s22, $0xb8;
	[tilespmem:$0x1E800] =	vst v63  }
0xfc: {  	_ =	swait.ge [sflag:s20], $0x4000  }
0xfd: {  	[sflag:s20] =	ssyncset.done $0x0  }
0xfe: {  	[sflag:s20] =	ssyncadd.s32 $0xFFFFC000  }
0xff: {  	_ =	swait.ge [sflag:s23], $0x4000  }
0x100: {  	[sflag:s23] =	ssyncset.done $0x0  }
0x101: {  	[sflag:s23] =	ssyncadd.s32 $0xFFFFC000  }
0x102: {  	[tilespmem:s24], [sflag:$0x2] =	stream.indirect.gather [hbm4b:s5+s22], $0x80, s26, s22, $0xb8;
	[tilespmem:$0x1E800] =	vst v63  }
0x103: {  	_ = 	snop  }
0x104: {  	[spmem:s2] =	stream.indirect.scatter.add.f32 [tilespmem:s19], [sflag:$0x3], $0x80, s28, s22, $0xb8;
	[tilespmem:$0x1E800] =	vst v63  }
0x105: {  	_ =	swait.ge [sflag:s20], $0x4000  }
0x106: {  	[sflag:s20] =	ssyncset.done $0x0  }
0x107: {  	[sflag:s20] =	ssyncadd.s32 $0xFFFFC000  }
0x108: {  	_ =	swait.ge [sflag:s25], $0x4000  }
0x109: {  	[sflag:s25] =	ssyncset.done $0x0  }
0x10a: {  	[sflag:s25] =	ssyncadd.s32 $0xFFFFC000  }
0x10b: {  	[spmem:s2] =	stream.indirect.scatter.add.f32 [tilespmem:s24], [sflag:$0x3], $0x80, s29, s22, $0xb8;
	[tilespmem:$0x1E800] =	vst v63  }
0x10c: {  	_ =	swait.ge [sflag:s20], $0x4000  }
0x10d: {  	[sflag:s20] =	ssyncset.done $0x0  }
0x10e: {  	s0 =	simm.s32 $0x0;
	[sflag:s20] =	ssyncadd.s32 $0xFFFFC000  }
0x10f: {  	[tilespmem:s0], [sflag:$0x3] =	stream.linear.gather [hbm4b:s16+s0], $0x1400, $0x38;
	[tilespmem:$0x1E800] =	vst v63  }
0x110: {  	_ =	swait.ge [sflag:s20], $0x1400  }
0x111: {  	[sflag:s20] =	ssyncset.done $0x0  }
0x112: {  	[sflag:s20] =	ssyncadd.s32 $0xFFFFEC00  }
0x113: {  	[tilespmem:s21], [sflag:$0x3] =	stream.linear.gather [hbm4b:s17+s0], $0x1400, $0x38;
	[tilespmem:$0x1E800] =	vst v63  }
0x114: {  	_ =	swait.ge [sflag:s20], $0x1400  }
0x115: {  	[sflag:s20] =	ssyncset.done $0x0  }
0x116: {  	[sflag:s20] =	ssyncadd.s32 $0xFFFFEC00  }
0x117: {  	[tilespmem:s19], [sflag:$0x1] =	stream.indirect.gather [hbm4b:s5+s22], $0x80, s0, s22, $0xb8;
	[tilespmem:$0x1E800] =	vst v63  }
0x118: {  	_ =	swait.ge [sflag:s23], $0x4000  }
0x119: {  	[sflag:s23] =	ssyncset.done $0x0  }
0x11a: {  	s1 =	simm.s32 $0x80;
	[sflag:s23] =	ssyncadd.s32 $0xFFFFC000  }
0x11b: {  	[tilespmem:s24], [sflag:$0x2] =	stream.indirect.gather [hbm4b:s5+s22], $0x80, s1, s22, $0xb8;
	[tilespmem:$0x1E800] =	vst v63  }
0x11c: {  	s1 =	simm.s32 $0x1400  }
0x11d: {  	[spmem:s2] =	stream.indirect.scatter.add.f32 [tilespmem:s19], [sflag:$0x3], $0x80, s1, s22, $0xb8;
	[tilespmem:$0x1E800] =	vst v63  }
0x11e: {  	_ =	swait.ge [sflag:s20], $0x4000  }
0x11f: {  	[sflag:s20] =	ssyncset.done $0x0  }
0x120: {  	[sflag:s20] =	ssyncadd.s32 $0xFFFFC000  }
0x121: {  	_ =	swait.ge [sflag:s25], $0x4000  }
0x122: {  	[sflag:s25] =	ssyncset.done $0x0  }
0x123: {  	s1 =	simm.s32 $0x100;
	[sflag:s25] =	ssyncadd.s32 $0xFFFFC000  }
0x124: {  	[tilespmem:s19], [sflag:$0x1] =	stream.indirect.gather [hbm4b:s5+s22], $0x80, s1, s22, $0xb8;
	[tilespmem:$0x1E800] =	vst v63  }
0x125: {  	s1 =	simm.s32 $0x1480  }
0x126: {  	[spmem:s2] =	stream.indirect.scatter.add.f32 [tilespmem:s24], [sflag:$0x3], $0x80, s1, s22, $0xb8;
	[tilespmem:$0x1E800] =	vst v63  }
0x127: {  	_ =	swait.ge [sflag:s20], $0x4000  }
0x128: {  	s31 =	simm.s32 $0x400;
	[sflag:s20] =	ssyncset.done $0x0  }
.LBB2_6:
0x129: {  	p1 =	sne.s32 s31, $0x4800  }
0x12a: {  	[sflag:s20] =	ssyncadd.s32 $0xFFFFC000;
	s0 =	smov.u32 s31;
	s31 =	sadd.s32 $0x400, s31  }
0x12b: {  	_ = 	snop  }
0x12c: {  	_ =	swait.ge [sflag:s23], $0x4000  }
0x12d: {  	s0 =	sshra.s32 s0, $0x2;
	[sflag:s23] =	ssyncset.done $0x0  }
0x12e: {  	s1 =	sadd.s32 $0x80, s0;
	[sflag:s23] =	ssyncadd.s32 $0xFFFFC000  }
0x12f: {  	[tilespmem:s24], [sflag:$0x2] =	stream.indirect.gather [hbm4b:s5+s22], $0x80, s1, s22, $0xb8;
	[tilespmem:$0x1E800] =	vst v63  }
0x130: {  	s1 =	sadd.s32 $0x1400, s0  }
0x131: {  	[spmem:s2] =	stream.indirect.scatter.add.f32 [tilespmem:s19], [sflag:$0x3], $0x80, s1, s22, $0xb8;
	[tilespmem:$0x1E800] =	vst v63  }
0x132: {  	_ =	swait.ge [sflag:s20], $0x4000  }
0x133: {  	[sflag:s20] =	ssyncset.done $0x0  }
0x134: {  	[sflag:s20] =	ssyncadd.s32 $0xFFFFC000  }
0x135: {  	_ =	swait.ge [sflag:s25], $0x4000  }
0x136: {  	[sflag:s25] =	ssyncset.done $0x0  }
0x137: {  	s1 =	sadd.s32 $0x100, s0;
	[sflag:s25] =	ssyncadd.s32 $0xFFFFC000  }
0x138: {  	[tilespmem:s19], [sflag:$0x1] =	stream.indirect.gather [hbm4b:s5+s22], $0x80, s1, s22, $0xb8;
	[tilespmem:$0x1E800] =	vst v63  }
.Ltmp9:
0x139: {  	_ = 	snop;
	(pc) =	sbr.rel @p1 .LBB2_6-.Ltmp9, $4  }
0x13a: {  	s0 =	sadd.s32 $0x1480, s0  }
0x13b: {  	[spmem:s2] =	stream.indirect.scatter.add.f32 [tilespmem:s24], [sflag:$0x3], $0x80, s0, s22, $0xb8;
	[tilespmem:$0x1E800] =	vst v63  }
0x13c: {  	_ =	swait.ge [sflag:s20], $0x4000  }
0x13d: {  	[sflag:s20] =	ssyncset.done $0x0  }
0x13e: {  	[sflag:s20] =	ssyncadd.s32 $0xFFFFC000  }
0x13f: {  	_ =	swait.ge [sflag:s23], $0x4000  }
0x140: {  	[sflag:s23] =	ssyncset.done $0x0  }
0x141: {  	[sflag:s23] =	ssyncadd.s32 $0xFFFFC000  }
0x142: {  	[tilespmem:s24], [sflag:$0x2] =	stream.indirect.gather [hbm4b:s5+s22], $0x80, s26, s22, $0xb8;
	[tilespmem:$0x1E800] =	vst v63  }
0x143: {  	_ = 	snop  }
0x144: {  	[spmem:s2] =	stream.indirect.scatter.add.f32 [tilespmem:s19], [sflag:$0x3], $0x80, s28, s22, $0xb8;
	[tilespmem:$0x1E800] =	vst v63  }
0x145: {  	_ =	swait.ge [sflag:s20], $0x4000  }
0x146: {  	[sflag:s20] =	ssyncset.done $0x0  }
0x147: {  	[sflag:s20] =	ssyncadd.s32 $0xFFFFC000  }
.Ltmp10:
0x148: {  	_ =	swait.ge [sflag:s25], $0x4000;
	(pc) =	sbr.rel .LBB2_14-.Ltmp10, $4  }
0x149: {  	[sflag:s25] =	ssyncset.done $0x0  }
0x14a: {  	[sflag:s25] =	ssyncadd.s32 $0xFFFFC000  }
0x14b: {  	[spmem:s2] =	stream.indirect.scatter.add.f32 [tilespmem:s24], [sflag:$0x3], $0x80, s29, s22, $0xb8;
	[tilespmem:$0x1E800] =	vst v63  }
0x14c: {  	s0 =	rddreg [dreg:$0x1]  }
.LBB2_15:
0x14d: {  	_ =	sfence.sel $0x180000  }
0x14e: {  	[bflag:$0x0] =	sbarrier.arrive $0xFFFF  }
0x14f: {  	_ =	strace $0x9000004D  }
0x150: {  	[bflag:$0x2] =	sbarrier.arrive $0xFFFF  }
0x151: {  	p0 =	sne.s32 s4, $0x0;
	s0 =	rddreg [dreg:$0x3]  }
0x152: {  	s0 =	sadd.s32 @!p0 $0x100000, s0  }
0x153: {  	[sflag:s0] =	ssyncadd.tile.s32 @!p0 $0x1;
	_ =	shalt  }
.Lfunc_end2:
_tile_overlayer_lowered:
.L_overlay_start_2:
0x154: {  	(tag) =	ssettag $0x2  }
0x155: {  	s0 =	rddreg [dreg:$0x0];
	s2 =	stileid.u32  }
0x156: {  	s1 =	rddreg [dreg:$0x1];
	p0 =	sne.s32 s2, $0x0  }
0x157: {  	s3 =	rddreg [dreg:$0x2];
	[bflag:$0x3] =	sbarrier.arrive $0xFFFF;
	s2 =	simm.s32 @!p0 $0x1C03  }
0x158: {  	[timem:s3], [sflag:s2] =	dma.local @!p0 [hbm:s0], s1  }
0x159: {  	s0 =	simm.s32 @!p0 $0x3  }
0x15a: {  	_ =	swait.ge @!p0 [sflag:s0], s1  }
0x15b: {  	s1 =	ssub.s32 @!p0 $0x0, s1;
	[sflag:s0] =	ssyncset.done @!p0 $0x0  }
0x15c: {  	[sflag:s0] =	ssyncadd.s32 @!p0 s1  }
0x15d: {  	[bflag:$0x3] =	sbarrier.arrive $0xFFFF  }
0x15e: {  	_ =	shalt  }

// kernel: kernel.8.cloned.1.call-start
scs
__scs_entry_jumppad:
0x0: {  	(pc) =	sbr.rel $0x88, $3  }
0x1: {  	(tag) =	ssettag $0x0;
	lr =	simm.s32 $0x1  }
0x2: {  	[smem:$0x3F9B] =	sst lr;
	_ =	strace $0xD0000000  }
0x3: {  	_ = 	snop  }
0x4: {  	_ = 	snop  }
0x5: {  	_ = 	snop  }
0x6: {  	_ = 	snop  }
0x7: {  	_ = 	snop  }
__scs_overlays_trampoline_lowered:
0x8: {  	[smem:$0x3FAA] =	sst s0  }
0x9: {  	[smem:$0x3FAB] =	sst s1  }
0xa: {  	[smem:$0x3FAC] =	sst s2  }
0xb: {  	[smem:$0x3FAD] =	sst s3  }
0xc: {  	[smem:$0x3FAE] =	sst s4  }
0xd: {  	[smem:$0x3FAF] =	sst s5  }
0xe: {  	[smem:$0x3FB0] =	sst s6  }
0xf: {  	[smem:$0x3FB1] =	sst s7  }
0x10: {  	[smem:$0x3FB2] =	sst s8  }
0x11: {  	[smem:$0x3FB3] =	sst s9;
	s0 =	simm.s32 @!p0 $0x0  }
0x12: {  	s1 =	sld [smem:$0x3F99];
	s0 =	simm.s32 @p0 $0x1  }
0x13: {  	[smem:$0x3FB4] =	sst s0;
	s0 =	simm.s32 @!p1 $0x0  }
0x14: {  	s2 =	sld [smem:$0x3F98];
	s0 =	simm.s32 @p1 $0x1  }
0x15: {  	[smem:$0x3FB5] =	sst s0;
	s0 =	simm.s32 @!p2 $0x0  }
0x16: {  	s3 =	sld [smem:$0x3FDB];
	s0 =	simm.s32 @p2 $0x1  }
0x17: {  	s4 =	simm.s32 $0x1BF5;
	[smem:$0x3FB7] =	sst s0  }
0x18: {  	s0 =	sld [smem:$0x3F9A];
	_ =	swait.ge [sflag:s4], $0x0  }
0x19: {  	s7 =	sld [smem:$0x3F9B]  }
0x1a: {  	s8 =	sadd.s32 $0xFFFFE003, lr  }
0x1b: {  	s9 =	sadd.s32 $0xFFFFFEF7, lr;
	s5 =	simm.s32 $0xFFFFFFFF;
	p2 =	slt.u32 s8, $0xFFFFF086  }
0x1c: {  	p1 =	slt.u32 s9, $0xF7A;
	s5 =	simm.s32 @!p2 $0x0  }
0x1d: {  	s5 =	simm.s32 @p1 $0x1;
	p0 =	seq.s32 s7, s2  }
0x1e: {  	s7 =	smul.u32 @!p0 $0xF7A, s2;
	p2 =	seq.s32 @!p0 s5, $0x0  }
0x1f: {  	s9 =	smul.u32 $0xF7A, s1;
	s8 =	simm.s32 @!p0 $0x1BF5;
	p2 =	por !p2, p0  }
0x20: {  	[sflag:s8] =	ssyncset.s32 @!p0 $0xFFFFF086;
	s6 =	sadd.s32 @!p0 s3, s7;
	s7 =	simm.s32 @!p0 $0x108  }
0x21: {  	s3 =	sadd.s32 s3, s9;
	s6 =	sadd.s32 @!p0 $0x88, s6;
	s7 =	simm.s32 @p2 $0x1082  }
0x22: {  	[simem:s7], [sflag:s8] =	dma.local @!p0 [hbm:s6], $0xF7A  }
0x23: {  	s9 =	sor.u32 $0xD0000000, s2;
	s6 =	simm.s32 $0x108;
	_ =	swait.ge @!p0 [sflag:s8], $0x0  }
0x24: {  	s3 =	sadd.s32 $0x88, s3;
	s6 =	simm.s32 @!p1 $0x1082;
	[sflag:s4] =	ssyncset.s32 $0xFFFFF086  }
0x25: {  	[simem:s6], [sflag:s4] =	dma.local [hbm:s3], $0xF7A  }
0x26: {  	[smem:$0x3F9B] =	sst s1;
	(tag) =	ssettag s2;
	_ =	strace s9  }
0x27: {  	s1 =	sld [smem:$0x3FAB]  }
0x28: {  	s2 =	sld [smem:$0x3FAC]  }
0x29: {  	s4 =	sld [smem:$0x3FAE]  }
0x2a: {  	p0 =	seq.s32 s5, $0x0;
	s5 =	sld [smem:$0x3FAF]  }
0x2b: {  	s6 =	sld [smem:$0x3FB0]  }
0x2c: {  	s7 =	sld [smem:$0x3FB1]  }
0x2d: {  	s3 =	simm.s32 $0x108;
	s8 =	sld [smem:$0x3FB2]  }
0x2e: {  	s3 =	simm.s32 @!p0 $0x1082;
	s9 =	sld [smem:$0x3FB3]  }
0x2f: {  	lr =	sadd.s32 s0, s3;
	s0 =	sld [smem:$0x3FAA]  }
0x30: {  	s3 =	sld [smem:$0x3FAD]  }
0x31: {  	[smem:$0x3FB6] =	sst s10  }
0x32: {  	s10 =	sld [smem:$0x3FB4];
	_ =	sdelay $0x3  }
0x33: {  	p0 =	seq.s32 s10, $0x1;
	s10 =	sld [smem:$0x3FB6];
	_ =	sdelay $0x3  }
0x34: {  	[smem:$0x3FB6] =	sst s10  }
0x35: {  	s10 =	sld [smem:$0x3FB5];
	_ =	sdelay $0x3  }
0x36: {  	p1 =	seq.s32 s10, $0x1;
	s10 =	sld [smem:$0x3FB6];
	_ =	sdelay $0x3  }
0x37: {  	[smem:$0x3FB6] =	sst s10  }
0x38: {  	s10 =	sld [smem:$0x3FB7]  }
0x39: {  	_ = 	snop;
	(pc) =	sbr.ind lr, $3  }
0x3a: {  	_ = 	snop  }
0x3b: {  	_ = 	snop  }
0x3c: {  	p2 =	seq.s32 s10, $0x1;
	s10 =	sld [smem:$0x3FB6]  }
0x3d: {  	_ =	shalt  }
0x3e: {  	_ =	shalt  }
0x3f: {  	_ =	shalt  }
0x40: {  	_ =	shalt  }
0x41: {  	_ =	shalt  }
0x42: {  	_ =	shalt  }
0x43: {  	_ =	shalt  }
0x44: {  	_ =	shalt  }
0x45: {  	_ =	shalt  }
0x46: {  	_ =	shalt  }
0x47: {  	_ =	shalt  }
0x48: {  	_ =	shalt  }
0x49: {  	_ =	shalt  }
0x4a: {  	_ =	shalt  }
0x4b: {  	_ =	shalt  }
0x4c: {  	_ =	shalt  }
0x4d: {  	_ =	shalt  }
0x4e: {  	_ =	shalt  }
0x4f: {  	_ =	shalt  }
0x50: {  	_ =	shalt  }
0x51: {  	_ =	shalt  }
0x52: {  	_ =	shalt  }
0x53: {  	_ =	shalt  }
0x54: {  	_ =	shalt  }
0x55: {  	_ =	shalt  }
0x56: {  	_ =	shalt  }
0x57: {  	_ =	shalt  }
0x58: {  	_ =	shalt  }
0x59: {  	_ =	shalt  }
0x5a: {  	_ =	shalt  }
0x5b: {  	_ =	shalt  }
0x5c: {  	_ =	shalt  }
0x5d: {  	_ =	shalt  }
0x5e: {  	_ =	shalt  }
0x5f: {  	_ =	shalt  }
0x60: {  	_ =	shalt  }
0x61: {  	_ =	shalt  }
0x62: {  	_ =	shalt  }
0x63: {  	_ =	shalt  }
0x64: {  	_ =	shalt  }
0x65: {  	_ =	shalt  }
0x66: {  	_ =	shalt  }
0x67: {  	_ =	shalt  }
0x68: {  	_ =	shalt  }
0x69: {  	_ =	shalt  }
0x6a: {  	_ =	shalt  }
0x6b: {  	_ =	shalt  }
0x6c: {  	_ =	shalt  }
0x6d: {  	_ =	shalt  }
0x6e: {  	_ =	shalt  }
0x6f: {  	_ =	shalt  }
0x70: {  	_ =	shalt  }
0x71: {  	_ =	shalt  }
0x72: {  	_ =	shalt  }
0x73: {  	_ =	shalt  }
0x74: {  	_ =	shalt  }
0x75: {  	_ =	shalt  }
0x76: {  	_ =	shalt  }
0x77: {  	_ =	shalt  }
0x78: {  	_ =	shalt  }
0x79: {  	_ =	shalt  }
0x7a: {  	_ =	shalt  }
0x7b: {  	_ =	shalt  }
0x7c: {  	_ =	shalt  }
0x7d: {  	_ =	shalt  }
0x7e: {  	_ =	shalt  }
0x7f: {  	_ =	shalt  }
0x80: {  	_ =	shalt  }
0x81: {  	_ =	shalt  }
0x82: {  	_ =	shalt  }
0x83: {  	_ =	shalt  }
0x84: {  	_ =	shalt  }
0x85: {  	_ =	shalt  }
0x86: {  	_ =	shalt  }
0x87: {  	_ =	shalt  }
.Lfunc_end0:
.L_simem_size_0:
called_computation_lowered:
.L_overlay_start_0:
0x88: {  	s2 =	sld [smem:$0x3FD9]  }
0x89: {  	s3 =	sld [smem:$0x3FFE];
	_ =	sdelay $0x1  }
0x8a: {  	s1 =	srdreg.scid  }
0x8b: {  	s0 =	sand.u32 $0x1, s1  }
0x8c: {  	s17 =	sshll.u32 s0, $0xA;
	s2 =	sadd.s32 s3, s2  }
0x8d: {  	s2 =	sadd.s32 s2, s17  }
0x8e: {  	[smem:$0x3FC2] =	sst s2  }
0x8f: {  	_ = 	snop  }
0x90: {  	s2 =	sld [smem:$0x3FD0];
	(tm) =	ssettm $0x1  }
0x91: {  	s18 =	sld [smem:$0x3FFB];
	_ =	sdelay $0x3  }
0x92: {  	_ =	strace s18  }
0x93: {  	s3 =	sld [smem:$0x3FFC];
	_ =	sdelay $0x3  }
0x94: {  	_ =	strace s3  }
0x95: {  	s3 =	sld [smem:$0x3FFD];
	_ =	sdelay $0x3  }
0x96: {  	_ =	strace s3  }
0x97: {  	_ =	strace $0x8FFFFFFF  }
0x98: {  	s19 =	sld [smem:$0x3FDB];
	_ =	sdelay $0x1  }
0x99: {  	s4 =	simm.s32 $_scs_section_size  }
0x9a: {  	s5 =	simm.s32 $_size__tile_overlayer_lowered;
	s6 =	simm.s32 $_tile_overlayer_lowered  }
0x9b: {  	s22 =	simm.s32 $0x1BFF;
	s21 =	sshll.u32 s6, $0x1;
	s3 =	sadd.s32 s4, s19  }
0x9c: {  	s7 =	simm.s32 $0x0;
	s20 =	sshll.u32 s5, $0x1;
	s5 =	sadd.s32 s21, s3  }
0x9d: {  	[timem:s7], [sflag:s22] =	dma.local [hbm:s5], s20  }
0x9e: {  	_ =	swait.ge [sflag:s22], s20  }
0x9f: {  	s4 =	ssub.s32 $0x0, s20;
	[sflag:s22] =	ssyncset.done $0x0  }
0xa0: {  	[sflag:s22] =	ssyncadd.s32 s4;
	_ =	sdelay $0x1  }
0xa1: {  	s23 =	simm.s32 $0x1B8B  }
0xa2: {  	_ =	swait.ge [sflag:s23], $0x1  }
0xa3: {  	[sflag:s23] =	ssyncset.done $0x0  }
0xa4: {  	s25 =	simm.s32 $0x1B8E;
	s24 =	sld [smem:$0x3FFE];
	[sflag:s23] =	ssyncadd.s32 $0xFFFFFFFF  }
0xa5: {  	s26 =	simm.s32 $execute0_lowered;
	[smem:$0x3FD2] =	sst s25  }
0xa6: {  	s5 =	sshll.u32 s26, $0x1;
	_ =	strace $0x80000046;
	[dreg:$0x1] =	wrdreg $0xFFFFFFFF  }
0xa7: {  	s28 =	simm.s32 $_size_execute0_lowered;
	s3 =	sadd.s32 s3, s5;
	[dreg:$0x0] =	wrdreg $0x0  }
0xa8: {  	s5 =	sshll.u32 s28, $0x1;
	[dreg:$0x2] =	wrdreg s3  }
0xa9: {  	[dreg:$0x3] =	wrdreg s5  }
0xaa: {  	[dreg:$0x4] =	wrdreg $0xC0  }
0xab: {  	_ =	task [dreg:s7], $0x5FFFF  }
0xac: {  	[dreg:$0x1] =	wrdreg $0xFFFFFFFF  }
0xad: {  	[dreg:$0x0] =	wrdreg $0x60  }
0xae: {  	[dreg:$0x2] =	wrdreg s2  }
0xaf: {  	[dreg:$0x3] =	wrdreg s24  }
0xb0: {  	[dreg:$0x4] =	wrdreg $0x2F000  }
0xb1: {  	[dreg:$0x5] =	wrdreg $0x9  }
0xb2: {  	_ =	task.clear_ibuf [dreg:s7], $0x6FFFF;
	_ =	strace $0x90000046  }
0xb3: {  	s29 =	simm.s32 $0x9;
	_ =	strace $0x80000048  }
0xb4: {  	_ =	swait.ge [sflag:s29], $0x1  }
0xb5: {  	[sflag:s29] =	ssyncadd.s32 $0xFFFFFFFF  }
0xb6: {  	_ =	strace $0x90000048  }
0xb7: {  	_ =	sfence  }
0xb8: {  	s30 =	sld [smem:$0x0];
	_ =	sdelay $0x2  }
0xb9: {  	s31 =	sshll.u32 s1, $0xD;
	s1 =	sshrl.u32 s1, $0x2  }
0xba: {  	s3 =	sand.u32 $0x4000, s31;
	s1 =	sadd.s32 s1, s30  }
0xbb: {  	s0 =	sor.u32 s3, s0;
	s1 =	sshll.u32 s1, $0x11  }
0xbc: {  	s0 =	sor.u32 s1, s0  }
0xbd: {  	s0 =	sadd.s32 $0x8F2B, s0  }
0xbe: {  	[sflag:s0] =	ssyncadd.remote.s32 $0x1  }
0xbf: {  	_ =	sfence.sel $0xFFFF  }
0xc0: {  	[dreg:$0x0] =	wrdreg $0xFFFFFFFF;
	(pc) =	sbr.abs _section_cstart, $3  }
0xc1: {  	[dreg:$0x1] =	wrdreg $0xFFFFFFFF  }
0xc2: {  	_ =	task.clear_ibuf [dreg:s7], $0x2FFFF;
	_ =	strace $0x9FFFFFFF  }
0xc3: {  	(tm) =	ssettm $0x7FFFFFFF  }
tec
execute0_lowered:
.L_overlay_start_1:
0x0: {  	(tag) =	ssettag $0x1  }
0x1: {  	s1 =	srdreg.scid  }
0x2: {  	s1 =	sand.u32 $0x1, s1  }
0x3: {  	p0 =	seq.s32 s1, $0x1  }
.Ltmp0:
0x4: {  	s5 =	rddreg [dreg:$0x0];
	(pc) =	sbr.rel @p0 .LBB2_10-.Ltmp0, $4  }
0x5: {  	s3 =	rddreg [dreg:$0x1]  }
0x6: {  	s2 =	rddreg [dreg:$0x2];
	s4 =	simm.s32 $0x0  }
0x7: {  	[smem:$0x7FF] =	sst s4  }
0x8: {  	s0 =	rddreg [dreg:$0x3];
	_ =	strace $0x80000047;
	s1 =	stileid.u32  }
0x9: {  	s6 =	smul.u32 $0x5000, s1  }
0xa: {  	s4 =	sshrl.u32 s1, $0x3;
	s7 =	smul.u32 $0x50, s1  }
0xb: {  	s8 =	sshll.u32 s1, $0x7;
	s4 =	smul.u32 $0x50000, s4  }
0xc: {  	s8 =	sand.u32 $0x380, s8  }
0xd: {  	s6 =	sshrl.u32 s6, $0x2;
	s7 =	sadd.s32 s7, s3;
	s4 =	sshrl.u32 s4, $0x2  }
0xe: {  	s3 =	sadd.s32 s6, s2;
	s6 =	simm.s32 $0x40;
	s4 =	sadd.s32 s4, s2  }
0xf: {  	v0 =	vimm.f32 $0.0e+00;
	s2 =	sadd.s32 $0x3600, s7;
	s7 =	simm.s32 $0x0;
	s4 =	sadd.s32 s8, s4  }
.LBB2_2:
0x10: {  	p0 =	sne.s32 s6, $0x9FC0;
	[tilespmem:s7+$0x0] =	vst v0;
	s7 =	smov.u32 s6;
	s6 =	sadd.s32 $0x40, s6  }
.Ltmp1:
0x11: {  	(pc) =	sbr.rel @p0 .LBB2_2-.Ltmp1, $2  }
0x12: {  	_ =	sdelay $0x2  }
0x13: {  	s7 =	sshra.s32 s7, $0x2  }
0x14: {  	s6 =	smul.u32 $0x4E2, s1  }
0x15: {  	[tilespmem:s7+$0x0] =	vst v0;
	s7 =	simm.s32 $0x2800;
	s8 =	simm.s32 $0x1  }
0x16: {  	v0 =	vimm.f32 $1.000000000e+00;
	s9 =	simm.s32 $0x0;
	s5 =	sadd.s32 s6, s5;
	s6 =	simm.s32 $0x0  }
.LBB2_4:
0x17: {  	s10 =	sadd.s32 s9, s5  }
0x18: {  	[tilespmem:s7], [sflag:$0x1] =	stream.linear.gather [hbm4b:s10+s6], $0x190, $0x38;
	[tilespmem:$0x5700] =	vst v63  }
0x19: {  	_ =	swait.ge [sflag:s8], $0x190  }
0x1a: {  	[sflag:s8] =	ssyncset.done $0x0  }
0x1b: {  	[sflag:s8] =	ssyncadd.s32 $0xFFFFFE70  }
0x1c: {  	v1 =	vld [tilespmem:$0x2800];
	_ =	sdelay $0x7  }
0x1d: {  	[tilespmem:v1+s6+$0x0] =	vst.idx.add.f32.msk $0xffff, v0  }
0x1e: {  	v1 =	vld [tilespmem:$0x2810];
	_ =	sdelay $0x7  }
0x1f: {  	[tilespmem:v1+s6+$0x0] =	vst.idx.add.f32.msk $0xffff, v0  }
0x20: {  	v1 =	vld [tilespmem:$0x2820];
	_ =	sdelay $0x7  }
0x21: {  	[tilespmem:v1+s6+$0x0] =	vst.idx.add.f32.msk $0xffff, v0  }
0x22: {  	v1 =	vld [tilespmem:$0x2830];
	_ =	sdelay $0x7  }
0x23: {  	[tilespmem:v1+s6+$0x0] =	vst.idx.add.f32.msk $0xffff, v0  }
0x24: {  	v1 =	vld [tilespmem:$0x2840];
	_ =	sdelay $0x7  }
0x25: {  	[tilespmem:v1+s6+$0x0] =	vst.idx.add.f32.msk $0xffff, v0  }
0x26: {  	v1 =	vld [tilespmem:$0x2850];
	_ =	sdelay $0x7  }
0x27: {  	[tilespmem:v1+s6+$0x0] =	vst.idx.add.f32.msk $0xffff, v0  }
0x28: {  	v1 =	vld [tilespmem:$0x2860];
	_ =	sdelay $0x7  }
0x29: {  	[tilespmem:v1+s6+$0x0] =	vst.idx.add.f32.msk $0xffff, v0  }
0x2a: {  	v1 =	vld [tilespmem:$0x2870];
	_ =	sdelay $0x7  }
0x2b: {  	[tilespmem:v1+s6+$0x0] =	vst.idx.add.f32.msk $0xffff, v0  }
0x2c: {  	v1 =	vld [tilespmem:$0x2880];
	_ =	sdelay $0x7  }
0x2d: {  	[tilespmem:v1+s6+$0x0] =	vst.idx.add.f32.msk $0xffff, v0  }
0x2e: {  	v1 =	vld [tilespmem:$0x2890];
	_ =	sdelay $0x7  }
0x2f: {  	[tilespmem:v1+s6+$0x0] =	vst.idx.add.f32.msk $0xffff, v0  }
0x30: {  	v1 =	vld [tilespmem:$0x28A0];
	_ =	sdelay $0x7  }
0x31: {  	[tilespmem:v1+s6+$0x0] =	vst.idx.add.f32.msk $0xffff, v0  }
0x32: {  	v1 =	vld [tilespmem:$0x28B0];
	_ =	sdelay $0x7  }
0x33: {  	[tilespmem:v1+s6+$0x0] =	vst.idx.add.f32.msk $0xffff, v0  }
0x34: {  	v1 =	vld [tilespmem:$0x28C0];
	_ =	sdelay $0x7  }
0x35: {  	[tilespmem:v1+s6+$0x0] =	vst.idx.add.f32.msk $0xffff, v0  }
0x36: {  	v1 =	vld [tilespmem:$0x28D0];
	_ =	sdelay $0x7  }
0x37: {  	[tilespmem:v1+s6+$0x0] =	vst.idx.add.f32.msk $0xffff, v0  }
0x38: {  	v1 =	vld [tilespmem:$0x28E0];
	_ =	sdelay $0x7  }
0x39: {  	[tilespmem:v1+s6+$0x0] =	vst.idx.add.f32.msk $0xffff, v0  }
0x3a: {  	v1 =	vld [tilespmem:$0x28F0];
	_ =	sdelay $0x7  }
0x3b: {  	[tilespmem:v1+s6+$0x0] =	vst.idx.add.f32.msk $0xffff, v0  }
0x3c: {  	v1 =	vld [tilespmem:$0x2900];
	_ =	sdelay $0x7  }
0x3d: {  	[tilespmem:v1+s6+$0x0] =	vst.idx.add.f32.msk $0xffff, v0  }
0x3e: {  	v1 =	vld [tilespmem:$0x2910];
	_ =	sdelay $0x7  }
0x3f: {  	[tilespmem:v1+s6+$0x0] =	vst.idx.add.f32.msk $0xffff, v0  }
0x40: {  	v1 =	vld [tilespmem:$0x2920];
	_ =	sdelay $0x7  }
0x41: {  	[tilespmem:v1+s6+$0x0] =	vst.idx.add.f32.msk $0xffff, v0  }
0x42: {  	v1 =	vld [tilespmem:$0x2930];
	_ =	sdelay $0x7  }
0x43: {  	[tilespmem:v1+s6+$0x0] =	vst.idx.add.f32.msk $0xffff, v0  }
0x44: {  	v1 =	vld [tilespmem:$0x2940];
	_ =	sdelay $0x7  }
0x45: {  	[tilespmem:v1+s6+$0x0] =	vst.idx.add.f32.msk $0xffff, v0  }
0x46: {  	v1 =	vld [tilespmem:$0x2950];
	_ =	sdelay $0x7  }
0x47: {  	[tilespmem:v1+s6+$0x0] =	vst.idx.add.f32.msk $0xffff, v0  }
0x48: {  	v1 =	vld [tilespmem:$0x2960];
	_ =	sdelay $0x7  }
0x49: {  	[tilespmem:v1+s6+$0x0] =	vst.idx.add.f32.msk $0xffff, v0  }
0x4a: {  	v1 =	vld [tilespmem:$0x2970];
	_ =	sdelay $0x7  }
0x4b: {  	[tilespmem:v1+s6+$0x0] =	vst.idx.add.f32.msk $0xffff, v0  }
0x4c: {  	v1 =	vld [tilespmem:$0x2980];
	_ =	sdelay $0x2  }
0x4d: {  	p0 =	sne.s32 s9, $0x4B0  }
.Ltmp2:
0x4e: {  	_ = 	snop;
	(pc) =	sbr.rel @p0 .LBB2_4-.Ltmp2, $2  }
0x4f: {  	_ =	sdelay $0x2  }
0x50: {  	s9 =	sadd.s32 $0x32, s9;
	[tilespmem:v1+s6+$0x0] =	vst.idx.add.f32.msk $0xffff, v0  }
0x51: {  	s5 =	simm.s32 $0x80;
	s6 =	simm.s32 $0x400;
	s7 =	simm.s32 $0x0  }
0x52: {  	[spmem:s4] =	stream.strided.scatter [tilespmem:s7], [sflag:$0x1], $0x2800, s6, s5, $0x38;
	[tilespmem:$0x5700] =	vst v63  }
0x53: {  	s4 =	simm.s32 $0x1  }
0x54: {  	_ =	swait.ge [sflag:s4], $0x2800  }
0x55: {  	[sflag:s4] =	ssyncset.done $0x0  }
0x56: {  	[sflag:s4] =	ssyncadd.s32 $0xFFFFD800  }
0x57: {  	v0 =	vimm.f32 $0.0e+00;
	[bflag:$0x0] =	sbarrier.arrive $0xFFFF  }
0x58: {  	[tilespmem:$0x2A00] =	vst v0  }
0x59: {  	[tilespmem:$0x2A10] =	vst v0  }
0x5a: {  	[tilespmem:$0x2A20] =	vst v0  }
0x5b: {  	[tilespmem:$0x2A30] =	vst v0  }
0x5c: {  	[tilespmem:$0x2A40] =	vst v0  }
0x5d: {  	[tilespmem:$0x2A50] =	vst v0  }
0x5e: {  	[tilespmem:$0x2A60] =	vst v0  }
0x5f: {  	[tilespmem:$0x2A70] =	vst v0  }
0x60: {  	[tilespmem:$0x2A80] =	vst v0  }
0x61: {  	[tilespmem:$0x2A90] =	vst v0  }
0x62: {  	[tilespmem:$0x2AA0] =	vst v0  }
0x63: {  	[tilespmem:$0x2AB0] =	vst v0  }
0x64: {  	[tilespmem:$0x2AC0] =	vst v0  }
0x65: {  	[tilespmem:$0x2AD0] =	vst v0  }
0x66: {  	[tilespmem:$0x2AE0] =	vst v0  }
0x67: {  	[tilespmem:$0x2AF0] =	vst v0  }
0x68: {  	[tilespmem:$0x2B00] =	vst v0  }
0x69: {  	[tilespmem:$0x2B10] =	vst v0  }
0x6a: {  	[tilespmem:$0x2B20] =	vst v0  }
0x6b: {  	[tilespmem:$0x2B30] =	vst v0  }
0x6c: {  	[tilespmem:$0x2B40] =	vst v0  }
0x6d: {  	[tilespmem:$0x2B50] =	vst v0  }
0x6e: {  	[tilespmem:$0x2B60] =	vst v0  }
0x6f: {  	[tilespmem:$0x2B70] =	vst v0  }
0x70: {  	[tilespmem:$0x2B80] =	vst v0  }
0x71: {  	[tilespmem:$0x2B90] =	vst v0  }
0x72: {  	[tilespmem:$0x2BA0] =	vst v0  }
0x73: {  	[tilespmem:$0x2BB0] =	vst v0  }
0x74: {  	[tilespmem:$0x2BC0] =	vst v0  }
0x75: {  	[tilespmem:$0x2BD0] =	vst v0  }
0x76: {  	[tilespmem:$0x2BE0] =	vst v0  }
0x77: {  	[tilespmem:$0x2BF0] =	vst v0  }
0x78: {  	[tilespmem:$0x2C00] =	vst v0  }
0x79: {  	[tilespmem:$0x2C10] =	vst v0  }
0x7a: {  	[tilespmem:$0x2C20] =	vst v0  }
0x7b: {  	[tilespmem:$0x2C30] =	vst v0  }
0x7c: {  	[tilespmem:$0x2C40] =	vst v0  }
0x7d: {  	[tilespmem:$0x2C50] =	vst v0  }
0x7e: {  	[tilespmem:$0x2C60] =	vst v0  }
0x7f: {  	s8 =	simm.s32 $0x2C80;
	[tilespmem:$0x2C70] =	vst v0  }
.LBB2_6:
0x80: {  	s9 =	sshrl.u32 s7, $0x3  }
0x81: {  	s9 =	smul.u32 $0x50000, s9;
	_ =	sdelay $0x1  }
0x82: {  	s10 =	sshll.u32 s7, $0x7;
	s9 =	sshra.s32 s9, $0x2  }
0x83: {  	s10 =	sand.u32 $0x380, s10;
	s9 =	sadd.s32 s9, s3  }
0x84: {  	s9 =	sadd.s32 s10, s9  }
0x85: {  	[tilespmem:s8], [sflag:$0x1] =	stream.strided.gather [spmem:s9], $0x280, s6, s5, $0x38;
	[tilespmem:$0x5700] =	vst v63  }
0x86: {  	_ =	swait.ge [sflag:s4], $0x280  }
0x87: {  	[sflag:s4] =	ssyncset.done $0x0  }
0x88: {  	s9 =	simm.s32 $0x0;
	[sflag:s4] =	ssyncadd.s32 $0xFFFFFD80  }
0x89: {  	s10 =	simm.s32 $0x40;
	v0 =	vld [tilespmem:s9+$0x2C80]  }
.LBB2_7:
0x8a: {  	p0 =	sne.s32 s10, $0x9C0;
	v1 =	vld [tilespmem:s9+$0x2A00];
	_ =	sdelay $0x2  }
.Ltmp3:
0x8b: {  	(pc) =	sbr.rel @p0 .LBB2_7-.Ltmp3, $4  }
0x8c: {  	_ = 	snop  }
0x8d: {  	v1 =	vadd.f32 v0, v1  }
0x8e: {  	s11 =	sshra.s32 s10, $0x2  }
0x8f: {  	s10 =	sadd.s32 $0x40, s10;
	v0 =	vld [tilespmem:s11+$0x2C80];
	[tilespmem:s9+$0x2A00] =	vst v1;
	s9 =	smov.u32 s11  }
0x90: {  	v1 =	vld [tilespmem:s9+$0x2A00]  }
0x91: {  	s7 =	sadd.s32 $0x1, s7  }
0x92: {  	p0 =	sne.s32 s7, $0x10  }
.Ltmp4:
0x93: {  	_ = 	snop;
	(pc) =	sbr.rel @p0 .LBB2_6-.Ltmp4, $3  }
0x94: {  	_ = 	snop  }
0x95: {  	v0 =	vadd.f32 v0, v1;
	_ =	sdelay $0x1  }
0x96: {  	[tilespmem:s9+$0x2A00] =	vst v0  }
0x97: {  	s3 =	simm.s32 $0x0;
	s4 =	simm.s32 $0x2A00;
	s31 =	simm.s32 $0x1  }
0x98: {  	[hbm4b:s2+s3] =	stream.linear.scatter [tilespmem:s4], [sflag:$0x1], $0x280, $0x38;
	[tilespmem:$0x5700] =	vst v63  }
0x99: {  	_ =	swait.ge [sflag:s31], $0x280  }
0x9a: {  	[sflag:s31] =	ssyncset.done $0x0  }
0x9b: {  	[sflag:s31] =	ssyncadd.s32 $0xFFFFFD80  }
.LBB2_10:
0x9c: {  	_ =	sfence.sel $0x180000  }
0x9d: {  	[bflag:$0x0] =	sbarrier.arrive $0xFFFF  }
0x9e: {  	p0 =	sne.s32 s1, $0x0;
	_ =	strace $0x90000047  }
0x9f: {  	s0 =	sadd.s32 @!p0 $0x100000, s0;
	[bflag:$0x2] =	sbarrier.arrive $0xFFFF  }
0xa0: {  	[sflag:s0] =	ssyncadd.tile.s32 @!p0 $0x1;
	_ =	shalt  }
.Lfunc_end2:
_tile_overlayer_lowered:
.L_overlay_start_2:
0xa1: {  	(tag) =	ssettag $0x2  }
0xa2: {  	s0 =	rddreg [dreg:$0x0];
	s2 =	stileid.u32  }
0xa3: {  	s1 =	rddreg [dreg:$0x1];
	p0 =	sne.s32 s2, $0x0  }
0xa4: {  	s3 =	rddreg [dreg:$0x2];
	[bflag:$0x3] =	sbarrier.arrive $0xFFFF;
	s2 =	simm.s32 @!p0 $0x1C01  }
0xa5: {  	[timem:s3], [sflag:s2] =	dma.local @!p0 [hbm:s0], s1  }
0xa6: {  	s0 =	simm.s32 @!p0 $0x1  }
0xa7: {  	_ =	swait.ge @!p0 [sflag:s0], s1  }
0xa8: {  	s1 =	ssub.s32 @!p0 $0x0, s1;
	[sflag:s0] =	ssyncset.done @!p0 $0x0  }
0xa9: {  	[sflag:s0] =	ssyncadd.s32 @!p0 s1  }
0xaa: {  	[bflag:$0x3] =	sbarrier.arrive $0xFFFF  }
0xab: {  	_ =	shalt  }

</sc_bundles>
